<compile_context>
chip_gen: v7x
topology: tpu7x:2x2x1
jax: 0.10.2.dev20260603
libtpu: 0.0.44.dev20260713+nightly
codegen_flags: <defaults>
</compile_context>

<pallas_src>
import functools

import jax
import jax.numpy as jnp
from jax import lax
from jax.experimental import pallas as pl
from jax.experimental.pallas import tpu as pltpu
from jax.experimental.pallas import tpu_sc as plsc

_ALPHA = 0.25

_N = 100000
_C = 80
_NP = 100096
_REAL = _N * _C
_PADN = (_NP - _N) * _C
_K = max(int(0.3 * _REAL), 1)

_NH = 50048
_BLK = 2944
_NBH = _NH // _BLK

_BINS = 16384
_SHIFT = 17
_SQ = 128

_NC, _NS = 2, 16
_NW = _NC * _NS
_CCH = 128
_NCHT = _NH // _CCH
_PER_CH = -(-_NCHT // _NW)


def _loss_body(base, x_ref, t_ref, loss_ref, sum_ref):
    x = x_ref[...]
    t = t_ref[...]
    cls = lax.broadcasted_iota(jnp.int32, (_C, _BLK), 0)
    tt = jnp.where(cls == t, 1.0, 0.0)
    ax = jnp.abs(x)
    e = jnp.exp(-ax)
    opp = 1.0 + e
    l = jnp.log(opp)
    ps = jnp.where(x >= 0.0, 1.0, e) / opp
    pt = ps + tt - 2.0 * ps * tt
    aw = (1.0 - _ALPHA) + (2.0 * _ALPHA - 1.0) * tt
    bce = jnp.maximum(x, 0.0) - x * tt + l
    raw = aw * (pt * pt) * bce
    col = base + pl.program_id(0) * _BLK + lax.broadcasted_iota(
        jnp.int32, (_C, _BLK), 1)
    loss = jnp.where(col < _N, raw, 0.0)
    loss_ref[...] = loss

    @pl.when(pl.program_id(0) == 0)
    def _():
        sum_ref[...] = jnp.zeros((1, 1), jnp.float32)

    sum_ref[...] += jnp.sum(loss, keepdims=True)


def _loss_call(xt, t, half):
    off = half * _NBH
    return pl.pallas_call(
        functools.partial(_loss_body, half * _NH),
        grid=(_NBH,),
        in_specs=[
            pl.BlockSpec((_C, _BLK), lambda i: (0, i + off)),
            pl.BlockSpec((1, _BLK), lambda i: (0, i + off)),
        ],
        out_specs=[
            pl.BlockSpec((_C, _BLK), lambda i: (0, i)),
            pl.BlockSpec((1, 1), lambda i: (0, 0)),
        ],
        out_shape=[
            jax.ShapeDtypeStruct((_C, _NH), jnp.float32),
            jax.ShapeDtypeStruct((1, 1), jnp.float32),
        ],
    )(xt, t)


def _hist_body(loss_hbm, cnt_hbm, buf, hcnt, sem0, sem1):
    wid = lax.axis_index("s") * _NC + lax.axis_index("c")
    lo = jnp.minimum(wid * _PER_CH, _NCHT)
    n = jnp.minimum(lo + _PER_CH, _NCHT) - lo
    zeros = jnp.zeros((16,), jnp.float32)
    ones = jnp.ones((16,), jnp.float32)

    @plsc.parallel_loop(0, _SQ, unroll=8)
    def _(i):
        for sub in range(_SQ // 16):
            hcnt[i, pl.ds(sub * 16, 16)] = zeros

    sems = [sem0, sem1]

    def start(ci, slot):
        pltpu.async_copy(loss_hbm.at[:, pl.ds((lo + ci) * _CCH, _CCH)],
                         buf.at[slot], sems[slot])

    def wait(slot):
        pltpu.make_async_copy(loss_hbm.at[:, pl.ds(0, _CCH)], buf.at[slot],
                              sems[slot]).wait()

    def process(slot):
        @plsc.parallel_loop(0, _C, unroll=4)
        def _(r):
            for sub in range(_CCH // 16):
                v = buf[slot, r, pl.ds(sub * 16, 16)]
                idx = lax.shift_right_logical(plsc.bitcast(v, jnp.int32),
                                              _SHIFT)
                hi = lax.shift_right_logical(idx, 7)
                lo_i = lax.bitwise_and(idx, 127)
                plsc.addupdate_scatter(hcnt, [hi, lo_i], ones)

    @pl.when(n > 0)
    def _():
        start(0, 0)

    @pl.when(n > 1)
    def _():
        start(1, 1)

    def outer(g, c):
        for b in range(2):
            ci = g * 2 + b

            @pl.when(ci < n)
            def _():
                wait(b)
                process(b)

                @pl.when(ci + 2 < n)
                def _():
                    start(ci + 2, b)
        return c

    lax.fori_loop(0, (_PER_CH + 1) // 2, outer, 0)
    pltpu.sync_copy(hcnt, cnt_hbm.at[wid])


@functools.cache
def _make_hist_call():
    return functools.partial(
        pl.kernel,
        mesh=plsc.VectorSubcoreMesh(core_axis_name="c", subcore_axis_name="s"),
        out_type=jax.ShapeDtypeStruct((_NW, _SQ, _SQ), jnp.float32),
        scratch_types=[
            pltpu.VMEM((2, _C, _CCH), jnp.float32),
            pltpu.VMEM((_SQ, _SQ), jnp.float32),
            pltpu.SemaphoreType.DMA,
            pltpu.SemaphoreType.DMA,
        ],
        compiler_params=pltpu.CompilerParams(needs_layout_passes=False),
    )(_hist_body)


def _select_body(cnt_ref, cnt_ref2, tot_ref, out_ref):
    h = jnp.zeros((_SQ, _SQ), jnp.float32)
    for w in range(_NW):
        h = h + cnt_ref[w] + cnt_ref2[w]
    rows = lax.broadcasted_iota(jnp.int32, (_SQ, _SQ), 0)
    cols = lax.broadcasted_iota(jnp.int32, (_SQ, _SQ), 1)
    binid = rows * _SQ + cols
    h = h - jnp.where(binid == 0, float(_PADN), 0.0)
    rep = lax.bitcast_convert_type(binid * (1 << _SHIFT) + (1 << (_SHIFT - 1)),
                                   jnp.float32)
    s = h * rep

    hi = jax.lax.Precision.HIGHEST
    inc = jnp.where(rows <= cols, 1.0, 0.0)
    strict = jnp.where(cols < rows, 1.0, 0.0)

    def csum(m):
        prefix = jax.lax.dot(m, inc, precision=hi)
        row_tot = jnp.sum(m, axis=1, keepdims=True)
        prev = jax.lax.dot(strict, row_tot, precision=hi)
        return prefix + prev

    csum_h = csum(h)
    csum_s = csum(s)
    cnt_ge = float(_REAL) - csum_h + h
    bstar = jnp.sum((cnt_ge >= float(_K)).astype(jnp.int32)) - 1
    sel = binid == bstar
    hb = jnp.sum(jnp.where(sel, h, 0.0))
    sb = jnp.sum(jnp.where(sel, s, 0.0))
    csum_hb = jnp.sum(jnp.where(sel, csum_h, 0.0))
    csum_sb = jnp.sum(jnp.where(sel, csum_s, 0.0))
    cnt_gt = float(_REAL) - csum_hb
    sum_gt = jnp.sum(s) - csum_sb
    r = float(_K) - cnt_gt
    vb = sb / jnp.maximum(hb, 1.0)
    topk_sum = sum_gt + r * vb
    out_ref[...] = tot_ref[...] / float(_REAL) + jnp.full((1, 1), topk_sum / float(_K))


def _select_call(cnt, cnt2, tot):
    return pl.pallas_call(
        _select_body,
        out_shape=jax.ShapeDtypeStruct((1, 1), jnp.float32),
    )(cnt, cnt2, tot)


def kernel(input, target):
    xt = input.T
    t2 = target.reshape(1, _N)
    hist = _make_hist_call()
    loss1, tot1 = _loss_call(xt, t2, 0)
    cnt1 = hist(loss1)
    loss2, tot2 = _loss_call(xt, t2, 1)
    cnt2 = hist(loss2)
    res = _select_call(cnt1, cnt2, tot1 + tot2)
    return res[0, 0]

# --- scband reference (transcript-rebuilt; emitter-appended) ---
"""Pipeline reference for scband-focal-ohemloss-35064113005032 (READ-ONLY COPY).

The authoritative reference and input builder live on the scoring server;
editing this copy changes nothing except your own understanding.
"""

import jax, jax.numpy as jnp
import numpy as np

GAMMA = 2.0
ALPHA = 0.25
LOSS_WEIGHT = 1.0
TOP_RATIO = 0.3
TOP_WEIGHT = 1.0

N = 100000
C = 80


def setup_inputs(seed: int = 0) -> dict:
    key = jax.random.key(seed)
    k1, k2 = jax.random.split(key)
    x = jax.random.normal(k1, (N, C), dtype=jnp.float32)
    target = jax.random.randint(k2, (N,), 0, C + 1, dtype=jnp.int32)
    return {"input": x, "target": target}


def _sigmoid_focal_loss(pred, target_onehot):
    # mmdet py_sigmoid_focal_loss, reduction='none'
    pred_sigmoid = jax.nn.sigmoid(pred)
    t = target_onehot.astype(pred.dtype)
    pt = (1.0 - pred_sigmoid) * t + pred_sigmoid * (1.0 - t)
    focal_weight = (ALPHA * t + (1.0 - ALPHA) * (1.0 - t)) * jnp.power(pt, GAMMA)
    # binary_cross_entropy_with_logits, stable form
    bce = jnp.maximum(pred, 0.0) - pred * t + jnp.log1p(jnp.exp(-jnp.abs(pred)))
    return bce * focal_weight


def reference(input, target):
    num_classes = input.shape[1]
    # mmdet: F.one_hot(target, num_classes + 1)[:, :num_classes]; label==C is background
    onehot = jax.nn.one_hot(target, num_classes + 1, dtype=input.dtype)[:, :num_classes]
    loss = _sigmoid_focal_loss(input, onehot) * LOSS_WEIGHT  # [N, C], reduction='none'
    flat = loss.reshape(-1)
    k = max(int(TOP_RATIO * flat.shape[0]), 1)
    loss_topk, _ = jax.lax.top_k(flat, k)
    # reduction='mean': reduce_loss(loss) + top_weight * reduce_loss(loss_topk)
    return jnp.mean(flat) + TOP_WEIGHT * jnp.mean(loss_topk)

if __name__ == "__main__":
    import jax
    _d = setup_inputs()
    print(jax.jit(kernel)(*tuple(_d.values())))

</pallas_src>

<mosaic_0001>
#map = affine_map<(d0, d1) -> (0, 0)>
#map1 = affine_map<(d0, d1) -> (0, 0, 0)>
module attributes {stable_mosaic.version = 14 : i64} {
  func.func @_hist_body(%arg0: i32, %arg1: i32, %arg2: memref<80x50048xf32, #tpu.memory_space<hbm>>, %arg3: memref<32x128x128xf32, #tpu.memory_space<hbm>>, %arg4: memref<2x80x128xf32, #tpu.memory_space<vmem>>, %arg5: memref<128x128xf32, #tpu.memory_space<vmem>>, %arg6: memref<!tpu.dma_semaphore, #tpu.memory_space<semaphore_mem>>, %arg7: memref<!tpu.dma_semaphore, #tpu.memory_space<semaphore_mem>>) attributes {dimension_semantics = [#tpu.dimension_semantics<core_parallel>, #tpu.dimension_semantics<subcore_parallel>], iteration_bounds = array<i64: 2, 16>, scalar_prefetch = 0 : i64, scratch_operands = 4 : i64, tpu.core_type = #tpu.core_type<sc_vector_subcore>, window_params = [{transform_indices = #map}, {transform_indices = #map1}]} {
    %mul3A = arith.constant 2 : i32
    %mul3A_0 = arith.muli %arg1, %mul3A : i32
    %add3A = arith.addi %mul3A_0, %arg0 : i32
    %mul3A_1 = arith.constant 13 : i32
    %mul3A_2 = arith.muli %add3A, %mul3A_1 : i32
    %min3A = arith.constant 391 : i32
    %min3A_3 = arith.minsi %mul3A_2, %min3A : i32
    %add3A_4 = arith.constant 13 : i32
    %add3A_5 = arith.addi %min3A_3, %add3A_4 : i32
    %min3A_6 = arith.constant 391 : i32
    %min3A_7 = arith.minsi %add3A_5, %min3A_6 : i32
    %sub3A = arith.subi %min3A_7, %min3A_3 : i32
    %broadcast_in_dim3A = arith.constant 0.000000e+00 : f32
    %broadcast_in_dim3A_8 = vector.broadcast %broadcast_in_dim3A : f32 to vector<16xf32>
    %broadcast_in_dim3A_9 = arith.constant 1.000000e+00 : f32
    %broadcast_in_dim3A_10 = vector.broadcast %broadcast_in_dim3A_9 : f32 to vector<16xf32>
    %parallel_loop3A = arith.constant 0 : i32
    %parallel_loop3A_11 = arith.constant 128 : i32
    %parallel_loop3A_12 = arith.constant 1 : i32
    scf.for %parallel_loop3A_25 = %parallel_loop3A to %parallel_loop3A_11 step %parallel_loop3A_12  : i32 {
      %parallel_loop3A_26 = arith.index_cast %parallel_loop3A_25 : i32 to index
      %parallel_loop3A_27 = arith.constant 0 : index
      %parallel_loop3A_28 = tpu.vector_load %arg5[%parallel_loop3A_26, %parallel_loop3A_27] {strides = array<i32>} : memref<128x128xf32, #tpu.memory_space<vmem>>, vector<16xf32>,
      tpu.vector_store %arg5[%parallel_loop3A_26, %parallel_loop3A_27], %broadcast_in_dim3A_8 {strides = array<i32>} : memref<128x128xf32, #tpu.memory_space<vmem>>, vector<16xf32>,
      %parallel_loop3A_29 = arith.index_cast %parallel_loop3A_25 : i32 to index
      %parallel_loop3A_30 = arith.constant 16 : index
      %parallel_loop3A_31 = tpu.vector_load %arg5[%parallel_loop3A_29, %parallel_loop3A_30] {strides = array<i32>} : memref<128x128xf32, #tpu.memory_space<vmem>>, vector<16xf32>,
      tpu.vector_store %arg5[%parallel_loop3A_29, %parallel_loop3A_30], %broadcast_in_dim3A_8 {strides = array<i32>} : memref<128x128xf32, #tpu.memory_space<vmem>>, vector<16xf32>,
      %parallel_loop3A_32 = arith.index_cast %parallel_loop3A_25 : i32 to index
      %parallel_loop3A_33 = arith.constant 32 : index
      %parallel_loop3A_34 = tpu.vector_load %arg5[%parallel_loop3A_32, %parallel_loop3A_33] {strides = array<i32>} : memref<128x128xf32, #tpu.memory_space<vmem>>, vector<16xf32>,
      tpu.vector_store %arg5[%parallel_loop3A_32, %parallel_loop3A_33], %broadcast_in_dim3A_8 {strides = array<i32>} : memref<128x128xf32, #tpu.memory_space<vmem>>, vector<16xf32>,
      %parallel_loop3A_35 = arith.index_cast %parallel_loop3A_25 : i32 to index
      %parallel_loop3A_36 = arith.constant 48 : index
      %parallel_loop3A_37 = tpu.vector_load %arg5[%parallel_loop3A_35, %parallel_loop3A_36] {strides = array<i32>} : memref<128x128xf32, #tpu.memory_space<vmem>>, vector<16xf32>,
      tpu.vector_store %arg5[%parallel_loop3A_35, %parallel_loop3A_36], %broadcast_in_dim3A_8 {strides = array<i32>} : memref<128x128xf32, #tpu.memory_space<vmem>>, vector<16xf32>,
      %parallel_loop3A_38 = arith.index_cast %parallel_loop3A_25 : i32 to index
      %parallel_loop3A_39 = arith.constant 64 : index
      %parallel_loop3A_40 = tpu.vector_load %arg5[%parallel_loop3A_38, %parallel_loop3A_39] {strides = array<i32>} : memref<128x128xf32, #tpu.memory_space<vmem>>, vector<16xf32>,
      tpu.vector_store %arg5[%parallel_loop3A_38, %parallel_loop3A_39], %broadcast_in_dim3A_8 {strides = array<i32>} : memref<128x128xf32, #tpu.memory_space<vmem>>, vector<16xf32>,
      %parallel_loop3A_41 = arith.index_cast %parallel_loop3A_25 : i32 to index
      %parallel_loop3A_42 = arith.constant 80 : index
      %parallel_loop3A_43 = tpu.vector_load %arg5[%parallel_loop3A_41, %parallel_loop3A_42] {strides = array<i32>} : memref<128x128xf32, #tpu.memory_space<vmem>>, vector<16xf32>,
      tpu.vector_store %arg5[%parallel_loop3A_41, %parallel_loop3A_42], %broadcast_in_dim3A_8 {strides = array<i32>} : memref<128x128xf32, #tpu.memory_space<vmem>>, vector<16xf32>,
      %parallel_loop3A_44 = arith.index_cast %parallel_loop3A_25 : i32 to index
      %parallel_loop3A_45 = arith.constant 96 : index
      %parallel_loop3A_46 = tpu.vector_load %arg5[%parallel_loop3A_44, %parallel_loop3A_45] {strides = array<i32>} : memref<128x128xf32, #tpu.memory_space<vmem>>, vector<16xf32>,
      tpu.vector_store %arg5[%parallel_loop3A_44, %parallel_loop3A_45], %broadcast_in_dim3A_8 {strides = array<i32>} : memref<128x128xf32, #tpu.memory_space<vmem>>, vector<16xf32>,
      %parallel_loop3A_47 = arith.index_cast %parallel_loop3A_25 : i32 to index
      %parallel_loop3A_48 = arith.constant 112 : index
      %parallel_loop3A_49 = tpu.vector_load %arg5[%parallel_loop3A_47, %parallel_loop3A_48] {strides = array<i32>} : memref<128x128xf32, #tpu.memory_space<vmem>>, vector<16xf32>,
      tpu.vector_store %arg5[%parallel_loop3A_47, %parallel_loop3A_48], %broadcast_in_dim3A_8 {strides = array<i32>} : memref<128x128xf32, #tpu.memory_space<vmem>>, vector<16xf32>,
    } {sc.loop_unroll_factor = 8 : i64, sc.parallel_access}
    %gt3A = arith.constant 0 : i32
    %gt3A_13 = arith.cmpi sgt, %sub3A, %gt3A : i32
    %convert_element_type3A = arith.extui %gt3A_13 : i1 to i32
    %cond3A = arith.constant 0 : i32
    %cond3A_14 = arith.cmpi ne, %convert_element_type3A, %cond3A : i32
    scf.if %cond3A_14 {
      %add3A_25 = arith.constant 0 : i32
      %add3A_26 = arith.addi %min3A_3, %add3A_25 : i32
      %mul3A_27 = arith.constant 128 : i32
      %mul3A_28 = arith.muli %add3A_26, %mul3A_27 : i32
      %dma_start3A = arith.constant 0 : i32
      %dma_start3A_29 = arith.constant 0 : i32
      %dma_start3A_30 = arith.constant 0 : i32
      %dma_start3A_31 = tpu.memref_slice %arg4[%dma_start3A, %dma_start3A_29, %dma_start3A_30] : memref<2x80x128xf32, #tpu.memory_space<vmem>> -> memref<1x80x128xf32, #tpu.memory_space<vmem>>
      %dma_start3A_32 = tpu.memref_squeeze %dma_start3A_31 : memref<1x80x128xf32, #tpu.memory_space<vmem>> -> memref<80x128xf32, #tpu.memory_space<vmem>>
      %dma_start3A_33 = arith.constant 0 : i32
      %dma_start3A_34 = tpu.memref_slice %arg2[%dma_start3A_33, %mul3A_28] : memref<80x50048xf32, #tpu.memory_space<hbm>> -> memref<80x128xf32, #tpu.memory_space<hbm>>
      %dma_start3A_35 = arith.constant 0 : i32
      %dma_start3A_36 = arith.constant 0 : i32
      %dma_start3A_37 = tpu.memref_slice %arg4[%dma_start3A, %dma_start3A_35, %dma_start3A_36] : memref<2x80x128xf32, #tpu.memory_space<vmem>> -> memref<1x80x128xf32, #tpu.memory_space<vmem>>
      %dma_start3A_38 = tpu.memref_squeeze %dma_start3A_37 : memref<1x80x128xf32, #tpu.memory_space<vmem>> -> memref<80x128xf32, #tpu.memory_space<vmem>>
      %dma_start3A_39 = arith.constant 0 : i32
      %dma_start3A_40 = tpu.memref_slice %arg2[%dma_start3A_39, %mul3A_28] : memref<80x50048xf32, #tpu.memory_space<hbm>> -> memref<80x128xf32, #tpu.memory_space<hbm>>
      tpu.enqueue_dma source(%dma_start3A_40 : memref<80x128xf32, #tpu.memory_space<hbm>>) target(%dma_start3A_38 : memref<80x128xf32, #tpu.memory_space<vmem>>) target_semaphore(%arg6 : memref<!tpu.dma_semaphore, #tpu.memory_space<semaphore_mem>>)
    } else {
    }
    %gt3A_15 = arith.constant 1 : i32
    %gt3A_16 = arith.cmpi sgt, %sub3A, %gt3A_15 : i32
    %convert_element_type3A_17 = arith.extui %gt3A_16 : i1 to i32
    %cond3A_18 = arith.constant 0 : i32
    %cond3A_19 = arith.cmpi ne, %convert_element_type3A_17, %cond3A_18 : i32
    scf.if %cond3A_19 {
      %add3A_25 = arith.constant 1 : i32
      %add3A_26 = arith.addi %min3A_3, %add3A_25 : i32
      %mul3A_27 = arith.constant 128 : i32
      %mul3A_28 = arith.muli %add3A_26, %mul3A_27 : i32
      %dma_start3A = arith.constant 1 : i32
      %dma_start3A_29 = arith.constant 0 : i32
      %dma_start3A_30 = arith.constant 0 : i32
      %dma_start3A_31 = tpu.memref_slice %arg4[%dma_start3A, %dma_start3A_29, %dma_start3A_30] : memref<2x80x128xf32, #tpu.memory_space<vmem>> -> memref<1x80x128xf32, #tpu.memory_space<vmem>>
      %dma_start3A_32 = tpu.memref_squeeze %dma_start3A_31 : memref<1x80x128xf32, #tpu.memory_space<vmem>> -> memref<80x128xf32, #tpu.memory_space<vmem>>
      %dma_start3A_33 = arith.constant 0 : i32
      %dma_start3A_34 = tpu.memref_slice %arg2[%dma_start3A_33, %mul3A_28] : memref<80x50048xf32, #tpu.memory_space<hbm>> -> memref<80x128xf32, #tpu.memory_space<hbm>>
      %dma_start3A_35 = arith.constant 0 : i32
      %dma_start3A_36 = arith.constant 0 : i32
      %dma_start3A_37 = tpu.memref_slice %arg4[%dma_start3A, %dma_start3A_35, %dma_start3A_36] : memref<2x80x128xf32, #tpu.memory_space<vmem>> -> memref<1x80x128xf32, #tpu.memory_space<vmem>>
      %dma_start3A_38 = tpu.memref_squeeze %dma_start3A_37 : memref<1x80x128xf32, #tpu.memory_space<vmem>> -> memref<80x128xf32, #tpu.memory_space<vmem>>
      %dma_start3A_39 = arith.constant 0 : i32
      %dma_start3A_40 = tpu.memref_slice %arg2[%dma_start3A_39, %mul3A_28] : memref<80x50048xf32, #tpu.memory_space<hbm>> -> memref<80x128xf32, #tpu.memory_space<hbm>>
      tpu.enqueue_dma source(%dma_start3A_40 : memref<80x128xf32, #tpu.memory_space<hbm>>) target(%dma_start3A_38 : memref<80x128xf32, #tpu.memory_space<vmem>>) target_semaphore(%arg7 : memref<!tpu.dma_semaphore, #tpu.memory_space<semaphore_mem>>)
    } else {
    }
    %scan3A = arith.constant 0 : i32
    %scan3A_20 = arith.constant 0 : i32
    %scan3A_21 = arith.constant 7 : i32
    %scan3A_22 = arith.addi %scan3A_20, %scan3A_21 : i32
    %scan3A_23 = arith.constant 1 : i32
    scf.for %scan3A_25 = %scan3A_20 to %scan3A_22 step %scan3A_23  : i32 {
      %mul3A_26 = arith.constant 2 : i32
      %mul3A_27 = arith.muli %scan3A_25, %mul3A_26 : i32
      %add3A_28 = arith.constant 0 : i32
      %add3A_29 = arith.addi %mul3A_27, %add3A_28 : i32
      %lt3A = arith.cmpi slt, %add3A_29, %sub3A : i32
      %convert_element_type3A_30 = arith.extui %lt3A : i1 to i32
      %cond3A_31 = arith.constant 0 : i32
      %cond3A_32 = arith.cmpi ne, %convert_element_type3A_30, %cond3A_31 : i32
      scf.if %cond3A_32 {
        %dma_wait3A = arith.constant 0 : i32
        %dma_wait3A_41 = arith.constant 0 : i32
        %dma_wait3A_42 = arith.constant 0 : i32
        %dma_wait3A_43 = tpu.memref_slice %arg4[%dma_wait3A, %dma_wait3A_41, %dma_wait3A_42] : memref<2x80x128xf32, #tpu.memory_space<vmem>> -> memref<1x80x128xf32, #tpu.memory_space<vmem>>
        %dma_wait3A_44 = tpu.memref_squeeze %dma_wait3A_43 : memref<1x80x128xf32, #tpu.memory_space<vmem>> -> memref<80x128xf32, #tpu.memory_space<vmem>>
        %dma_wait3A_45 = arith.constant 0 : i32
        %dma_wait3A_46 = arith.constant 0 : i32
        %dma_wait3A_47 = tpu.memref_slice %arg2[%dma_wait3A_45, %dma_wait3A_46] : memref<80x50048xf32, #tpu.memory_space<hbm>> -> memref<80x128xf32, #tpu.memory_space<hbm>>
        %dma_wait3A_48 = arith.constant 0 : i32
        %dma_wait3A_49 = arith.constant 0 : i32
        %dma_wait3A_50 = tpu.memref_slice %arg4[%dma_wait3A, %dma_wait3A_48, %dma_wait3A_49] : memref<2x80x128xf32, #tpu.memory_space<vmem>> -> memref<1x80x128xf32, #tpu.memory_space<vmem>>
        %dma_wait3A_51 = tpu.memref_squeeze %dma_wait3A_50 : memref<1x80x128xf32, #tpu.memory_space<vmem>> -> memref<80x128xf32, #tpu.memory_space<vmem>>
        %dma_wait3A_52 = arith.constant 0 : i32
        %dma_wait3A_53 = arith.constant 0 : i32
        %dma_wait3A_54 = tpu.memref_slice %arg2[%dma_wait3A_52, %dma_wait3A_53] : memref<80x50048xf32, #tpu.memory_space<hbm>> -> memref<80x128xf32, #tpu.memory_space<hbm>>
        tpu.wait_dma2 semaphore(%arg6 : memref<!tpu.dma_semaphore, #tpu.memory_space<semaphore_mem>>) src(%dma_wait3A_54 : memref<80x128xf32, #tpu.memory_space<hbm>>) dst(%dma_wait3A_51 : memref<80x128xf32, #tpu.memory_space<vmem>>)
        %parallel_loop3A_55 = arith.constant 0 : i32
        %parallel_loop3A_56 = arith.constant 80 : i32
        %parallel_loop3A_57 = arith.constant 1 : i32
        scf.for %parallel_loop3A_64 = %parallel_loop3A_55 to %parallel_loop3A_56 step %parallel_loop3A_57  : i32 {
          %parallel_loop3A_65 = arith.constant 0 : i32
          %parallel_loop3A_66 = arith.index_cast %parallel_loop3A_65 : i32 to index
          %parallel_loop3A_67 = arith.index_cast %parallel_loop3A_64 : i32 to index
          %parallel_loop3A_68 = arith.constant 0 : index
          %parallel_loop3A_69 = tpu.vector_load %arg4[%parallel_loop3A_66, %parallel_loop3A_67, %parallel_loop3A_68] {strides = array<i32>} : memref<2x80x128xf32, #tpu.memory_space<vmem>>, vector<16xf32>,
          %parallel_loop3A_70 = vector.bitcast %parallel_loop3A_69 : vector<16xf32> to vector<16xi32>
          %parallel_loop3A_71 = arith.constant 17 : i32
          %parallel_loop3A_72 = vector.broadcast %parallel_loop3A_71 : i32 to vector<16xi32>
          %parallel_loop3A_73 = arith.shrui %parallel_loop3A_70, %parallel_loop3A_72 : vector<16xi32>
          %parallel_loop3A_74 = arith.constant 7 : i32
          %parallel_loop3A_75 = vector.broadcast %parallel_loop3A_74 : i32 to vector<16xi32>
          %parallel_loop3A_76 = arith.shrui %parallel_loop3A_73, %parallel_loop3A_75 : vector<16xi32>
          %parallel_loop3A_77 = arith.constant 127 : i32
          %parallel_loop3A_78 = vector.broadcast %parallel_loop3A_77 : i32 to vector<16xi32>
          %parallel_loop3A_79 = arith.andi %parallel_loop3A_73, %parallel_loop3A_78 : vector<16xi32>
          tpu.vector_store_idx %arg5[%parallel_loop3A_76, %parallel_loop3A_79], %broadcast_in_dim3A_10 {add = true} : memref<128x128xf32, #tpu.memory_space<vmem>>[vector<16xi32>, vector<16xi32>], vector<16xf32>,
          %parallel_loop3A_80 = arith.constant 0 : i32
          %parallel_loop3A_81 = arith.index_cast %parallel_loop3A_80 : i32 to index
          %parallel_loop3A_82 = arith.index_cast %parallel_loop3A_64 : i32 to index
          %parallel_loop3A_83 = arith.constant 16 : index
          %parallel_loop3A_84 = tpu.vector_load %arg4[%parallel_loop3A_81, %parallel_loop3A_82, %parallel_loop3A_83] {strides = array<i32>} : memref<2x80x128xf32, #tpu.memory_space<vmem>>, vector<16xf32>,
          %parallel_loop3A_85 = vector.bitcast %parallel_loop3A_84 : vector<16xf32> to vector<16xi32>
          %parallel_loop3A_86 = arith.constant 17 : i32
          %parallel_loop3A_87 = vector.broadcast %parallel_loop3A_86 : i32 to vector<16xi32>
          %parallel_loop3A_88 = arith.shrui %parallel_loop3A_85, %parallel_loop3A_87 : vector<16xi32>
          %parallel_loop3A_89 = arith.constant 7 : i32
          %parallel_loop3A_90 = vector.broadcast %parallel_loop3A_89 : i32 to vector<16xi32>
          %parallel_loop3A_91 = arith.shrui %parallel_loop3A_88, %parallel_loop3A_90 : vector<16xi32>
          %parallel_loop3A_92 = arith.constant 127 : i32
          %parallel_loop3A_93 = vector.broadcast %parallel_loop3A_92 : i32 to vector<16xi32>
          %parallel_loop3A_94 = arith.andi %parallel_loop3A_88, %parallel_loop3A_93 : vector<16xi32>
          tpu.vector_store_idx %arg5[%parallel_loop3A_91, %parallel_loop3A_94], %broadcast_in_dim3A_10 {add = true} : memref<128x128xf32, #tpu.memory_space<vmem>>[vector<16xi32>, vector<16xi32>], vector<16xf32>,
          %parallel_loop3A_95 = arith.constant 0 : i32
          %parallel_loop3A_96 = arith.index_cast %parallel_loop3A_95 : i32 to index
          %parallel_loop3A_97 = arith.index_cast %parallel_loop3A_64 : i32 to index
          %parallel_loop3A_98 = arith.constant 32 : index
          %parallel_loop3A_99 = tpu.vector_load %arg4[%parallel_loop3A_96, %parallel_loop3A_97, %parallel_loop3A_98] {strides = array<i32>} : memref<2x80x128xf32, #tpu.memory_space<vmem>>, vector<16xf32>,
          %parallel_loop3A_100 = vector.bitcast %parallel_loop3A_99 : vector<16xf32> to vector<16xi32>
          %parallel_loop3A_101 = arith.constant 17 : i32
          %parallel_loop3A_102 = vector.broadcast %parallel_loop3A_101 : i32 to vector<16xi32>
          %parallel_loop3A_103 = arith.shrui %parallel_loop3A_100, %parallel_loop3A_102 : vector<16xi32>
          %parallel_loop3A_104 = arith.constant 7 : i32
          %parallel_loop3A_105 = vector.broadcast %parallel_loop3A_104 : i32 to vector<16xi32>
          %parallel_loop3A_106 = arith.shrui %parallel_loop3A_103, %parallel_loop3A_105 : vector<16xi32>
          %parallel_loop3A_107 = arith.constant 127 : i32
          %parallel_loop3A_108 = vector.broadcast %parallel_loop3A_107 : i32 to vector<16xi32>
          %parallel_loop3A_109 = arith.andi %parallel_loop3A_103, %parallel_loop3A_108 : vector<16xi32>
          tpu.vector_store_idx %arg5[%parallel_loop3A_106, %parallel_loop3A_109], %broadcast_in_dim3A_10 {add = true} : memref<128x128xf32, #tpu.memory_space<vmem>>[vector<16xi32>, vector<16xi32>], vector<16xf32>,
          %parallel_loop3A_110 = arith.constant 0 : i32
          %parallel_loop3A_111 = arith.index_cast %parallel_loop3A_110 : i32 to index
          %parallel_loop3A_112 = arith.index_cast %parallel_loop3A_64 : i32 to index
          %parallel_loop3A_113 = arith.constant 48 : index
          %parallel_loop3A_114 = tpu.vector_load %arg4[%parallel_loop3A_111, %parallel_loop3A_112, %parallel_loop3A_113] {strides = array<i32>} : memref<2x80x128xf32, #tpu.memory_space<vmem>>, vector<16xf32>,
          %parallel_loop3A_115 = vector.bitcast %parallel_loop3A_114 : vector<16xf32> to vector<16xi32>
          %parallel_loop3A_116 = arith.constant 17 : i32
          %parallel_loop3A_117 = vector.broadcast %parallel_loop3A_116 : i32 to vector<16xi32>
          %parallel_loop3A_118 = arith.shrui %parallel_loop3A_115, %parallel_loop3A_117 : vector<16xi32>
          %parallel_loop3A_119 = arith.constant 7 : i32
          %parallel_loop3A_120 = vector.broadcast %parallel_loop3A_119 : i32 to vector<16xi32>
          %parallel_loop3A_121 = arith.shrui %parallel_loop3A_118, %parallel_loop3A_120 : vector<16xi32>
          %parallel_loop3A_122 = arith.constant 127 : i32
          %parallel_loop3A_123 = vector.broadcast %parallel_loop3A_122 : i32 to vector<16xi32>
          %parallel_loop3A_124 = arith.andi %parallel_loop3A_118, %parallel_loop3A_123 : vector<16xi32>
          tpu.vector_store_idx %arg5[%parallel_loop3A_121, %parallel_loop3A_124], %broadcast_in_dim3A_10 {add = true} : memref<128x128xf32, #tpu.memory_space<vmem>>[vector<16xi32>, vector<16xi32>], vector<16xf32>,
          %parallel_loop3A_125 = arith.constant 0 : i32
          %parallel_loop3A_126 = arith.index_cast %parallel_loop3A_125 : i32 to index
          %parallel_loop3A_127 = arith.index_cast %parallel_loop3A_64 : i32 to index
          %parallel_loop3A_128 = arith.constant 64 : index
          %parallel_loop3A_129 = tpu.vector_load %arg4[%parallel_loop3A_126, %parallel_loop3A_127, %parallel_loop3A_128] {strides = array<i32>} : memref<2x80x128xf32, #tpu.memory_space<vmem>>, vector<16xf32>,
          %parallel_loop3A_130 = vector.bitcast %parallel_loop3A_129 : vector<16xf32> to vector<16xi32>
          %parallel_loop3A_131 = arith.constant 17 : i32
          %parallel_loop3A_132 = vector.broadcast %parallel_loop3A_131 : i32 to vector<16xi32>
          %parallel_loop3A_133 = arith.shrui %parallel_loop3A_130, %parallel_loop3A_132 : vector<16xi32>
          %parallel_loop3A_134 = arith.constant 7 : i32
          %parallel_loop3A_135 = vector.broadcast %parallel_loop3A_134 : i32 to vector<16xi32>
          %parallel_loop3A_136 = arith.shrui %parallel_loop3A_133, %parallel_loop3A_135 : vector<16xi32>
          %parallel_loop3A_137 = arith.constant 127 : i32
          %parallel_loop3A_138 = vector.broadcast %parallel_loop3A_137 : i32 to vector<16xi32>
          %parallel_loop3A_139 = arith.andi %parallel_loop3A_133, %parallel_loop3A_138 : vector<16xi32>
          tpu.vector_store_idx %arg5[%parallel_loop3A_136, %parallel_loop3A_139], %broadcast_in_dim3A_10 {add = true} : memref<128x128xf32, #tpu.memory_space<vmem>>[vector<16xi32>, vector<16xi32>], vector<16xf32>,
          %parallel_loop3A_140 = arith.constant 0 : i32
          %parallel_loop3A_141 = arith.index_cast %parallel_loop3A_140 : i32 to index
          %parallel_loop3A_142 = arith.index_cast %parallel_loop3A_64 : i32 to index
          %parallel_loop3A_143 = arith.constant 80 : index
          %parallel_loop3A_144 = tpu.vector_load %arg4[%parallel_loop3A_141, %parallel_loop3A_142, %parallel_loop3A_143] {strides = array<i32>} : memref<2x80x128xf32, #tpu.memory_space<vmem>>, vector<16xf32>,
          %parallel_loop3A_145 = vector.bitcast %parallel_loop3A_144 : vector<16xf32> to vector<16xi32>
          %parallel_loop3A_146 = arith.constant 17 : i32
          %parallel_loop3A_147 = vector.broadcast %parallel_loop3A_146 : i32 to vector<16xi32>
          %parallel_loop3A_148 = arith.shrui %parallel_loop3A_145, %parallel_loop3A_147 : vector<16xi32>
          %parallel_loop3A_149 = arith.constant 7 : i32
          %parallel_loop3A_150 = vector.broadcast %parallel_loop3A_149 : i32 to vector<16xi32>
          %parallel_loop3A_151 = arith.shrui %parallel_loop3A_148, %parallel_loop3A_150 : vector<16xi32>
          %parallel_loop3A_152 = arith.constant 127 : i32
          %parallel_loop3A_153 = vector.broadcast %parallel_loop3A_152 : i32 to vector<16xi32>
          %parallel_loop3A_154 = arith.andi %parallel_loop3A_148, %parallel_loop3A_153 : vector<16xi32>
          tpu.vector_store_idx %arg5[%parallel_loop3A_151, %parallel_loop3A_154], %broadcast_in_dim3A_10 {add = true} : memref<128x128xf32, #tpu.memory_space<vmem>>[vector<16xi32>, vector<16xi32>], vector<16xf32>,
          %parallel_loop3A_155 = arith.constant 0 : i32
          %parallel_loop3A_156 = arith.index_cast %parallel_loop3A_155 : i32 to index
          %parallel_loop3A_157 = arith.index_cast %parallel_loop3A_64 : i32 to index
          %parallel_loop3A_158 = arith.constant 96 : index
          %parallel_loop3A_159 = tpu.vector_load %arg4[%parallel_loop3A_156, %parallel_loop3A_157, %parallel_loop3A_158] {strides = array<i32>} : memref<2x80x128xf32, #tpu.memory_space<vmem>>, vector<16xf32>,
          %parallel_loop3A_160 = vector.bitcast %parallel_loop3A_159 : vector<16xf32> to vector<16xi32>
          %parallel_loop3A_161 = arith.constant 17 : i32
          %parallel_loop3A_162 = vector.broadcast %parallel_loop3A_161 : i32 to vector<16xi32>
          %parallel_loop3A_163 = arith.shrui %parallel_loop3A_160, %parallel_loop3A_162 : vector<16xi32>
          %parallel_loop3A_164 = arith.constant 7 : i32
          %parallel_loop3A_165 = vector.broadcast %parallel_loop3A_164 : i32 to vector<16xi32>
          %parallel_loop3A_166 = arith.shrui %parallel_loop3A_163, %parallel_loop3A_165 : vector<16xi32>
          %parallel_loop3A_167 = arith.constant 127 : i32
          %parallel_loop3A_168 = vector.broadcast %parallel_loop3A_167 : i32 to vector<16xi32>
          %parallel_loop3A_169 = arith.andi %parallel_loop3A_163, %parallel_loop3A_168 : vector<16xi32>
          tpu.vector_store_idx %arg5[%parallel_loop3A_166, %parallel_loop3A_169], %broadcast_in_dim3A_10 {add = true} : memref<128x128xf32, #tpu.memory_space<vmem>>[vector<16xi32>, vector<16xi32>], vector<16xf32>,
          %parallel_loop3A_170 = arith.constant 0 : i32
          %parallel_loop3A_171 = arith.index_cast %parallel_loop3A_170 : i32 to index
          %parallel_loop3A_172 = arith.index_cast %parallel_loop3A_64 : i32 to index
          %parallel_loop3A_173 = arith.constant 112 : index
          %parallel_loop3A_174 = tpu.vector_load %arg4[%parallel_loop3A_171, %parallel_loop3A_172, %parallel_loop3A_173] {strides = array<i32>} : memref<2x80x128xf32, #tpu.memory_space<vmem>>, vector<16xf32>,
          %parallel_loop3A_175 = vector.bitcast %parallel_loop3A_174 : vector<16xf32> to vector<16xi32>
          %parallel_loop3A_176 = arith.constant 17 : i32
          %parallel_loop3A_177 = vector.broadcast %parallel_loop3A_176 : i32 to vector<16xi32>
          %parallel_loop3A_178 = arith.shrui %parallel_loop3A_175, %parallel_loop3A_177 : vector<16xi32>
          %parallel_loop3A_179 = arith.constant 7 : i32
          %parallel_loop3A_180 = vector.broadcast %parallel_loop3A_179 : i32 to vector<16xi32>
          %parallel_loop3A_181 = arith.shrui %parallel_loop3A_178, %parallel_loop3A_180 : vector<16xi32>
          %parallel_loop3A_182 = arith.constant 127 : i32
          %parallel_loop3A_183 = vector.broadcast %parallel_loop3A_182 : i32 to vector<16xi32>
          %parallel_loop3A_184 = arith.andi %parallel_loop3A_178, %parallel_loop3A_183 : vector<16xi32>
          tpu.vector_store_idx %arg5[%parallel_loop3A_181, %parallel_loop3A_184], %broadcast_in_dim3A_10 {add = true} : memref<128x128xf32, #tpu.memory_space<vmem>>[vector<16xi32>, vector<16xi32>], vector<16xf32>,
        } {sc.loop_unroll_factor = 4 : i64, sc.parallel_access}
        %add3A_58 = arith.constant 2 : i32
        %add3A_59 = arith.addi %add3A_29, %add3A_58 : i32
        %lt3A_60 = arith.cmpi slt, %add3A_59, %sub3A : i32
        %convert_element_type3A_61 = arith.extui %lt3A_60 : i1 to i32
        %cond3A_62 = arith.constant 0 : i32
        %cond3A_63 = arith.cmpi ne, %convert_element_type3A_61, %cond3A_62 : i32
        scf.if %cond3A_63 {
          %add3A_64 = arith.constant 2 : i32
          %add3A_65 = arith.addi %add3A_29, %add3A_64 : i32
          %add3A_66 = arith.addi %min3A_3, %add3A_65 : i32
          %mul3A_67 = arith.constant 128 : i32
          %mul3A_68 = arith.muli %add3A_66, %mul3A_67 : i32
          %dma_start3A = arith.constant 0 : i32
          %dma_start3A_69 = arith.constant 0 : i32
          %dma_start3A_70 = arith.constant 0 : i32
          %dma_start3A_71 = tpu.memref_slice %arg4[%dma_start3A, %dma_start3A_69, %dma_start3A_70] : memref<2x80x128xf32, #tpu.memory_space<vmem>> -> memref<1x80x128xf32, #tpu.memory_space<vmem>>
          %dma_start3A_72 = tpu.memref_squeeze %dma_start3A_71 : memref<1x80x128xf32, #tpu.memory_space<vmem>> -> memref<80x128xf32, #tpu.memory_space<vmem>>
          %dma_start3A_73 = arith.constant 0 : i32
          %dma_start3A_74 = tpu.memref_slice %arg2[%dma_start3A_73, %mul3A_68] : memref<80x50048xf32, #tpu.memory_space<hbm>> -> memref<80x128xf32, #tpu.memory_space<hbm>>
          %dma_start3A_75 = arith.constant 0 : i32
          %dma_start3A_76 = arith.constant 0 : i32
          %dma_start3A_77 = tpu.memref_slice %arg4[%dma_start3A, %dma_start3A_75, %dma_start3A_76] : memref<2x80x128xf32, #tpu.memory_space<vmem>> -> memref<1x80x128xf32, #tpu.memory_space<vmem>>
          %dma_start3A_78 = tpu.memref_squeeze %dma_start3A_77 : memref<1x80x128xf32, #tpu.memory_space<vmem>> -> memref<80x128xf32, #tpu.memory_space<vmem>>
          %dma_start3A_79 = arith.constant 0 : i32
          %dma_start3A_80 = tpu.memref_slice %arg2[%dma_start3A_79, %mul3A_68] : memref<80x50048xf32, #tpu.memory_space<hbm>> -> memref<80x128xf32, #tpu.memory_space<hbm>>
          tpu.enqueue_dma source(%dma_start3A_80 : memref<80x128xf32, #tpu.memory_space<hbm>>) target(%dma_start3A_78 : memref<80x128xf32, #tpu.memory_space<vmem>>) target_semaphore(%arg6 : memref<!tpu.dma_semaphore, #tpu.memory_space<semaphore_mem>>)
        } else {
        }
      } else {
      }
      %mul3A_33 = arith.constant 2 : i32
      %mul3A_34 = arith.muli %scan3A_25, %mul3A_33 : i32
      %add3A_35 = arith.constant 1 : i32
      %add3A_36 = arith.addi %mul3A_34, %add3A_35 : i32
      %lt3A_37 = arith.cmpi slt, %add3A_36, %sub3A : i32
      %convert_element_type3A_38 = arith.extui %lt3A_37 : i1 to i32
      %cond3A_39 = arith.constant 0 : i32
      %cond3A_40 = arith.cmpi ne, %convert_element_type3A_38, %cond3A_39 : i32
      scf.if %cond3A_40 {
        %dma_wait3A = arith.constant 1 : i32
        %dma_wait3A_41 = arith.constant 0 : i32
        %dma_wait3A_42 = arith.constant 0 : i32
        %dma_wait3A_43 = tpu.memref_slice %arg4[%dma_wait3A, %dma_wait3A_41, %dma_wait3A_42] : memref<2x80x128xf32, #tpu.memory_space<vmem>> -> memref<1x80x128xf32, #tpu.memory_space<vmem>>
        %dma_wait3A_44 = tpu.memref_squeeze %dma_wait3A_43 : memref<1x80x128xf32, #tpu.memory_space<vmem>> -> memref<80x128xf32, #tpu.memory_space<vmem>>
        %dma_wait3A_45 = arith.constant 0 : i32
        %dma_wait3A_46 = arith.constant 0 : i32
        %dma_wait3A_47 = tpu.memref_slice %arg2[%dma_wait3A_45, %dma_wait3A_46] : memref<80x50048xf32, #tpu.memory_space<hbm>> -> memref<80x128xf32, #tpu.memory_space<hbm>>
        %dma_wait3A_48 = arith.constant 0 : i32
        %dma_wait3A_49 = arith.constant 0 : i32
        %dma_wait3A_50 = tpu.memref_slice %arg4[%dma_wait3A, %dma_wait3A_48, %dma_wait3A_49] : memref<2x80x128xf32, #tpu.memory_space<vmem>> -> memref<1x80x128xf32, #tpu.memory_space<vmem>>
        %dma_wait3A_51 = tpu.memref_squeeze %dma_wait3A_50 : memref<1x80x128xf32, #tpu.memory_space<vmem>> -> memref<80x128xf32, #tpu.memory_space<vmem>>
        %dma_wait3A_52 = arith.constant 0 : i32
        %dma_wait3A_53 = arith.constant 0 : i32
        %dma_wait3A_54 = tpu.memref_slice %arg2[%dma_wait3A_52, %dma_wait3A_53] : memref<80x50048xf32, #tpu.memory_space<hbm>> -> memref<80x128xf32, #tpu.memory_space<hbm>>
        tpu.wait_dma2 semaphore(%arg7 : memref<!tpu.dma_semaphore, #tpu.memory_space<semaphore_mem>>) src(%dma_wait3A_54 : memref<80x128xf32, #tpu.memory_space<hbm>>) dst(%dma_wait3A_51 : memref<80x128xf32, #tpu.memory_space<vmem>>)
        %parallel_loop3A_55 = arith.constant 0 : i32
        %parallel_loop3A_56 = arith.constant 80 : i32
        %parallel_loop3A_57 = arith.constant 1 : i32
        scf.for %parallel_loop3A_64 = %parallel_loop3A_55 to %parallel_loop3A_56 step %parallel_loop3A_57  : i32 {
          %parallel_loop3A_65 = arith.constant 1 : i32
          %parallel_loop3A_66 = arith.index_cast %parallel_loop3A_65 : i32 to index
          %parallel_loop3A_67 = arith.index_cast %parallel_loop3A_64 : i32 to index
          %parallel_loop3A_68 = arith.constant 0 : index
          %parallel_loop3A_69 = tpu.vector_load %arg4[%parallel_loop3A_66, %parallel_loop3A_67, %parallel_loop3A_68] {strides = array<i32>} : memref<2x80x128xf32, #tpu.memory_space<vmem>>, vector<16xf32>,
          %parallel_loop3A_70 = vector.bitcast %parallel_loop3A_69 : vector<16xf32> to vector<16xi32>
          %parallel_loop3A_71 = arith.constant 17 : i32
          %parallel_loop3A_72 = vector.broadcast %parallel_loop3A_71 : i32 to vector<16xi32>
          %parallel_loop3A_73 = arith.shrui %parallel_loop3A_70, %parallel_loop3A_72 : vector<16xi32>
          %parallel_loop3A_74 = arith.constant 7 : i32
          %parallel_loop3A_75 = vector.broadcast %parallel_loop3A_74 : i32 to vector<16xi32>
          %parallel_loop3A_76 = arith.shrui %parallel_loop3A_73, %parallel_loop3A_75 : vector<16xi32>
          %parallel_loop3A_77 = arith.constant 127 : i32
          %parallel_loop3A_78 = vector.broadcast %parallel_loop3A_77 : i32 to vector<16xi32>
          %parallel_loop3A_79 = arith.andi %parallel_loop3A_73, %parallel_loop3A_78 : vector<16xi32>
          tpu.vector_store_idx %arg5[%parallel_loop3A_76, %parallel_loop3A_79], %broadcast_in_dim3A_10 {add = true} : memref<128x128xf32, #tpu.memory_space<vmem>>[vector<16xi32>, vector<16xi32>], vector<16xf32>,
          %parallel_loop3A_80 = arith.constant 1 : i32
          %parallel_loop3A_81 = arith.index_cast %parallel_loop3A_80 : i32 to index
          %parallel_loop3A_82 = arith.index_cast %parallel_loop3A_64 : i32 to index
          %parallel_loop3A_83 = arith.constant 16 : index
          %parallel_loop3A_84 = tpu.vector_load %arg4[%parallel_loop3A_81, %parallel_loop3A_82, %parallel_loop3A_83] {strides = array<i32>} : memref<2x80x128xf32, #tpu.memory_space<vmem>>, vector<16xf32>,
          %parallel_loop3A_85 = vector.bitcast %parallel_loop3A_84 : vector<16xf32> to vector<16xi32>
          %parallel_loop3A_86 = arith.constant 17 : i32
          %parallel_loop3A_87 = vector.broadcast %parallel_loop3A_86 : i32 to vector<16xi32>
          %parallel_loop3A_88 = arith.shrui %parallel_loop3A_85, %parallel_loop3A_87 : vector<16xi32>
          %parallel_loop3A_89 = arith.constant 7 : i32
          %parallel_loop3A_90 = vector.broadcast %parallel_loop3A_89 : i32 to vector<16xi32>
          %parallel_loop3A_91 = arith.shrui %parallel_loop3A_88, %parallel_loop3A_90 : vector<16xi32>
          %parallel_loop3A_92 = arith.constant 127 : i32
          %parallel_loop3A_93 = vector.broadcast %parallel_loop3A_92 : i32 to vector<16xi32>
          %parallel_loop3A_94 = arith.andi %parallel_loop3A_88, %parallel_loop3A_93 : vector<16xi32>
          tpu.vector_store_idx %arg5[%parallel_loop3A_91, %parallel_loop3A_94], %broadcast_in_dim3A_10 {add = true} : memref<128x128xf32, #tpu.memory_space<vmem>>[vector<16xi32>, vector<16xi32>], vector<16xf32>,
          %parallel_loop3A_95 = arith.constant 1 : i32
          %parallel_loop3A_96 = arith.index_cast %parallel_loop3A_95 : i32 to index
          %parallel_loop3A_97 = arith.index_cast %parallel_loop3A_64 : i32 to index
          %parallel_loop3A_98 = arith.constant 32 : index
          %parallel_loop3A_99 = tpu.vector_load %arg4[%parallel_loop3A_96, %parallel_loop3A_97, %parallel_loop3A_98] {strides = array<i32>} : memref<2x80x128xf32, #tpu.memory_space<vmem>>, vector<16xf32>,
          %parallel_loop3A_100 = vector.bitcast %parallel_loop3A_99 : vector<16xf32> to vector<16xi32>
          %parallel_loop3A_101 = arith.constant 17 : i32
          %parallel_loop3A_102 = vector.broadcast %parallel_loop3A_101 : i32 to vector<16xi32>
          %parallel_loop3A_103 = arith.shrui %parallel_loop3A_100, %parallel_loop3A_102 : vector<16xi32>
          %parallel_loop3A_104 = arith.constant 7 : i32
          %parallel_loop3A_105 = vector.broadcast %parallel_loop3A_104 : i32 to vector<16xi32>
          %parallel_loop3A_106 = arith.shrui %parallel_loop3A_103, %parallel_loop3A_105 : vector<16xi32>
          %parallel_loop3A_107 = arith.constant 127 : i32
          %parallel_loop3A_108 = vector.broadcast %parallel_loop3A_107 : i32 to vector<16xi32>
          %parallel_loop3A_109 = arith.andi %parallel_loop3A_103, %parallel_loop3A_108 : vector<16xi32>
          tpu.vector_store_idx %arg5[%parallel_loop3A_106, %parallel_loop3A_109], %broadcast_in_dim3A_10 {add = true} : memref<128x128xf32, #tpu.memory_space<vmem>>[vector<16xi32>, vector<16xi32>], vector<16xf32>,
          %parallel_loop3A_110 = arith.constant 1 : i32
          %parallel_loop3A_111 = arith.index_cast %parallel_loop3A_110 : i32 to index
          %parallel_loop3A_112 = arith.index_cast %parallel_loop3A_64 : i32 to index
          %parallel_loop3A_113 = arith.constant 48 : index
          %parallel_loop3A_114 = tpu.vector_load %arg4[%parallel_loop3A_111, %parallel_loop3A_112, %parallel_loop3A_113] {strides = array<i32>} : memref<2x80x128xf32, #tpu.memory_space<vmem>>, vector<16xf32>,
          %parallel_loop3A_115 = vector.bitcast %parallel_loop3A_114 : vector<16xf32> to vector<16xi32>
          %parallel_loop3A_116 = arith.constant 17 : i32
          %parallel_loop3A_117 = vector.broadcast %parallel_loop3A_116 : i32 to vector<16xi32>
          %parallel_loop3A_118 = arith.shrui %parallel_loop3A_115, %parallel_loop3A_117 : vector<16xi32>
          %parallel_loop3A_119 = arith.constant 7 : i32
          %parallel_loop3A_120 = vector.broadcast %parallel_loop3A_119 : i32 to vector<16xi32>
          %parallel_loop3A_121 = arith.shrui %parallel_loop3A_118, %parallel_loop3A_120 : vector<16xi32>
          %parallel_loop3A_122 = arith.constant 127 : i32
          %parallel_loop3A_123 = vector.broadcast %parallel_loop3A_122 : i32 to vector<16xi32>
          %parallel_loop3A_124 = arith.andi %parallel_loop3A_118, %parallel_loop3A_123 : vector<16xi32>
          tpu.vector_store_idx %arg5[%parallel_loop3A_121, %parallel_loop3A_124], %broadcast_in_dim3A_10 {add = true} : memref<128x128xf32, #tpu.memory_space<vmem>>[vector<16xi32>, vector<16xi32>], vector<16xf32>,
          %parallel_loop3A_125 = arith.constant 1 : i32
          %parallel_loop3A_126 = arith.index_cast %parallel_loop3A_125 : i32 to index
          %parallel_loop3A_127 = arith.index_cast %parallel_loop3A_64 : i32 to index
          %parallel_loop3A_128 = arith.constant 64 : index
          %parallel_loop3A_129 = tpu.vector_load %arg4[%parallel_loop3A_126, %parallel_loop3A_127, %parallel_loop3A_128] {strides = array<i32>} : memref<2x80x128xf32, #tpu.memory_space<vmem>>, vector<16xf32>,
          %parallel_loop3A_130 = vector.bitcast %parallel_loop3A_129 : vector<16xf32> to vector<16xi32>
          %parallel_loop3A_131 = arith.constant 17 : i32
          %parallel_loop3A_132 = vector.broadcast %parallel_loop3A_131 : i32 to vector<16xi32>
          %parallel_loop3A_133 = arith.shrui %parallel_loop3A_130, %parallel_loop3A_132 : vector<16xi32>
          %parallel_loop3A_134 = arith.constant 7 : i32
          %parallel_loop3A_135 = vector.broadcast %parallel_loop3A_134 : i32 to vector<16xi32>
          %parallel_loop3A_136 = arith.shrui %parallel_loop3A_133, %parallel_loop3A_135 : vector<16xi32>
          %parallel_loop3A_137 = arith.constant 127 : i32
          %parallel_loop3A_138 = vector.broadcast %parallel_loop3A_137 : i32 to vector<16xi32>
          %parallel_loop3A_139 = arith.andi %parallel_loop3A_133, %parallel_loop3A_138 : vector<16xi32>
          tpu.vector_store_idx %arg5[%parallel_loop3A_136, %parallel_loop3A_139], %broadcast_in_dim3A_10 {add = true} : memref<128x128xf32, #tpu.memory_space<vmem>>[vector<16xi32>, vector<16xi32>], vector<16xf32>,
          %parallel_loop3A_140 = arith.constant 1 : i32
          %parallel_loop3A_141 = arith.index_cast %parallel_loop3A_140 : i32 to index
          %parallel_loop3A_142 = arith.index_cast %parallel_loop3A_64 : i32 to index
          %parallel_loop3A_143 = arith.constant 80 : index
          %parallel_loop3A_144 = tpu.vector_load %arg4[%parallel_loop3A_141, %parallel_loop3A_142, %parallel_loop3A_143] {strides = array<i32>} : memref<2x80x128xf32, #tpu.memory_space<vmem>>, vector<16xf32>,
          %parallel_loop3A_145 = vector.bitcast %parallel_loop3A_144 : vector<16xf32> to vector<16xi32>
          %parallel_loop3A_146 = arith.constant 17 : i32
          %parallel_loop3A_147 = vector.broadcast %parallel_loop3A_146 : i32 to vector<16xi32>
          %parallel_loop3A_148 = arith.shrui %parallel_loop3A_145, %parallel_loop3A_147 : vector<16xi32>
          %parallel_loop3A_149 = arith.constant 7 : i32
          %parallel_loop3A_150 = vector.broadcast %parallel_loop3A_149 : i32 to vector<16xi32>
          %parallel_loop3A_151 = arith.shrui %parallel_loop3A_148, %parallel_loop3A_150 : vector<16xi32>
          %parallel_loop3A_152 = arith.constant 127 : i32
          %parallel_loop3A_153 = vector.broadcast %parallel_loop3A_152 : i32 to vector<16xi32>
          %parallel_loop3A_154 = arith.andi %parallel_loop3A_148, %parallel_loop3A_153 : vector<16xi32>
          tpu.vector_store_idx %arg5[%parallel_loop3A_151, %parallel_loop3A_154], %broadcast_in_dim3A_10 {add = true} : memref<128x128xf32, #tpu.memory_space<vmem>>[vector<16xi32>, vector<16xi32>], vector<16xf32>,
          %parallel_loop3A_155 = arith.constant 1 : i32
          %parallel_loop3A_156 = arith.index_cast %parallel_loop3A_155 : i32 to index
          %parallel_loop3A_157 = arith.index_cast %parallel_loop3A_64 : i32 to index
          %parallel_loop3A_158 = arith.constant 96 : index
          %parallel_loop3A_159 = tpu.vector_load %arg4[%parallel_loop3A_156, %parallel_loop3A_157, %parallel_loop3A_158] {strides = array<i32>} : memref<2x80x128xf32, #tpu.memory_space<vmem>>, vector<16xf32>,
          %parallel_loop3A_160 = vector.bitcast %parallel_loop3A_159 : vector<16xf32> to vector<16xi32>
          %parallel_loop3A_161 = arith.constant 17 : i32
          %parallel_loop3A_162 = vector.broadcast %parallel_loop3A_161 : i32 to vector<16xi32>
          %parallel_loop3A_163 = arith.shrui %parallel_loop3A_160, %parallel_loop3A_162 : vector<16xi32>
          %parallel_loop3A_164 = arith.constant 7 : i32
          %parallel_loop3A_165 = vector.broadcast %parallel_loop3A_164 : i32 to vector<16xi32>
          %parallel_loop3A_166 = arith.shrui %parallel_loop3A_163, %parallel_loop3A_165 : vector<16xi32>
          %parallel_loop3A_167 = arith.constant 127 : i32
          %parallel_loop3A_168 = vector.broadcast %parallel_loop3A_167 : i32 to vector<16xi32>
          %parallel_loop3A_169 = arith.andi %parallel_loop3A_163, %parallel_loop3A_168 : vector<16xi32>
          tpu.vector_store_idx %arg5[%parallel_loop3A_166, %parallel_loop3A_169], %broadcast_in_dim3A_10 {add = true} : memref<128x128xf32, #tpu.memory_space<vmem>>[vector<16xi32>, vector<16xi32>], vector<16xf32>,
          %parallel_loop3A_170 = arith.constant 1 : i32
          %parallel_loop3A_171 = arith.index_cast %parallel_loop3A_170 : i32 to index
          %parallel_loop3A_172 = arith.index_cast %parallel_loop3A_64 : i32 to index
          %parallel_loop3A_173 = arith.constant 112 : index
          %parallel_loop3A_174 = tpu.vector_load %arg4[%parallel_loop3A_171, %parallel_loop3A_172, %parallel_loop3A_173] {strides = array<i32>} : memref<2x80x128xf32, #tpu.memory_space<vmem>>, vector<16xf32>,
          %parallel_loop3A_175 = vector.bitcast %parallel_loop3A_174 : vector<16xf32> to vector<16xi32>
          %parallel_loop3A_176 = arith.constant 17 : i32
          %parallel_loop3A_177 = vector.broadcast %parallel_loop3A_176 : i32 to vector<16xi32>
          %parallel_loop3A_178 = arith.shrui %parallel_loop3A_175, %parallel_loop3A_177 : vector<16xi32>
          %parallel_loop3A_179 = arith.constant 7 : i32
          %parallel_loop3A_180 = vector.broadcast %parallel_loop3A_179 : i32 to vector<16xi32>
          %parallel_loop3A_181 = arith.shrui %parallel_loop3A_178, %parallel_loop3A_180 : vector<16xi32>
          %parallel_loop3A_182 = arith.constant 127 : i32
          %parallel_loop3A_183 = vector.broadcast %parallel_loop3A_182 : i32 to vector<16xi32>
          %parallel_loop3A_184 = arith.andi %parallel_loop3A_178, %parallel_loop3A_183 : vector<16xi32>
          tpu.vector_store_idx %arg5[%parallel_loop3A_181, %parallel_loop3A_184], %broadcast_in_dim3A_10 {add = true} : memref<128x128xf32, #tpu.memory_space<vmem>>[vector<16xi32>, vector<16xi32>], vector<16xf32>,
        } {sc.loop_unroll_factor = 4 : i64, sc.parallel_access}
        %add3A_58 = arith.constant 2 : i32
        %add3A_59 = arith.addi %add3A_36, %add3A_58 : i32
        %lt3A_60 = arith.cmpi slt, %add3A_59, %sub3A : i32
        %convert_element_type3A_61 = arith.extui %lt3A_60 : i1 to i32
        %cond3A_62 = arith.constant 0 : i32
        %cond3A_63 = arith.cmpi ne, %convert_element_type3A_61, %cond3A_62 : i32
        scf.if %cond3A_63 {
          %add3A_64 = arith.constant 2 : i32
          %add3A_65 = arith.addi %add3A_36, %add3A_64 : i32
          %add3A_66 = arith.addi %min3A_3, %add3A_65 : i32
          %mul3A_67 = arith.constant 128 : i32
          %mul3A_68 = arith.muli %add3A_66, %mul3A_67 : i32
          %dma_start3A = arith.constant 1 : i32
          %dma_start3A_69 = arith.constant 0 : i32
          %dma_start3A_70 = arith.constant 0 : i32
          %dma_start3A_71 = tpu.memref_slice %arg4[%dma_start3A, %dma_start3A_69, %dma_start3A_70] : memref<2x80x128xf32, #tpu.memory_space<vmem>> -> memref<1x80x128xf32, #tpu.memory_space<vmem>>
          %dma_start3A_72 = tpu.memref_squeeze %dma_start3A_71 : memref<1x80x128xf32, #tpu.memory_space<vmem>> -> memref<80x128xf32, #tpu.memory_space<vmem>>
          %dma_start3A_73 = arith.constant 0 : i32
          %dma_start3A_74 = tpu.memref_slice %arg2[%dma_start3A_73, %mul3A_68] : memref<80x50048xf32, #tpu.memory_space<hbm>> -> memref<80x128xf32, #tpu.memory_space<hbm>>
          %dma_start3A_75 = arith.constant 0 : i32
          %dma_start3A_76 = arith.constant 0 : i32
          %dma_start3A_77 = tpu.memref_slice %arg4[%dma_start3A, %dma_start3A_75, %dma_start3A_76] : memref<2x80x128xf32, #tpu.memory_space<vmem>> -> memref<1x80x128xf32, #tpu.memory_space<vmem>>
          %dma_start3A_78 = tpu.memref_squeeze %dma_start3A_77 : memref<1x80x128xf32, #tpu.memory_space<vmem>> -> memref<80x128xf32, #tpu.memory_space<vmem>>
          %dma_start3A_79 = arith.constant 0 : i32
          %dma_start3A_80 = tpu.memref_slice %arg2[%dma_start3A_79, %mul3A_68] : memref<80x50048xf32, #tpu.memory_space<hbm>> -> memref<80x128xf32, #tpu.memory_space<hbm>>
          tpu.enqueue_dma source(%dma_start3A_80 : memref<80x128xf32, #tpu.memory_space<hbm>>) target(%dma_start3A_78 : memref<80x128xf32, #tpu.memory_space<vmem>>) target_semaphore(%arg7 : memref<!tpu.dma_semaphore, #tpu.memory_space<semaphore_mem>>)
        } else {
        }
      } else {
      }
    }
    %scan3A_24 = arith.constant 7 : i32
    "tpu.region"() ({
      %run_scoped3A = tpu.sem_alloc : memref<!tpu.dma_semaphore, #tpu.memory_space<semaphore_mem>>
      %dma_start3A = arith.constant 0 : i32
      %dma_start3A_25 = arith.constant 0 : i32
      %dma_start3A_26 = tpu.memref_slice %arg3[%add3A, %dma_start3A, %dma_start3A_25] : memref<32x128x128xf32, #tpu.memory_space<hbm>> -> memref<1x128x128xf32, #tpu.memory_space<hbm>>
      %dma_start3A_27 = tpu.memref_squeeze %dma_start3A_26 : memref<1x128x128xf32, #tpu.memory_space<hbm>> -> memref<128x128xf32, #tpu.memory_space<hbm>>
      %dma_start3A_28 = arith.constant 0 : i32
      %dma_start3A_29 = arith.constant 0 : i32
      %dma_start3A_30 = tpu.memref_slice %arg3[%add3A, %dma_start3A_28, %dma_start3A_29] : memref<32x128x128xf32, #tpu.memory_space<hbm>> -> memref<1x128x128xf32, #tpu.memory_space<hbm>>
      %dma_start3A_31 = tpu.memref_squeeze %dma_start3A_30 : memref<1x128x128xf32, #tpu.memory_space<hbm>> -> memref<128x128xf32, #tpu.memory_space<hbm>>
      tpu.enqueue_dma source(%arg5 : memref<128x128xf32, #tpu.memory_space<vmem>>) target(%dma_start3A_31 : memref<128x128xf32, #tpu.memory_space<hbm>>) target_semaphore(%run_scoped3A : memref<!tpu.dma_semaphore, #tpu.memory_space<semaphore_mem>>)
      %dma_wait3A = arith.constant 0 : i32
      %dma_wait3A_32 = arith.constant 0 : i32
      %dma_wait3A_33 = tpu.memref_slice %arg3[%add3A, %dma_wait3A, %dma_wait3A_32] : memref<32x128x128xf32, #tpu.memory_space<hbm>> -> memref<1x128x128xf32, #tpu.memory_space<hbm>>
      %dma_wait3A_34 = tpu.memref_squeeze %dma_wait3A_33 : memref<1x128x128xf32, #tpu.memory_space<hbm>> -> memref<128x128xf32, #tpu.memory_space<hbm>>
      %dma_wait3A_35 = arith.constant 0 : i32
      %dma_wait3A_36 = arith.constant 0 : i32
      %dma_wait3A_37 = tpu.memref_slice %arg3[%add3A, %dma_wait3A_35, %dma_wait3A_36] : memref<32x128x128xf32, #tpu.memory_space<hbm>> -> memref<1x128x128xf32, #tpu.memory_space<hbm>>
      %dma_wait3A_38 = tpu.memref_squeeze %dma_wait3A_37 : memref<1x128x128xf32, #tpu.memory_space<hbm>> -> memref<128x128xf32, #tpu.memory_space<hbm>>
      tpu.wait_dma2 semaphore(%run_scoped3A : memref<!tpu.dma_semaphore, #tpu.memory_space<semaphore_mem>>) src(%arg5 : memref<128x128xf32, #tpu.memory_space<vmem>>) dst(%dma_wait3A_38 : memref<128x128xf32, #tpu.memory_space<hbm>>)
      tpu.yield
    }) : () -> ()
    return
  }
}

#map = affine_map<(d0, d1) -> (0, 0)>
#map1 = affine_map<(d0, d1) -> (0, 0, 0)>
module attributes {stable_mosaic.version = 14 : i64} {
  func.func @_hist_body(%arg0: i32, %arg1: i32, %arg2: memref<80x50048xf32, #tpu.memory_space<hbm>>, %arg3: memref<32x128x128xf32, #tpu.memory_space<hbm>>, %arg4: memref<2x80x128xf32, #tpu.memory_space<vmem>>, %arg5: memref<128x128xf32, #tpu.memory_space<vmem>>, %arg6: memref<!tpu.dma_semaphore, #tpu.memory_space<semaphore_mem>>, %arg7: memref<!tpu.dma_semaphore, #tpu.memory_space<semaphore_mem>>) attributes {dimension_semantics = [#tpu.dimension_semantics<core_parallel>, #tpu.dimension_semantics<subcore_parallel>], iteration_bounds = array<i64: 2, 16>, scalar_prefetch = 0 : i64, scratch_operands = 4 : i64, tpu.core_type = #tpu.core_type<sc_vector_subcore>, window_params = [{transform_indices = #map}, {transform_indices = #map1}]} {
    %mul3A = arith.constant 2 : i32
    %mul3A_0 = arith.muli %arg1, %mul3A : i32
    %add3A = arith.addi %mul3A_0, %arg0 : i32
    %mul3A_1 = arith.constant 13 : i32
    %mul3A_2 = arith.muli %add3A, %mul3A_1 : i32
    %min3A = arith.constant 391 : i32
    %min3A_3 = arith.minsi %mul3A_2, %min3A : i32
    %add3A_4 = arith.constant 13 : i32
    %add3A_5 = arith.addi %min3A_3, %add3A_4 : i32
    %min3A_6 = arith.constant 391 : i32
    %min3A_7 = arith.minsi %add3A_5, %min3A_6 : i32
    %sub3A = arith.subi %min3A_7, %min3A_3 : i32
    %broadcast_in_dim3A = arith.constant 0.000000e+00 : f32
    %broadcast_in_dim3A_8 = vector.broadcast %broadcast_in_dim3A : f32 to vector<16xf32>
    %broadcast_in_dim3A_9 = arith.constant 1.000000e+00 : f32
    %broadcast_in_dim3A_10 = vector.broadcast %broadcast_in_dim3A_9 : f32 to vector<16xf32>
    %parallel_loop3A = arith.constant 0 : i32
    %parallel_loop3A_11 = arith.constant 128 : i32
    %parallel_loop3A_12 = arith.constant 1 : i32
    scf.for %parallel_loop3A_25 = %parallel_loop3A to %parallel_loop3A_11 step %parallel_loop3A_12  : i32 {
      %parallel_loop3A_26 = arith.index_cast %parallel_loop3A_25 : i32 to index
      %parallel_loop3A_27 = arith.constant 0 : index
      %parallel_loop3A_28 = tpu.vector_load %arg5[%parallel_loop3A_26, %parallel_loop3A_27] {strides = array<i32>} : memref<128x128xf32, #tpu.memory_space<vmem>>, vector<16xf32>,
      tpu.vector_store %arg5[%parallel_loop3A_26, %parallel_loop3A_27], %broadcast_in_dim3A_8 {strides = array<i32>} : memref<128x128xf32, #tpu.memory_space<vmem>>, vector<16xf32>,
      %parallel_loop3A_29 = arith.index_cast %parallel_loop3A_25 : i32 to index
      %parallel_loop3A_30 = arith.constant 16 : index
      %parallel_loop3A_31 = tpu.vector_load %arg5[%parallel_loop3A_29, %parallel_loop3A_30] {strides = array<i32>} : memref<128x128xf32, #tpu.memory_space<vmem>>, vector<16xf32>,
      tpu.vector_store %arg5[%parallel_loop3A_29, %parallel_loop3A_30], %broadcast_in_dim3A_8 {strides = array<i32>} : memref<128x128xf32, #tpu.memory_space<vmem>>, vector<16xf32>,
      %parallel_loop3A_32 = arith.index_cast %parallel_loop3A_25 : i32 to index
      %parallel_loop3A_33 = arith.constant 32 : index
      %parallel_loop3A_34 = tpu.vector_load %arg5[%parallel_loop3A_32, %parallel_loop3A_33] {strides = array<i32>} : memref<128x128xf32, #tpu.memory_space<vmem>>, vector<16xf32>,
      tpu.vector_store %arg5[%parallel_loop3A_32, %parallel_loop3A_33], %broadcast_in_dim3A_8 {strides = array<i32>} : memref<128x128xf32, #tpu.memory_space<vmem>>, vector<16xf32>,
      %parallel_loop3A_35 = arith.index_cast %parallel_loop3A_25 : i32 to index
      %parallel_loop3A_36 = arith.constant 48 : index
      %parallel_loop3A_37 = tpu.vector_load %arg5[%parallel_loop3A_35, %parallel_loop3A_36] {strides = array<i32>} : memref<128x128xf32, #tpu.memory_space<vmem>>, vector<16xf32>,
      tpu.vector_store %arg5[%parallel_loop3A_35, %parallel_loop3A_36], %broadcast_in_dim3A_8 {strides = array<i32>} : memref<128x128xf32, #tpu.memory_space<vmem>>, vector<16xf32>,
      %parallel_loop3A_38 = arith.index_cast %parallel_loop3A_25 : i32 to index
      %parallel_loop3A_39 = arith.constant 64 : index
      %parallel_loop3A_40 = tpu.vector_load %arg5[%parallel_loop3A_38, %parallel_loop3A_39] {strides = array<i32>} : memref<128x128xf32, #tpu.memory_space<vmem>>, vector<16xf32>,
      tpu.vector_store %arg5[%parallel_loop3A_38, %parallel_loop3A_39], %broadcast_in_dim3A_8 {strides = array<i32>} : memref<128x128xf32, #tpu.memory_space<vmem>>, vector<16xf32>,
      %parallel_loop3A_41 = arith.index_cast %parallel_loop3A_25 : i32 to index
      %parallel_loop3A_42 = arith.constant 80 : index
      %parallel_loop3A_43 = tpu.vector_load %arg5[%parallel_loop3A_41, %parallel_loop3A_42] {strides = array<i32>} : memref<128x128xf32, #tpu.memory_space<vmem>>, vector<16xf32>,
      tpu.vector_store %arg5[%parallel_loop3A_41, %parallel_loop3A_42], %broadcast_in_dim3A_8 {strides = array<i32>} : memref<128x128xf32, #tpu.memory_space<vmem>>, vector<16xf32>,
      %parallel_loop3A_44 = arith.index_cast %parallel_loop3A_25 : i32 to index
      %parallel_loop3A_45 = arith.constant 96 : index
      %parallel_loop3A_46 = tpu.vector_load %arg5[%parallel_loop3A_44, %parallel_loop3A_45] {strides = array<i32>} : memref<128x128xf32, #tpu.memory_space<vmem>>, vector<16xf32>,
      tpu.vector_store %arg5[%parallel_loop3A_44, %parallel_loop3A_45], %broadcast_in_dim3A_8 {strides = array<i32>} : memref<128x128xf32, #tpu.memory_space<vmem>>, vector<16xf32>,
      %parallel_loop3A_47 = arith.index_cast %parallel_loop3A_25 : i32 to index
      %parallel_loop3A_48 = arith.constant 112 : index
      %parallel_loop3A_49 = tpu.vector_load %arg5[%parallel_loop3A_47, %parallel_loop3A_48] {strides = array<i32>} : memref<128x128xf32, #tpu.memory_space<vmem>>, vector<16xf32>,
      tpu.vector_store %arg5[%parallel_loop3A_47, %parallel_loop3A_48], %broadcast_in_dim3A_8 {strides = array<i32>} : memref<128x128xf32, #tpu.memory_space<vmem>>, vector<16xf32>,
    } {sc.loop_unroll_factor = 8 : i64, sc.parallel_access}
    %gt3A = arith.constant 0 : i32
    %gt3A_13 = arith.cmpi sgt, %sub3A, %gt3A : i32
    %convert_element_type3A = arith.extui %gt3A_13 : i1 to i32
    %cond3A = arith.constant 0 : i32
    %cond3A_14 = arith.cmpi ne, %convert_element_type3A, %cond3A : i32
    scf.if %cond3A_14 {
      %add3A_25 = arith.constant 0 : i32
      %add3A_26 = arith.addi %min3A_3, %add3A_25 : i32
      %mul3A_27 = arith.constant 128 : i32
      %mul3A_28 = arith.muli %add3A_26, %mul3A_27 : i32
      %dma_start3A = arith.constant 0 : i32
      %dma_start3A_29 = arith.constant 0 : i32
      %dma_start3A_30 = arith.constant 0 : i32
      %dma_start3A_31 = tpu.memref_slice %arg4[%dma_start3A, %dma_start3A_29, %dma_start3A_30] : memref<2x80x128xf32, #tpu.memory_space<vmem>> -> memref<1x80x128xf32, #tpu.memory_space<vmem>>
      %dma_start3A_32 = tpu.memref_squeeze %dma_start3A_31 : memref<1x80x128xf32, #tpu.memory_space<vmem>> -> memref<80x128xf32, #tpu.memory_space<vmem>>
      %dma_start3A_33 = arith.constant 0 : i32
      %dma_start3A_34 = tpu.memref_slice %arg2[%dma_start3A_33, %mul3A_28] : memref<80x50048xf32, #tpu.memory_space<hbm>> -> memref<80x128xf32, #tpu.memory_space<hbm>>
      %dma_start3A_35 = arith.constant 0 : i32
      %dma_start3A_36 = arith.constant 0 : i32
      %dma_start3A_37 = tpu.memref_slice %arg4[%dma_start3A, %dma_start3A_35, %dma_start3A_36] : memref<2x80x128xf32, #tpu.memory_space<vmem>> -> memref<1x80x128xf32, #tpu.memory_space<vmem>>
      %dma_start3A_38 = tpu.memref_squeeze %dma_start3A_37 : memref<1x80x128xf32, #tpu.memory_space<vmem>> -> memref<80x128xf32, #tpu.memory_space<vmem>>
      %dma_start3A_39 = arith.constant 0 : i32
      %dma_start3A_40 = tpu.memref_slice %arg2[%dma_start3A_39, %mul3A_28] : memref<80x50048xf32, #tpu.memory_space<hbm>> -> memref<80x128xf32, #tpu.memory_space<hbm>>
      tpu.enqueue_dma source(%dma_start3A_40 : memref<80x128xf32, #tpu.memory_space<hbm>>) target(%dma_start3A_38 : memref<80x128xf32, #tpu.memory_space<vmem>>) target_semaphore(%arg6 : memref<!tpu.dma_semaphore, #tpu.memory_space<semaphore_mem>>)
    } else {
    }
    %gt3A_15 = arith.constant 1 : i32
    %gt3A_16 = arith.cmpi sgt, %sub3A, %gt3A_15 : i32
    %convert_element_type3A_17 = arith.extui %gt3A_16 : i1 to i32
    %cond3A_18 = arith.constant 0 : i32
    %cond3A_19 = arith.cmpi ne, %convert_element_type3A_17, %cond3A_18 : i32
    scf.if %cond3A_19 {
      %add3A_25 = arith.constant 1 : i32
      %add3A_26 = arith.addi %min3A_3, %add3A_25 : i32
      %mul3A_27 = arith.constant 128 : i32
      %mul3A_28 = arith.muli %add3A_26, %mul3A_27 : i32
      %dma_start3A = arith.constant 1 : i32
      %dma_start3A_29 = arith.constant 0 : i32
      %dma_start3A_30 = arith.constant 0 : i32
      %dma_start3A_31 = tpu.memref_slice %arg4[%dma_start3A, %dma_start3A_29, %dma_start3A_30] : memref<2x80x128xf32, #tpu.memory_space<vmem>> -> memref<1x80x128xf32, #tpu.memory_space<vmem>>
      %dma_start3A_32 = tpu.memref_squeeze %dma_start3A_31 : memref<1x80x128xf32, #tpu.memory_space<vmem>> -> memref<80x128xf32, #tpu.memory_space<vmem>>
      %dma_start3A_33 = arith.constant 0 : i32
      %dma_start3A_34 = tpu.memref_slice %arg2[%dma_start3A_33, %mul3A_28] : memref<80x50048xf32, #tpu.memory_space<hbm>> -> memref<80x128xf32, #tpu.memory_space<hbm>>
      %dma_start3A_35 = arith.constant 0 : i32
      %dma_start3A_36 = arith.constant 0 : i32
      %dma_start3A_37 = tpu.memref_slice %arg4[%dma_start3A, %dma_start3A_35, %dma_start3A_36] : memref<2x80x128xf32, #tpu.memory_space<vmem>> -> memref<1x80x128xf32, #tpu.memory_space<vmem>>
      %dma_start3A_38 = tpu.memref_squeeze %dma_start3A_37 : memref<1x80x128xf32, #tpu.memory_space<vmem>> -> memref<80x128xf32, #tpu.memory_space<vmem>>
      %dma_start3A_39 = arith.constant 0 : i32
      %dma_start3A_40 = tpu.memref_slice %arg2[%dma_start3A_39, %mul3A_28] : memref<80x50048xf32, #tpu.memory_space<hbm>> -> memref<80x128xf32, #tpu.memory_space<hbm>>
      tpu.enqueue_dma source(%dma_start3A_40 : memref<80x128xf32, #tpu.memory_space<hbm>>) target(%dma_start3A_38 : memref<80x128xf32, #tpu.memory_space<vmem>>) target_semaphore(%arg7 : memref<!tpu.dma_semaphore, #tpu.memory_space<semaphore_mem>>)
    } else {
    }
    %scan3A = arith.constant 0 : i32
    %scan3A_20 = arith.constant 0 : i32
    %scan3A_21 = arith.constant 7 : i32
    %scan3A_22 = arith.addi %scan3A_20, %scan3A_21 : i32
    %scan3A_23 = arith.constant 1 : i32
    scf.for %scan3A_25 = %scan3A_20 to %scan3A_22 step %scan3A_23  : i32 {
      %mul3A_26 = arith.constant 2 : i32
      %mul3A_27 = arith.muli %scan3A_25, %mul3A_26 : i32
      %add3A_28 = arith.constant 0 : i32
      %add3A_29 = arith.addi %mul3A_27, %add3A_28 : i32
      %lt3A = arith.cmpi slt, %add3A_29, %sub3A : i32
      %convert_element_type3A_30 = arith.extui %lt3A : i1 to i32
      %cond3A_31 = arith.constant 0 : i32
      %cond3A_32 = arith.cmpi ne, %convert_element_type3A_30, %cond3A_31 : i32
      scf.if %cond3A_32 {
        %dma_wait3A = arith.constant 0 : i32
        %dma_wait3A_41 = arith.constant 0 : i32
        %dma_wait3A_42 = arith.constant 0 : i32
        %dma_wait3A_43 = tpu.memref_slice %arg4[%dma_wait3A, %dma_wait3A_41, %dma_wait3A_42] : memref<2x80x128xf32, #tpu.memory_space<vmem>> -> memref<1x80x128xf32, #tpu.memory_space<vmem>>
        %dma_wait3A_44 = tpu.memref_squeeze %dma_wait3A_43 : memref<1x80x128xf32, #tpu.memory_space<vmem>> -> memref<80x128xf32, #tpu.memory_space<vmem>>
        %dma_wait3A_45 = arith.constant 0 : i32
        %dma_wait3A_46 = arith.constant 0 : i32
        %dma_wait3A_47 = tpu.memref_slice %arg2[%dma_wait3A_45, %dma_wait3A_46] : memref<80x50048xf32, #tpu.memory_space<hbm>> -> memref<80x128xf32, #tpu.memory_space<hbm>>
        %dma_wait3A_48 = arith.constant 0 : i32
        %dma_wait3A_49 = arith.constant 0 : i32
        %dma_wait3A_50 = tpu.memref_slice %arg4[%dma_wait3A, %dma_wait3A_48, %dma_wait3A_49] : memref<2x80x128xf32, #tpu.memory_space<vmem>> -> memref<1x80x128xf32, #tpu.memory_space<vmem>>
        %dma_wait3A_51 = tpu.memref_squeeze %dma_wait3A_50 : memref<1x80x128xf32, #tpu.memory_space<vmem>> -> memref<80x128xf32, #tpu.memory_space<vmem>>
        %dma_wait3A_52 = arith.constant 0 : i32
        %dma_wait3A_53 = arith.constant 0 : i32
        %dma_wait3A_54 = tpu.memref_slice %arg2[%dma_wait3A_52, %dma_wait3A_53] : memref<80x50048xf32, #tpu.memory_space<hbm>> -> memref<80x128xf32, #tpu.memory_space<hbm>>
        tpu.wait_dma2 semaphore(%arg6 : memref<!tpu.dma_semaphore, #tpu.memory_space<semaphore_mem>>) src(%dma_wait3A_54 : memref<80x128xf32, #tpu.memory_space<hbm>>) dst(%dma_wait3A_51 : memref<80x128xf32, #tpu.memory_space<vmem>>)
        %parallel_loop3A_55 = arith.constant 0 : i32
        %parallel_loop3A_56 = arith.constant 80 : i32
        %parallel_loop3A_57 = arith.constant 1 : i32
        scf.for %parallel_loop3A_64 = %parallel_loop3A_55 to %parallel_loop3A_56 step %parallel_loop3A_57  : i32 {
          %parallel_loop3A_65 = arith.constant 0 : i32
          %parallel_loop3A_66 = arith.index_cast %parallel_loop3A_65 : i32 to index
          %parallel_loop3A_67 = arith.index_cast %parallel_loop3A_64 : i32 to index
          %parallel_loop3A_68 = arith.constant 0 : index
          %parallel_loop3A_69 = tpu.vector_load %arg4[%parallel_loop3A_66, %parallel_loop3A_67, %parallel_loop3A_68] {strides = array<i32>} : memref<2x80x128xf32, #tpu.memory_space<vmem>>, vector<16xf32>,
          %parallel_loop3A_70 = vector.bitcast %parallel_loop3A_69 : vector<16xf32> to vector<16xi32>
          %parallel_loop3A_71 = arith.constant 17 : i32
          %parallel_loop3A_72 = vector.broadcast %parallel_loop3A_71 : i32 to vector<16xi32>
          %parallel_loop3A_73 = arith.shrui %parallel_loop3A_70, %parallel_loop3A_72 : vector<16xi32>
          %parallel_loop3A_74 = arith.constant 7 : i32
          %parallel_loop3A_75 = vector.broadcast %parallel_loop3A_74 : i32 to vector<16xi32>
          %parallel_loop3A_76 = arith.shrui %parallel_loop3A_73, %parallel_loop3A_75 : vector<16xi32>
          %parallel_loop3A_77 = arith.constant 127 : i32
          %parallel_loop3A_78 = vector.broadcast %parallel_loop3A_77 : i32 to vector<16xi32>
          %parallel_loop3A_79 = arith.andi %parallel_loop3A_73, %parallel_loop3A_78 : vector<16xi32>
          tpu.vector_store_idx %arg5[%parallel_loop3A_76, %parallel_loop3A_79], %broadcast_in_dim3A_10 {add = true} : memref<128x128xf32, #tpu.memory_space<vmem>>[vector<16xi32>, vector<16xi32>], vector<16xf32>,
          %parallel_loop3A_80 = arith.constant 0 : i32
          %parallel_loop3A_81 = arith.index_cast %parallel_loop3A_80 : i32 to index
          %parallel_loop3A_82 = arith.index_cast %parallel_loop3A_64 : i32 to index
          %parallel_loop3A_83 = arith.constant 16 : index
          %parallel_loop3A_84 = tpu.vector_load %arg4[%parallel_loop3A_81, %parallel_loop3A_82, %parallel_loop3A_83] {strides = array<i32>} : memref<2x80x128xf32, #tpu.memory_space<vmem>>, vector<16xf32>,
          %parallel_loop3A_85 = vector.bitcast %parallel_loop3A_84 : vector<16xf32> to vector<16xi32>
          %parallel_loop3A_86 = arith.constant 17 : i32
          %parallel_loop3A_87 = vector.broadcast %parallel_loop3A_86 : i32 to vector<16xi32>
          %parallel_loop3A_88 = arith.shrui %parallel_loop3A_85, %parallel_loop3A_87 : vector<16xi32>
          %parallel_loop3A_89 = arith.constant 7 : i32
          %parallel_loop3A_90 = vector.broadcast %parallel_loop3A_89 : i32 to vector<16xi32>
          %parallel_loop3A_91 = arith.shrui %parallel_loop3A_88, %parallel_loop3A_90 : vector<16xi32>
          %parallel_loop3A_92 = arith.constant 127 : i32
          %parallel_loop3A_93 = vector.broadcast %parallel_loop3A_92 : i32 to vector<16xi32>
          %parallel_loop3A_94 = arith.andi %parallel_loop3A_88, %parallel_loop3A_93 : vector<16xi32>
          tpu.vector_store_idx %arg5[%parallel_loop3A_91, %parallel_loop3A_94], %broadcast_in_dim3A_10 {add = true} : memref<128x128xf32, #tpu.memory_space<vmem>>[vector<16xi32>, vector<16xi32>], vector<16xf32>,
          %parallel_loop3A_95 = arith.constant 0 : i32
          %parallel_loop3A_96 = arith.index_cast %parallel_loop3A_95 : i32 to index
          %parallel_loop3A_97 = arith.index_cast %parallel_loop3A_64 : i32 to index
          %parallel_loop3A_98 = arith.constant 32 : index
          %parallel_loop3A_99 = tpu.vector_load %arg4[%parallel_loop3A_96, %parallel_loop3A_97, %parallel_loop3A_98] {strides = array<i32>} : memref<2x80x128xf32, #tpu.memory_space<vmem>>, vector<16xf32>,
          %parallel_loop3A_100 = vector.bitcast %parallel_loop3A_99 : vector<16xf32> to vector<16xi32>
          %parallel_loop3A_101 = arith.constant 17 : i32
          %parallel_loop3A_102 = vector.broadcast %parallel_loop3A_101 : i32 to vector<16xi32>
          %parallel_loop3A_103 = arith.shrui %parallel_loop3A_100, %parallel_loop3A_102 : vector<16xi32>
          %parallel_loop3A_104 = arith.constant 7 : i32
          %parallel_loop3A_105 = vector.broadcast %parallel_loop3A_104 : i32 to vector<16xi32>
          %parallel_loop3A_106 = arith.shrui %parallel_loop3A_103, %parallel_loop3A_105 : vector<16xi32>
          %parallel_loop3A_107 = arith.constant 127 : i32
          %parallel_loop3A_108 = vector.broadcast %parallel_loop3A_107 : i32 to vector<16xi32>
          %parallel_loop3A_109 = arith.andi %parallel_loop3A_103, %parallel_loop3A_108 : vector<16xi32>
          tpu.vector_store_idx %arg5[%parallel_loop3A_106, %parallel_loop3A_109], %broadcast_in_dim3A_10 {add = true} : memref<128x128xf32, #tpu.memory_space<vmem>>[vector<16xi32>, vector<16xi32>], vector<16xf32>,
          %parallel_loop3A_110 = arith.constant 0 : i32
          %parallel_loop3A_111 = arith.index_cast %parallel_loop3A_110 : i32 to index
          %parallel_loop3A_112 = arith.index_cast %parallel_loop3A_64 : i32 to index
          %parallel_loop3A_113 = arith.constant 48 : index
          %parallel_loop3A_114 = tpu.vector_load %arg4[%parallel_loop3A_111, %parallel_loop3A_112, %parallel_loop3A_113] {strides = array<i32>} : memref<2x80x128xf32, #tpu.memory_space<vmem>>, vector<16xf32>,
          %parallel_loop3A_115 = vector.bitcast %parallel_loop3A_114 : vector<16xf32> to vector<16xi32>
          %parallel_loop3A_116 = arith.constant 17 : i32
          %parallel_loop3A_117 = vector.broadcast %parallel_loop3A_116 : i32 to vector<16xi32>
          %parallel_loop3A_118 = arith.shrui %parallel_loop3A_115, %parallel_loop3A_117 : vector<16xi32>
          %parallel_loop3A_119 = arith.constant 7 : i32
          %parallel_loop3A_120 = vector.broadcast %parallel_loop3A_119 : i32 to vector<16xi32>
          %parallel_loop3A_121 = arith.shrui %parallel_loop3A_118, %parallel_loop3A_120 : vector<16xi32>
          %parallel_loop3A_122 = arith.constant 127 : i32
          %parallel_loop3A_123 = vector.broadcast %parallel_loop3A_122 : i32 to vector<16xi32>
          %parallel_loop3A_124 = arith.andi %parallel_loop3A_118, %parallel_loop3A_123 : vector<16xi32>
          tpu.vector_store_idx %arg5[%parallel_loop3A_121, %parallel_loop3A_124], %broadcast_in_dim3A_10 {add = true} : memref<128x128xf32, #tpu.memory_space<vmem>>[vector<16xi32>, vector<16xi32>], vector<16xf32>,
          %parallel_loop3A_125 = arith.constant 0 : i32
          %parallel_loop3A_126 = arith.index_cast %parallel_loop3A_125 : i32 to index
          %parallel_loop3A_127 = arith.index_cast %parallel_loop3A_64 : i32 to index
          %parallel_loop3A_128 = arith.constant 64 : index
          %parallel_loop3A_129 = tpu.vector_load %arg4[%parallel_loop3A_126, %parallel_loop3A_127, %parallel_loop3A_128] {strides = array<i32>} : memref<2x80x128xf32, #tpu.memory_space<vmem>>, vector<16xf32>,
          %parallel_loop3A_130 = vector.bitcast %parallel_loop3A_129 : vector<16xf32> to vector<16xi32>
          %parallel_loop3A_131 = arith.constant 17 : i32
          %parallel_loop3A_132 = vector.broadcast %parallel_loop3A_131 : i32 to vector<16xi32>
          %parallel_loop3A_133 = arith.shrui %parallel_loop3A_130, %parallel_loop3A_132 : vector<16xi32>
          %parallel_loop3A_134 = arith.constant 7 : i32
          %parallel_loop3A_135 = vector.broadcast %parallel_loop3A_134 : i32 to vector<16xi32>
          %parallel_loop3A_136 = arith.shrui %parallel_loop3A_133, %parallel_loop3A_135 : vector<16xi32>
          %parallel_loop3A_137 = arith.constant 127 : i32
          %parallel_loop3A_138 = vector.broadcast %parallel_loop3A_137 : i32 to vector<16xi32>
          %parallel_loop3A_139 = arith.andi %parallel_loop3A_133, %parallel_loop3A_138 : vector<16xi32>
          tpu.vector_store_idx %arg5[%parallel_loop3A_136, %parallel_loop3A_139], %broadcast_in_dim3A_10 {add = true} : memref<128x128xf32, #tpu.memory_space<vmem>>[vector<16xi32>, vector<16xi32>], vector<16xf32>,
          %parallel_loop3A_140 = arith.constant 0 : i32
          %parallel_loop3A_141 = arith.index_cast %parallel_loop3A_140 : i32 to index
          %parallel_loop3A_142 = arith.index_cast %parallel_loop3A_64 : i32 to index
          %parallel_loop3A_143 = arith.constant 80 : index
          %parallel_loop3A_144 = tpu.vector_load %arg4[%parallel_loop3A_141, %parallel_loop3A_142, %parallel_loop3A_143] {strides = array<i32>} : memref<2x80x128xf32, #tpu.memory_space<vmem>>, vector<16xf32>,
          %parallel_loop3A_145 = vector.bitcast %parallel_loop3A_144 : vector<16xf32> to vector<16xi32>
          %parallel_loop3A_146 = arith.constant 17 : i32
          %parallel_loop3A_147 = vector.broadcast %parallel_loop3A_146 : i32 to vector<16xi32>
          %parallel_loop3A_148 = arith.shrui %parallel_loop3A_145, %parallel_loop3A_147 : vector<16xi32>
          %parallel_loop3A_149 = arith.constant 7 : i32
          %parallel_loop3A_150 = vector.broadcast %parallel_loop3A_149 : i32 to vector<16xi32>
          %parallel_loop3A_151 = arith.shrui %parallel_loop3A_148, %parallel_loop3A_150 : vector<16xi32>
          %parallel_loop3A_152 = arith.constant 127 : i32
          %parallel_loop3A_153 = vector.broadcast %parallel_loop3A_152 : i32 to vector<16xi32>
          %parallel_loop3A_154 = arith.andi %parallel_loop3A_148, %parallel_loop3A_153 : vector<16xi32>
          tpu.vector_store_idx %arg5[%parallel_loop3A_151, %parallel_loop3A_154], %broadcast_in_dim3A_10 {add = true} : memref<128x128xf32, #tpu.memory_space<vmem>>[vector<16xi32>, vector<16xi32>], vector<16xf32>,
          %parallel_loop3A_155 = arith.constant 0 : i32
          %parallel_loop3A_156 = arith.index_cast %parallel_loop3A_155 : i32 to index
          %parallel_loop3A_157 = arith.index_cast %parallel_loop3A_64 : i32 to index
          %parallel_loop3A_158 = arith.constant 96 : index
          %parallel_loop3A_159 = tpu.vector_load %arg4[%parallel_loop3A_156, %parallel_loop3A_157, %parallel_loop3A_158] {strides = array<i32>} : memref<2x80x128xf32, #tpu.memory_space<vmem>>, vector<16xf32>,
          %parallel_loop3A_160 = vector.bitcast %parallel_loop3A_159 : vector<16xf32> to vector<16xi32>
          %parallel_loop3A_161 = arith.constant 17 : i32
          %parallel_loop3A_162 = vector.broadcast %parallel_loop3A_161 : i32 to vector<16xi32>
          %parallel_loop3A_163 = arith.shrui %parallel_loop3A_160, %parallel_loop3A_162 : vector<16xi32>
          %parallel_loop3A_164 = arith.constant 7 : i32
          %parallel_loop3A_165 = vector.broadcast %parallel_loop3A_164 : i32 to vector<16xi32>
          %parallel_loop3A_166 = arith.shrui %parallel_loop3A_163, %parallel_loop3A_165 : vector<16xi32>
          %parallel_loop3A_167 = arith.constant 127 : i32
          %parallel_loop3A_168 = vector.broadcast %parallel_loop3A_167 : i32 to vector<16xi32>
          %parallel_loop3A_169 = arith.andi %parallel_loop3A_163, %parallel_loop3A_168 : vector<16xi32>
          tpu.vector_store_idx %arg5[%parallel_loop3A_166, %parallel_loop3A_169], %broadcast_in_dim3A_10 {add = true} : memref<128x128xf32, #tpu.memory_space<vmem>>[vector<16xi32>, vector<16xi32>], vector<16xf32>,
          %parallel_loop3A_170 = arith.constant 0 : i32
          %parallel_loop3A_171 = arith.index_cast %parallel_loop3A_170 : i32 to index
          %parallel_loop3A_172 = arith.index_cast %parallel_loop3A_64 : i32 to index
          %parallel_loop3A_173 = arith.constant 112 : index
          %parallel_loop3A_174 = tpu.vector_load %arg4[%parallel_loop3A_171, %parallel_loop3A_172, %parallel_loop3A_173] {strides = array<i32>} : memref<2x80x128xf32, #tpu.memory_space<vmem>>, vector<16xf32>,
          %parallel_loop3A_175 = vector.bitcast %parallel_loop3A_174 : vector<16xf32> to vector<16xi32>
          %parallel_loop3A_176 = arith.constant 17 : i32
          %parallel_loop3A_177 = vector.broadcast %parallel_loop3A_176 : i32 to vector<16xi32>
          %parallel_loop3A_178 = arith.shrui %parallel_loop3A_175, %parallel_loop3A_177 : vector<16xi32>
          %parallel_loop3A_179 = arith.constant 7 : i32
          %parallel_loop3A_180 = vector.broadcast %parallel_loop3A_179 : i32 to vector<16xi32>
          %parallel_loop3A_181 = arith.shrui %parallel_loop3A_178, %parallel_loop3A_180 : vector<16xi32>
          %parallel_loop3A_182 = arith.constant 127 : i32
          %parallel_loop3A_183 = vector.broadcast %parallel_loop3A_182 : i32 to vector<16xi32>
          %parallel_loop3A_184 = arith.andi %parallel_loop3A_178, %parallel_loop3A_183 : vector<16xi32>
          tpu.vector_store_idx %arg5[%parallel_loop3A_181, %parallel_loop3A_184], %broadcast_in_dim3A_10 {add = true} : memref<128x128xf32, #tpu.memory_space<vmem>>[vector<16xi32>, vector<16xi32>], vector<16xf32>,
        } {sc.loop_unroll_factor = 4 : i64, sc.parallel_access}
        %add3A_58 = arith.constant 2 : i32
        %add3A_59 = arith.addi %add3A_29, %add3A_58 : i32
        %lt3A_60 = arith.cmpi slt, %add3A_59, %sub3A : i32
        %convert_element_type3A_61 = arith.extui %lt3A_60 : i1 to i32
        %cond3A_62 = arith.constant 0 : i32
        %cond3A_63 = arith.cmpi ne, %convert_element_type3A_61, %cond3A_62 : i32
        scf.if %cond3A_63 {
          %add3A_64 = arith.constant 2 : i32
          %add3A_65 = arith.addi %add3A_29, %add3A_64 : i32
          %add3A_66 = arith.addi %min3A_3, %add3A_65 : i32
          %mul3A_67 = arith.constant 128 : i32
          %mul3A_68 = arith.muli %add3A_66, %mul3A_67 : i32
          %dma_start3A = arith.constant 0 : i32
          %dma_start3A_69 = arith.constant 0 : i32
          %dma_start3A_70 = arith.constant 0 : i32
          %dma_start3A_71 = tpu.memref_slice %arg4[%dma_start3A, %dma_start3A_69, %dma_start3A_70] : memref<2x80x128xf32, #tpu.memory_space<vmem>> -> memref<1x80x128xf32, #tpu.memory_space<vmem>>
          %dma_start3A_72 = tpu.memref_squeeze %dma_start3A_71 : memref<1x80x128xf32, #tpu.memory_space<vmem>> -> memref<80x128xf32, #tpu.memory_space<vmem>>
          %dma_start3A_73 = arith.constant 0 : i32
          %dma_start3A_74 = tpu.memref_slice %arg2[%dma_start3A_73, %mul3A_68] : memref<80x50048xf32, #tpu.memory_space<hbm>> -> memref<80x128xf32, #tpu.memory_space<hbm>>
          %dma_start3A_75 = arith.constant 0 : i32
          %dma_start3A_76 = arith.constant 0 : i32
          %dma_start3A_77 = tpu.memref_slice %arg4[%dma_start3A, %dma_start3A_75, %dma_start3A_76] : memref<2x80x128xf32, #tpu.memory_space<vmem>> -> memref<1x80x128xf32, #tpu.memory_space<vmem>>
          %dma_start3A_78 = tpu.memref_squeeze %dma_start3A_77 : memref<1x80x128xf32, #tpu.memory_space<vmem>> -> memref<80x128xf32, #tpu.memory_space<vmem>>
          %dma_start3A_79 = arith.constant 0 : i32
          %dma_start3A_80 = tpu.memref_slice %arg2[%dma_start3A_79, %mul3A_68] : memref<80x50048xf32, #tpu.memory_space<hbm>> -> memref<80x128xf32, #tpu.memory_space<hbm>>
          tpu.enqueue_dma source(%dma_start3A_80 : memref<80x128xf32, #tpu.memory_space<hbm>>) target(%dma_start3A_78 : memref<80x128xf32, #tpu.memory_space<vmem>>) target_semaphore(%arg6 : memref<!tpu.dma_semaphore, #tpu.memory_space<semaphore_mem>>)
        } else {
        }
      } else {
      }
      %mul3A_33 = arith.constant 2 : i32
      %mul3A_34 = arith.muli %scan3A_25, %mul3A_33 : i32
      %add3A_35 = arith.constant 1 : i32
      %add3A_36 = arith.addi %mul3A_34, %add3A_35 : i32
      %lt3A_37 = arith.cmpi slt, %add3A_36, %sub3A : i32
      %convert_element_type3A_38 = arith.extui %lt3A_37 : i1 to i32
      %cond3A_39 = arith.constant 0 : i32
      %cond3A_40 = arith.cmpi ne, %convert_element_type3A_38, %cond3A_39 : i32
      scf.if %cond3A_40 {
        %dma_wait3A = arith.constant 1 : i32
        %dma_wait3A_41 = arith.constant 0 : i32
        %dma_wait3A_42 = arith.constant 0 : i32
        %dma_wait3A_43 = tpu.memref_slice %arg4[%dma_wait3A, %dma_wait3A_41, %dma_wait3A_42] : memref<2x80x128xf32, #tpu.memory_space<vmem>> -> memref<1x80x128xf32, #tpu.memory_space<vmem>>
        %dma_wait3A_44 = tpu.memref_squeeze %dma_wait3A_43 : memref<1x80x128xf32, #tpu.memory_space<vmem>> -> memref<80x128xf32, #tpu.memory_space<vmem>>
        %dma_wait3A_45 = arith.constant 0 : i32
        %dma_wait3A_46 = arith.constant 0 : i32
        %dma_wait3A_47 = tpu.memref_slice %arg2[%dma_wait3A_45, %dma_wait3A_46] : memref<80x50048xf32, #tpu.memory_space<hbm>> -> memref<80x128xf32, #tpu.memory_space<hbm>>
        %dma_wait3A_48 = arith.constant 0 : i32
        %dma_wait3A_49 = arith.constant 0 : i32
        %dma_wait3A_50 = tpu.memref_slice %arg4[%dma_wait3A, %dma_wait3A_48, %dma_wait3A_49] : memref<2x80x128xf32, #tpu.memory_space<vmem>> -> memref<1x80x128xf32, #tpu.memory_space<vmem>>
        %dma_wait3A_51 = tpu.memref_squeeze %dma_wait3A_50 : memref<1x80x128xf32, #tpu.memory_space<vmem>> -> memref<80x128xf32, #tpu.memory_space<vmem>>
        %dma_wait3A_52 = arith.constant 0 : i32
        %dma_wait3A_53 = arith.constant 0 : i32
        %dma_wait3A_54 = tpu.memref_slice %arg2[%dma_wait3A_52, %dma_wait3A_53] : memref<80x50048xf32, #tpu.memory_space<hbm>> -> memref<80x128xf32, #tpu.memory_space<hbm>>
        tpu.wait_dma2 semaphore(%arg7 : memref<!tpu.dma_semaphore, #tpu.memory_space<semaphore_mem>>) src(%dma_wait3A_54 : memref<80x128xf32, #tpu.memory_space<hbm>>) dst(%dma_wait3A_51 : memref<80x128xf32, #tpu.memory_space<vmem>>)
        %parallel_loop3A_55 = arith.constant 0 : i32
        %parallel_loop3A_56 = arith.constant 80 : i32
        %parallel_loop3A_57 = arith.constant 1 : i32
        scf.for %parallel_loop3A_64 = %parallel_loop3A_55 to %parallel_loop3A_56 step %parallel_loop3A_57  : i32 {
          %parallel_loop3A_65 = arith.constant 1 : i32
          %parallel_loop3A_66 = arith.index_cast %parallel_loop3A_65 : i32 to index
          %parallel_loop3A_67 = arith.index_cast %parallel_loop3A_64 : i32 to index
          %parallel_loop3A_68 = arith.constant 0 : index
          %parallel_loop3A_69 = tpu.vector_load %arg4[%parallel_loop3A_66, %parallel_loop3A_67, %parallel_loop3A_68] {strides = array<i32>} : memref<2x80x128xf32, #tpu.memory_space<vmem>>, vector<16xf32>,
          %parallel_loop3A_70 = vector.bitcast %parallel_loop3A_69 : vector<16xf32> to vector<16xi32>
          %parallel_loop3A_71 = arith.constant 17 : i32
          %parallel_loop3A_72 = vector.broadcast %parallel_loop3A_71 : i32 to vector<16xi32>
          %parallel_loop3A_73 = arith.shrui %parallel_loop3A_70, %parallel_loop3A_72 : vector<16xi32>
          %parallel_loop3A_74 = arith.constant 7 : i32
          %parallel_loop3A_75 = vector.broadcast %parallel_loop3A_74 : i32 to vector<16xi32>
          %parallel_loop3A_76 = arith.shrui %parallel_loop3A_73, %parallel_loop3A_75 : vector<16xi32>
          %parallel_loop3A_77 = arith.constant 127 : i32
          %parallel_loop3A_78 = vector.broadcast %parallel_loop3A_77 : i32 to vector<16xi32>
          %parallel_loop3A_79 = arith.andi %parallel_loop3A_73, %parallel_loop3A_78 : vector<16xi32>
          tpu.vector_store_idx %arg5[%parallel_loop3A_76, %parallel_loop3A_79], %broadcast_in_dim3A_10 {add = true} : memref<128x128xf32, #tpu.memory_space<vmem>>[vector<16xi32>, vector<16xi32>], vector<16xf32>,
          %parallel_loop3A_80 = arith.constant 1 : i32
          %parallel_loop3A_81 = arith.index_cast %parallel_loop3A_80 : i32 to index
          %parallel_loop3A_82 = arith.index_cast %parallel_loop3A_64 : i32 to index
          %parallel_loop3A_83 = arith.constant 16 : index
          %parallel_loop3A_84 = tpu.vector_load %arg4[%parallel_loop3A_81, %parallel_loop3A_82, %parallel_loop3A_83] {strides = array<i32>} : memref<2x80x128xf32, #tpu.memory_space<vmem>>, vector<16xf32>,
          %parallel_loop3A_85 = vector.bitcast %parallel_loop3A_84 : vector<16xf32> to vector<16xi32>
          %parallel_loop3A_86 = arith.constant 17 : i32
          %parallel_loop3A_87 = vector.broadcast %parallel_loop3A_86 : i32 to vector<16xi32>
          %parallel_loop3A_88 = arith.shrui %parallel_loop3A_85, %parallel_loop3A_87 : vector<16xi32>
          %parallel_loop3A_89 = arith.constant 7 : i32
          %parallel_loop3A_90 = vector.broadcast %parallel_loop3A_89 : i32 to vector<16xi32>
          %parallel_loop3A_91 = arith.shrui %parallel_loop3A_88, %parallel_loop3A_90 : vector<16xi32>
          %parallel_loop3A_92 = arith.constant 127 : i32
          %parallel_loop3A_93 = vector.broadcast %parallel_loop3A_92 : i32 to vector<16xi32>
          %parallel_loop3A_94 = arith.andi %parallel_loop3A_88, %parallel_loop3A_93 : vector<16xi32>
          tpu.vector_store_idx %arg5[%parallel_loop3A_91, %parallel_loop3A_94], %broadcast_in_dim3A_10 {add = true} : memref<128x128xf32, #tpu.memory_space<vmem>>[vector<16xi32>, vector<16xi32>], vector<16xf32>,
          %parallel_loop3A_95 = arith.constant 1 : i32
          %parallel_loop3A_96 = arith.index_cast %parallel_loop3A_95 : i32 to index
          %parallel_loop3A_97 = arith.index_cast %parallel_loop3A_64 : i32 to index
          %parallel_loop3A_98 = arith.constant 32 : index
          %parallel_loop3A_99 = tpu.vector_load %arg4[%parallel_loop3A_96, %parallel_loop3A_97, %parallel_loop3A_98] {strides = array<i32>} : memref<2x80x128xf32, #tpu.memory_space<vmem>>, vector<16xf32>,
          %parallel_loop3A_100 = vector.bitcast %parallel_loop3A_99 : vector<16xf32> to vector<16xi32>
          %parallel_loop3A_101 = arith.constant 17 : i32
          %parallel_loop3A_102 = vector.broadcast %parallel_loop3A_101 : i32 to vector<16xi32>
          %parallel_loop3A_103 = arith.shrui %parallel_loop3A_100, %parallel_loop3A_102 : vector<16xi32>
          %parallel_loop3A_104 = arith.constant 7 : i32
          %parallel_loop3A_105 = vector.broadcast %parallel_loop3A_104 : i32 to vector<16xi32>
          %parallel_loop3A_106 = arith.shrui %parallel_loop3A_103, %parallel_loop3A_105 : vector<16xi32>
          %parallel_loop3A_107 = arith.constant 127 : i32
          %parallel_loop3A_108 = vector.broadcast %parallel_loop3A_107 : i32 to vector<16xi32>
          %parallel_loop3A_109 = arith.andi %parallel_loop3A_103, %parallel_loop3A_108 : vector<16xi32>
          tpu.vector_store_idx %arg5[%parallel_loop3A_106, %parallel_loop3A_109], %broadcast_in_dim3A_10 {add = true} : memref<128x128xf32, #tpu.memory_space<vmem>>[vector<16xi32>, vector<16xi32>], vector<16xf32>,
          %parallel_loop3A_110 = arith.constant 1 : i32
          %parallel_loop3A_111 = arith.index_cast %parallel_loop3A_110 : i32 to index
          %parallel_loop3A_112 = arith.index_cast %parallel_loop3A_64 : i32 to index
          %parallel_loop3A_113 = arith.constant 48 : index
          %parallel_loop3A_114 = tpu.vector_load %arg4[%parallel_loop3A_111, %parallel_loop3A_112, %parallel_loop3A_113] {strides = array<i32>} : memref<2x80x128xf32, #tpu.memory_space<vmem>>, vector<16xf32>,
          %parallel_loop3A_115 = vector.bitcast %parallel_loop3A_114 : vector<16xf32> to vector<16xi32>
          %parallel_loop3A_116 = arith.constant 17 : i32
          %parallel_loop3A_117 = vector.broadcast %parallel_loop3A_116 : i32 to vector<16xi32>
          %parallel_loop3A_118 = arith.shrui %parallel_loop3A_115, %parallel_loop3A_117 : vector<16xi32>
          %parallel_loop3A_119 = arith.constant 7 : i32
          %parallel_loop3A_120 = vector.broadcast %parallel_loop3A_119 : i32 to vector<16xi32>
          %parallel_loop3A_121 = arith.shrui %parallel_loop3A_118, %parallel_loop3A_120 : vector<16xi32>
          %parallel_loop3A_122 = arith.constant 127 : i32
          %parallel_loop3A_123 = vector.broadcast %parallel_loop3A_122 : i32 to vector<16xi32>
          %parallel_loop3A_124 = arith.andi %parallel_loop3A_118, %parallel_loop3A_123 : vector<16xi32>
          tpu.vector_store_idx %arg5[%parallel_loop3A_121, %parallel_loop3A_124], %broadcast_in_dim3A_10 {add = true} : memref<128x128xf32, #tpu.memory_space<vmem>>[vector<16xi32>, vector<16xi32>], vector<16xf32>,
          %parallel_loop3A_125 = arith.constant 1 : i32
          %parallel_loop3A_126 = arith.index_cast %parallel_loop3A_125 : i32 to index
          %parallel_loop3A_127 = arith.index_cast %parallel_loop3A_64 : i32 to index
          %parallel_loop3A_128 = arith.constant 64 : index
          %parallel_loop3A_129 = tpu.vector_load %arg4[%parallel_loop3A_126, %parallel_loop3A_127, %parallel_loop3A_128] {strides = array<i32>} : memref<2x80x128xf32, #tpu.memory_space<vmem>>, vector<16xf32>,
          %parallel_loop3A_130 = vector.bitcast %parallel_loop3A_129 : vector<16xf32> to vector<16xi32>
          %parallel_loop3A_131 = arith.constant 17 : i32
          %parallel_loop3A_132 = vector.broadcast %parallel_loop3A_131 : i32 to vector<16xi32>
          %parallel_loop3A_133 = arith.shrui %parallel_loop3A_130, %parallel_loop3A_132 : vector<16xi32>
          %parallel_loop3A_134 = arith.constant 7 : i32
          %parallel_loop3A_135 = vector.broadcast %parallel_loop3A_134 : i32 to vector<16xi32>
          %parallel_loop3A_136 = arith.shrui %parallel_loop3A_133, %parallel_loop3A_135 : vector<16xi32>
          %parallel_loop3A_137 = arith.constant 127 : i32
          %parallel_loop3A_138 = vector.broadcast %parallel_loop3A_137 : i32 to vector<16xi32>
          %parallel_loop3A_139 = arith.andi %parallel_loop3A_133, %parallel_loop3A_138 : vector<16xi32>
          tpu.vector_store_idx %arg5[%parallel_loop3A_136, %parallel_loop3A_139], %broadcast_in_dim3A_10 {add = true} : memref<128x128xf32, #tpu.memory_space<vmem>>[vector<16xi32>, vector<16xi32>], vector<16xf32>,
          %parallel_loop3A_140 = arith.constant 1 : i32
          %parallel_loop3A_141 = arith.index_cast %parallel_loop3A_140 : i32 to index
          %parallel_loop3A_142 = arith.index_cast %parallel_loop3A_64 : i32 to index
          %parallel_loop3A_143 = arith.constant 80 : index
          %parallel_loop3A_144 = tpu.vector_load %arg4[%parallel_loop3A_141, %parallel_loop3A_142, %parallel_loop3A_143] {strides = array<i32>} : memref<2x80x128xf32, #tpu.memory_space<vmem>>, vector<16xf32>,
          %parallel_loop3A_145 = vector.bitcast %parallel_loop3A_144 : vector<16xf32> to vector<16xi32>
          %parallel_loop3A_146 = arith.constant 17 : i32
          %parallel_loop3A_147 = vector.broadcast %parallel_loop3A_146 : i32 to vector<16xi32>
          %parallel_loop3A_148 = arith.shrui %parallel_loop3A_145, %parallel_loop3A_147 : vector<16xi32>
          %parallel_loop3A_149 = arith.constant 7 : i32
          %parallel_loop3A_150 = vector.broadcast %parallel_loop3A_149 : i32 to vector<16xi32>
          %parallel_loop3A_151 = arith.shrui %parallel_loop3A_148, %parallel_loop3A_150 : vector<16xi32>
          %parallel_loop3A_152 = arith.constant 127 : i32
          %parallel_loop3A_153 = vector.broadcast %parallel_loop3A_152 : i32 to vector<16xi32>
          %parallel_loop3A_154 = arith.andi %parallel_loop3A_148, %parallel_loop3A_153 : vector<16xi32>
          tpu.vector_store_idx %arg5[%parallel_loop3A_151, %parallel_loop3A_154], %broadcast_in_dim3A_10 {add = true} : memref<128x128xf32, #tpu.memory_space<vmem>>[vector<16xi32>, vector<16xi32>], vector<16xf32>,
          %parallel_loop3A_155 = arith.constant 1 : i32
          %parallel_loop3A_156 = arith.index_cast %parallel_loop3A_155 : i32 to index
          %parallel_loop3A_157 = arith.index_cast %parallel_loop3A_64 : i32 to index
          %parallel_loop3A_158 = arith.constant 96 : index
          %parallel_loop3A_159 = tpu.vector_load %arg4[%parallel_loop3A_156, %parallel_loop3A_157, %parallel_loop3A_158] {strides = array<i32>} : memref<2x80x128xf32, #tpu.memory_space<vmem>>, vector<16xf32>,
          %parallel_loop3A_160 = vector.bitcast %parallel_loop3A_159 : vector<16xf32> to vector<16xi32>
          %parallel_loop3A_161 = arith.constant 17 : i32
          %parallel_loop3A_162 = vector.broadcast %parallel_loop3A_161 : i32 to vector<16xi32>
          %parallel_loop3A_163 = arith.shrui %parallel_loop3A_160, %parallel_loop3A_162 : vector<16xi32>
          %parallel_loop3A_164 = arith.constant 7 : i32
          %parallel_loop3A_165 = vector.broadcast %parallel_loop3A_164 : i32 to vector<16xi32>
          %parallel_loop3A_166 = arith.shrui %parallel_loop3A_163, %parallel_loop3A_165 : vector<16xi32>
          %parallel_loop3A_167 = arith.constant 127 : i32
          %parallel_loop3A_168 = vector.broadcast %parallel_loop3A_167 : i32 to vector<16xi32>
          %parallel_loop3A_169 = arith.andi %parallel_loop3A_163, %parallel_loop3A_168 : vector<16xi32>
          tpu.vector_store_idx %arg5[%parallel_loop3A_166, %parallel_loop3A_169], %broadcast_in_dim3A_10 {add = true} : memref<128x128xf32, #tpu.memory_space<vmem>>[vector<16xi32>, vector<16xi32>], vector<16xf32>,
          %parallel_loop3A_170 = arith.constant 1 : i32
          %parallel_loop3A_171 = arith.index_cast %parallel_loop3A_170 : i32 to index
          %parallel_loop3A_172 = arith.index_cast %parallel_loop3A_64 : i32 to index
          %parallel_loop3A_173 = arith.constant 112 : index
          %parallel_loop3A_174 = tpu.vector_load %arg4[%parallel_loop3A_171, %parallel_loop3A_172, %parallel_loop3A_173] {strides = array<i32>} : memref<2x80x128xf32, #tpu.memory_space<vmem>>, vector<16xf32>,
          %parallel_loop3A_175 = vector.bitcast %parallel_loop3A_174 : vector<16xf32> to vector<16xi32>
          %parallel_loop3A_176 = arith.constant 17 : i32
          %parallel_loop3A_177 = vector.broadcast %parallel_loop3A_176 : i32 to vector<16xi32>
          %parallel_loop3A_178 = arith.shrui %parallel_loop3A_175, %parallel_loop3A_177 : vector<16xi32>
          %parallel_loop3A_179 = arith.constant 7 : i32
          %parallel_loop3A_180 = vector.broadcast %parallel_loop3A_179 : i32 to vector<16xi32>
          %parallel_loop3A_181 = arith.shrui %parallel_loop3A_178, %parallel_loop3A_180 : vector<16xi32>
          %parallel_loop3A_182 = arith.constant 127 : i32
          %parallel_loop3A_183 = vector.broadcast %parallel_loop3A_182 : i32 to vector<16xi32>
          %parallel_loop3A_184 = arith.andi %parallel_loop3A_178, %parallel_loop3A_183 : vector<16xi32>
          tpu.vector_store_idx %arg5[%parallel_loop3A_181, %parallel_loop3A_184], %broadcast_in_dim3A_10 {add = true} : memref<128x128xf32, #tpu.memory_space<vmem>>[vector<16xi32>, vector<16xi32>], vector<16xf32>,
        } {sc.loop_unroll_factor = 4 : i64, sc.parallel_access}
        %add3A_58 = arith.constant 2 : i32
        %add3A_59 = arith.addi %add3A_36, %add3A_58 : i32
        %lt3A_60 = arith.cmpi slt, %add3A_59, %sub3A : i32
        %convert_element_type3A_61 = arith.extui %lt3A_60 : i1 to i32
        %cond3A_62 = arith.constant 0 : i32
        %cond3A_63 = arith.cmpi ne, %convert_element_type3A_61, %cond3A_62 : i32
        scf.if %cond3A_63 {
          %add3A_64 = arith.constant 2 : i32
          %add3A_65 = arith.addi %add3A_36, %add3A_64 : i32
          %add3A_66 = arith.addi %min3A_3, %add3A_65 : i32
          %mul3A_67 = arith.constant 128 : i32
          %mul3A_68 = arith.muli %add3A_66, %mul3A_67 : i32
          %dma_start3A = arith.constant 1 : i32
          %dma_start3A_69 = arith.constant 0 : i32
          %dma_start3A_70 = arith.constant 0 : i32
          %dma_start3A_71 = tpu.memref_slice %arg4[%dma_start3A, %dma_start3A_69, %dma_start3A_70] : memref<2x80x128xf32, #tpu.memory_space<vmem>> -> memref<1x80x128xf32, #tpu.memory_space<vmem>>
          %dma_start3A_72 = tpu.memref_squeeze %dma_start3A_71 : memref<1x80x128xf32, #tpu.memory_space<vmem>> -> memref<80x128xf32, #tpu.memory_space<vmem>>
          %dma_start3A_73 = arith.constant 0 : i32
          %dma_start3A_74 = tpu.memref_slice %arg2[%dma_start3A_73, %mul3A_68] : memref<80x50048xf32, #tpu.memory_space<hbm>> -> memref<80x128xf32, #tpu.memory_space<hbm>>
          %dma_start3A_75 = arith.constant 0 : i32
          %dma_start3A_76 = arith.constant 0 : i32
          %dma_start3A_77 = tpu.memref_slice %arg4[%dma_start3A, %dma_start3A_75, %dma_start3A_76] : memref<2x80x128xf32, #tpu.memory_space<vmem>> -> memref<1x80x128xf32, #tpu.memory_space<vmem>>
          %dma_start3A_78 = tpu.memref_squeeze %dma_start3A_77 : memref<1x80x128xf32, #tpu.memory_space<vmem>> -> memref<80x128xf32, #tpu.memory_space<vmem>>
          %dma_start3A_79 = arith.constant 0 : i32
          %dma_start3A_80 = tpu.memref_slice %arg2[%dma_start3A_79, %mul3A_68] : memref<80x50048xf32, #tpu.memory_space<hbm>> -> memref<80x128xf32, #tpu.memory_space<hbm>>
          tpu.enqueue_dma source(%dma_start3A_80 : memref<80x128xf32, #tpu.memory_space<hbm>>) target(%dma_start3A_78 : memref<80x128xf32, #tpu.memory_space<vmem>>) target_semaphore(%arg7 : memref<!tpu.dma_semaphore, #tpu.memory_space<semaphore_mem>>)
        } else {
        }
      } else {
      }
    }
    %scan3A_24 = arith.constant 7 : i32
    "tpu.region"() ({
      %run_scoped3A = tpu.sem_alloc : memref<!tpu.dma_semaphore, #tpu.memory_space<semaphore_mem>>
      %dma_start3A = arith.constant 0 : i32
      %dma_start3A_25 = arith.constant 0 : i32
      %dma_start3A_26 = tpu.memref_slice %arg3[%add3A, %dma_start3A, %dma_start3A_25] : memref<32x128x128xf32, #tpu.memory_space<hbm>> -> memref<1x128x128xf32, #tpu.memory_space<hbm>>
      %dma_start3A_27 = tpu.memref_squeeze %dma_start3A_26 : memref<1x128x128xf32, #tpu.memory_space<hbm>> -> memref<128x128xf32, #tpu.memory_space<hbm>>
      %dma_start3A_28 = arith.constant 0 : i32
      %dma_start3A_29 = arith.constant 0 : i32
      %dma_start3A_30 = tpu.memref_slice %arg3[%add3A, %dma_start3A_28, %dma_start3A_29] : memref<32x128x128xf32, #tpu.memory_space<hbm>> -> memref<1x128x128xf32, #tpu.memory_space<hbm>>
      %dma_start3A_31 = tpu.memref_squeeze %dma_start3A_30 : memref<1x128x128xf32, #tpu.memory_space<hbm>> -> memref<128x128xf32, #tpu.memory_space<hbm>>
      tpu.enqueue_dma source(%arg5 : memref<128x128xf32, #tpu.memory_space<vmem>>) target(%dma_start3A_31 : memref<128x128xf32, #tpu.memory_space<hbm>>) target_semaphore(%run_scoped3A : memref<!tpu.dma_semaphore, #tpu.memory_space<semaphore_mem>>)
      %dma_wait3A = arith.constant 0 : i32
      %dma_wait3A_32 = arith.constant 0 : i32
      %dma_wait3A_33 = tpu.memref_slice %arg3[%add3A, %dma_wait3A, %dma_wait3A_32] : memref<32x128x128xf32, #tpu.memory_space<hbm>> -> memref<1x128x128xf32, #tpu.memory_space<hbm>>
      %dma_wait3A_34 = tpu.memref_squeeze %dma_wait3A_33 : memref<1x128x128xf32, #tpu.memory_space<hbm>> -> memref<128x128xf32, #tpu.memory_space<hbm>>
      %dma_wait3A_35 = arith.constant 0 : i32
      %dma_wait3A_36 = arith.constant 0 : i32
      %dma_wait3A_37 = tpu.memref_slice %arg3[%add3A, %dma_wait3A_35, %dma_wait3A_36] : memref<32x128x128xf32, #tpu.memory_space<hbm>> -> memref<1x128x128xf32, #tpu.memory_space<hbm>>
      %dma_wait3A_38 = tpu.memref_squeeze %dma_wait3A_37 : memref<1x128x128xf32, #tpu.memory_space<hbm>> -> memref<128x128xf32, #tpu.memory_space<hbm>>
      tpu.wait_dma2 semaphore(%run_scoped3A : memref<!tpu.dma_semaphore, #tpu.memory_space<semaphore_mem>>) src(%arg5 : memref<128x128xf32, #tpu.memory_space<vmem>>) dst(%dma_wait3A_38 : memref<128x128xf32, #tpu.memory_space<hbm>>)
      tpu.yield
    }) : () -> ()
    return
  }
}

module attributes {stable_mosaic.version = 14 : i64} {
  func.func @_loss_body(%arg0: i32, %arg1: memref<80x2944xf32, #tpu.memory_space<vmem>>, %arg2: memref<1x2944xi32, #tpu.memory_space<vmem>>, %arg3: memref<80x2944xf32, #tpu.memory_space<vmem>>, %arg4: memref<1x1xf32, #tpu.memory_space<vmem>>) attributes {dimension_semantics = [#tpu.dimension_semantics<arbitrary>], iteration_bounds = array<i64: 17>, scalar_prefetch = 0 : i64, scratch_operands = 0 : i64, tpu.core_type = #tpu.core_type<tc>, window_params = [{transform_indices = @transform_0, window_bounds = array<i64: 80, 2944>}, {transform_indices = @transform_1, window_bounds = array<i64: 1, 2944>}, {transform_indices = @transform_2, window_bounds = array<i64: 80, 2944>}, {pipeline_mode = #tpu.pipeline_mode<synchronous>, transform_indices = @transform_3, window_bounds = array<i64: 1, 1>}]} {
    %get3A = arith.constant 0 : index
    %get3A_0 = arith.constant 0 : index
    %get3A_1 = vector.load %arg1[%get3A, %get3A_0] : memref<80x2944xf32, #tpu.memory_space<vmem>>, vector<80x2944xf32>
    %get3A_2 = arith.constant 0 : index
    %get3A_3 = arith.constant 0 : index
    %get3A_4 = vector.load %arg2[%get3A_2, %get3A_3] : memref<1x2944xi32, #tpu.memory_space<vmem>>, vector<1x2944xi32>
    %iota3A = tpu.iota {dimensions = array<i32: 0>} : vector<80x2944xi32>
    %eq3A = vector.broadcast %get3A_4 : vector<1x2944xi32> to vector<80x2944xi32>
    %eq3A_5 = arith.cmpi eq, %iota3A, %eq3A : vector<80x2944xi32>
    %jit3A = arith.constant 1.000000e+00 : f32
    %jit3A_6 = arith.constant 0.000000e+00 : f32
    %broadcast_in_dim3A = vector.broadcast %jit3A : f32 to vector<80x2944xf32>
    %broadcast_in_dim3A_7 = vector.broadcast %jit3A_6 : f32 to vector<80x2944xf32>
    %select_n3A = arith.select %eq3A_5, %broadcast_in_dim3A, %broadcast_in_dim3A_7 : vector<80x2944xi1>, vector<80x2944xf32>
    %abs3A = math.absf %get3A_1 : vector<80x2944xf32>
    %neg3A = arith.constant 0.000000e+00 : f32
    %neg3A_8 = vector.broadcast %neg3A : f32 to vector<80x2944xf32>
    %neg3A_9 = arith.subf %neg3A_8, %abs3A : vector<80x2944xf32>
    %exp3A = math.exp %neg3A_9 : vector<80x2944xf32>
    %add3A = arith.constant 1.000000e+00 : f32
    %add3A_10 = vector.broadcast %add3A : f32 to vector<80x2944xf32>
    %add3A_11 = arith.addf %add3A_10, %exp3A : vector<80x2944xf32>
    %log3A = math.log %add3A_11 : vector<80x2944xf32>
    %ge3A = arith.constant 0.000000e+00 : f32
    %ge3A_12 = vector.broadcast %ge3A : f32 to vector<80x2944xf32>
    %ge3A_13 = arith.cmpf oge, %get3A_1, %ge3A_12 : vector<80x2944xf32>
    %jit3A_14 = arith.constant 1.000000e+00 : f32
    %broadcast_in_dim3A_15 = vector.broadcast %jit3A_14 : f32 to vector<80x2944xf32>
    %select_n3A_16 = arith.select %ge3A_13, %broadcast_in_dim3A_15, %exp3A : vector<80x2944xi1>, vector<80x2944xf32>
    %div3A = arith.divf %select_n3A_16, %add3A_11 : vector<80x2944xf32>
    %add3A_17 = arith.addf %div3A, %select_n3A : vector<80x2944xf32>
    %mul3A = arith.constant 2.000000e+00 : f32
    %mul3A_18 = vector.broadcast %mul3A : f32 to vector<80x2944xf32>
    %mul3A_19 = arith.mulf %mul3A_18, %div3A : vector<80x2944xf32>
    %mul3A_20 = arith.mulf %mul3A_19, %select_n3A : vector<80x2944xf32>
    %sub3A = arith.subf %add3A_17, %mul3A_20 : vector<80x2944xf32>
    %mul3A_21 = arith.constant -5.000000e-01 : f32
    %mul3A_22 = vector.broadcast %mul3A_21 : f32 to vector<80x2944xf32>
    %mul3A_23 = arith.mulf %mul3A_22, %select_n3A : vector<80x2944xf32>
    %add3A_24 = arith.constant 7.500000e-01 : f32
    %add3A_25 = vector.broadcast %add3A_24 : f32 to vector<80x2944xf32>
    %add3A_26 = arith.addf %add3A_25, %mul3A_23 : vector<80x2944xf32>
    %max3A = arith.constant 0.000000e+00 : f32
    %max3A_27 = vector.broadcast %max3A : f32 to vector<80x2944xf32>
    %max3A_28 = arith.maximumf %get3A_1, %max3A_27 : vector<80x2944xf32>
    %mul3A_29 = arith.mulf %get3A_1, %select_n3A : vector<80x2944xf32>
    %sub3A_30 = arith.subf %max3A_28, %mul3A_29 : vector<80x2944xf32>
    %add3A_31 = arith.addf %sub3A_30, %log3A : vector<80x2944xf32>
    %mul3A_32 = arith.mulf %sub3A, %sub3A : vector<80x2944xf32>
    %mul3A_33 = arith.mulf %add3A_26, %mul3A_32 : vector<80x2944xf32>
    %mul3A_34 = arith.mulf %mul3A_33, %add3A_31 : vector<80x2944xf32>
    %mul3A_35 = arith.constant 2944 : i32
    %mul3A_36 = arith.muli %arg0, %mul3A_35 : i32
    %add3A_37 = arith.constant 0 : i32
    %add3A_38 = arith.addi %add3A_37, %mul3A_36 : i32
    %iota3A_39 = tpu.iota {dimensions = array<i32: 1>} : vector<80x2944xi32>
    %add3A_40 = vector.broadcast %add3A_38 : i32 to vector<80x2944xi32>
    %add3A_41 = arith.addi %add3A_40, %iota3A_39 : vector<80x2944xi32>
    %lt3A = arith.constant 100000 : i32
    %lt3A_42 = vector.broadcast %lt3A : i32 to vector<80x2944xi32>
    %lt3A_43 = arith.cmpi slt, %add3A_41, %lt3A_42 : vector<80x2944xi32>
    %jit3A_44 = arith.constant 0.000000e+00 : f32
    %broadcast_in_dim3A_45 = vector.broadcast %jit3A_44 : f32 to vector<80x2944xf32>
    %select_n3A_46 = arith.select %lt3A_43, %mul3A_34, %broadcast_in_dim3A_45 : vector<80x2944xi1>, vector<80x2944xf32>
    %swap3A = arith.constant 0 : index
    %swap3A_47 = arith.constant 0 : index
    %swap3A_48 = vector.load %arg3[%swap3A, %swap3A_47] : memref<80x2944xf32, #tpu.memory_space<vmem>>, vector<80x2944xf32>
    tpu.vector_store %arg3[%swap3A, %swap3A_47], %select_n3A_46 {strides = array<i32>} : memref<80x2944xf32, #tpu.memory_space<vmem>>, vector<80x2944xf32>,
    %eq3A_49 = arith.constant 0 : i32
    %eq3A_50 = arith.cmpi eq, %arg0, %eq3A_49 : i32
    %convert_element_type3A = arith.extui %eq3A_50 : i1 to i32
    %cond3A = arith.constant 0 : i32
    %cond3A_51 = arith.cmpi ne, %convert_element_type3A, %cond3A : i32
    scf.if %cond3A_51 {
      %broadcast_in_dim3A_64 = arith.constant 0.000000e+00 : f32
      %broadcast_in_dim3A_65 = vector.broadcast %broadcast_in_dim3A_64 : f32 to vector<1x1xf32>
      %swap3A_66 = arith.constant 0 : index
      %swap3A_67 = arith.constant 0 : index
      %swap3A_68 = vector.load %arg4[%swap3A_66, %swap3A_67] : memref<1x1xf32, #tpu.memory_space<vmem>>, vector<1x1xf32>
      tpu.vector_store %arg4[%swap3A_66, %swap3A_67], %broadcast_in_dim3A_65 {strides = array<i32>} : memref<1x1xf32, #tpu.memory_space<vmem>>, vector<1x1xf32>,
    } else {
    }
    %get3A_52 = arith.constant 0 : index
    %get3A_53 = arith.constant 0 : index
    %get3A_54 = vector.load %arg4[%get3A_52, %get3A_53] : memref<1x1xf32, #tpu.memory_space<vmem>>, vector<1x1xf32>
    %reduce_sum3A = vector.shape_cast %select_n3A_46 : vector<80x2944xf32> to vector<1x80x2944xf32>
    %reduce_sum3A_55 = arith.constant dense<0.000000e+00> : vector<1xf32>
    %reduce_sum3A_56 = vector.multi_reduction <add>, %reduce_sum3A, %reduce_sum3A_55 [1, 2] : vector<1x80x2944xf32> to vector<1xf32>
    %reduce_sum3A_57 = vector.shape_cast %reduce_sum3A_56 : vector<1xf32> to vector<1x1x1xf32>
    %reduce_sum3A_58 = vector.extract %reduce_sum3A_57[0, 0, 0] : f32 from vector<1x1x1xf32>
    %broadcast_in_dim3A_59 = vector.broadcast %reduce_sum3A_58 : f32 to vector<1x1xf32>
    %add3A_60 = arith.addf %get3A_54, %broadcast_in_dim3A_59 : vector<1x1xf32>
    %swap3A_61 = arith.constant 0 : index
    %swap3A_62 = arith.constant 0 : index
    %swap3A_63 = vector.load %arg4[%swap3A_61, %swap3A_62] : memref<1x1xf32, #tpu.memory_space<vmem>>, vector<1x1xf32>
    tpu.vector_store %arg4[%swap3A_61, %swap3A_62], %add3A_60 {strides = array<i32>} : memref<1x1xf32, #tpu.memory_space<vmem>>, vector<1x1xf32>,
    return
  }
  func.func @transform_0(%arg0: i32) -> (i32, i32) {
    %add3A = arith.constant 0 : i32
    %add3A_0 = arith.addi %arg0, %add3A : i32
    %c0_i32 = arith.constant 0 : i32
    %c0_i32_1 = arith.constant 0 : i32
    return %c0_i32, %add3A_0 : i32, i32
  }
  func.func @transform_1(%arg0: i32) -> (i32, i32) {
    %add3A = arith.constant 0 : i32
    %add3A_0 = arith.addi %arg0, %add3A : i32
    %c0_i32 = arith.constant 0 : i32
    %c0_i32_1 = arith.constant 0 : i32
    return %c0_i32, %add3A_0 : i32, i32
  }
  func.func @transform_2(%arg0: i32) -> (i32, i32) {
    %c0_i32 = arith.constant 0 : i32
    %c0_i32_0 = arith.constant 0 : i32
    return %c0_i32, %arg0 : i32, i32
  }
  func.func @transform_3(%arg0: i32) -> (i32, i32) {
    %c0_i32 = arith.constant 0 : i32
    %c0_i32_0 = arith.constant 0 : i32
    %c0_i32_1 = arith.constant 0 : i32
    return %c0_i32, %c0_i32_0 : i32, i32
  }
}

module attributes {stable_mosaic.version = 14 : i64} {
  func.func @_loss_body(%arg0: i32, %arg1: memref<80x2944xf32, #tpu.memory_space<vmem>>, %arg2: memref<1x2944xi32, #tpu.memory_space<vmem>>, %arg3: memref<80x2944xf32, #tpu.memory_space<vmem>>, %arg4: memref<1x1xf32, #tpu.memory_space<vmem>>) attributes {dimension_semantics = [#tpu.dimension_semantics<arbitrary>], iteration_bounds = array<i64: 17>, scalar_prefetch = 0 : i64, scratch_operands = 0 : i64, tpu.core_type = #tpu.core_type<tc>, window_params = [{transform_indices = @transform_0, window_bounds = array<i64: 80, 2944>}, {transform_indices = @transform_1, window_bounds = array<i64: 1, 2944>}, {transform_indices = @transform_2, window_bounds = array<i64: 80, 2944>}, {pipeline_mode = #tpu.pipeline_mode<synchronous>, transform_indices = @transform_3, window_bounds = array<i64: 1, 1>}]} {
    %get3A = arith.constant 0 : index
    %get3A_0 = arith.constant 0 : index
    %get3A_1 = vector.load %arg1[%get3A, %get3A_0] : memref<80x2944xf32, #tpu.memory_space<vmem>>, vector<80x2944xf32>
    %get3A_2 = arith.constant 0 : index
    %get3A_3 = arith.constant 0 : index
    %get3A_4 = vector.load %arg2[%get3A_2, %get3A_3] : memref<1x2944xi32, #tpu.memory_space<vmem>>, vector<1x2944xi32>
    %iota3A = tpu.iota {dimensions = array<i32: 0>} : vector<80x2944xi32>
    %eq3A = vector.broadcast %get3A_4 : vector<1x2944xi32> to vector<80x2944xi32>
    %eq3A_5 = arith.cmpi eq, %iota3A, %eq3A : vector<80x2944xi32>
    %jit3A = arith.constant 1.000000e+00 : f32
    %jit3A_6 = arith.constant 0.000000e+00 : f32
    %broadcast_in_dim3A = vector.broadcast %jit3A : f32 to vector<80x2944xf32>
    %broadcast_in_dim3A_7 = vector.broadcast %jit3A_6 : f32 to vector<80x2944xf32>
    %select_n3A = arith.select %eq3A_5, %broadcast_in_dim3A, %broadcast_in_dim3A_7 : vector<80x2944xi1>, vector<80x2944xf32>
    %abs3A = math.absf %get3A_1 : vector<80x2944xf32>
    %neg3A = arith.constant 0.000000e+00 : f32
    %neg3A_8 = vector.broadcast %neg3A : f32 to vector<80x2944xf32>
    %neg3A_9 = arith.subf %neg3A_8, %abs3A : vector<80x2944xf32>
    %exp3A = math.exp %neg3A_9 : vector<80x2944xf32>
    %add3A = arith.constant 1.000000e+00 : f32
    %add3A_10 = vector.broadcast %add3A : f32 to vector<80x2944xf32>
    %add3A_11 = arith.addf %add3A_10, %exp3A : vector<80x2944xf32>
    %log3A = math.log %add3A_11 : vector<80x2944xf32>
    %ge3A = arith.constant 0.000000e+00 : f32
    %ge3A_12 = vector.broadcast %ge3A : f32 to vector<80x2944xf32>
    %ge3A_13 = arith.cmpf oge, %get3A_1, %ge3A_12 : vector<80x2944xf32>
    %jit3A_14 = arith.constant 1.000000e+00 : f32
    %broadcast_in_dim3A_15 = vector.broadcast %jit3A_14 : f32 to vector<80x2944xf32>
    %select_n3A_16 = arith.select %ge3A_13, %broadcast_in_dim3A_15, %exp3A : vector<80x2944xi1>, vector<80x2944xf32>
    %div3A = arith.divf %select_n3A_16, %add3A_11 : vector<80x2944xf32>
    %add3A_17 = arith.addf %div3A, %select_n3A : vector<80x2944xf32>
    %mul3A = arith.constant 2.000000e+00 : f32
    %mul3A_18 = vector.broadcast %mul3A : f32 to vector<80x2944xf32>
    %mul3A_19 = arith.mulf %mul3A_18, %div3A : vector<80x2944xf32>
    %mul3A_20 = arith.mulf %mul3A_19, %select_n3A : vector<80x2944xf32>
    %sub3A = arith.subf %add3A_17, %mul3A_20 : vector<80x2944xf32>
    %mul3A_21 = arith.constant -5.000000e-01 : f32
    %mul3A_22 = vector.broadcast %mul3A_21 : f32 to vector<80x2944xf32>
    %mul3A_23 = arith.mulf %mul3A_22, %select_n3A : vector<80x2944xf32>
    %add3A_24 = arith.constant 7.500000e-01 : f32
    %add3A_25 = vector.broadcast %add3A_24 : f32 to vector<80x2944xf32>
    %add3A_26 = arith.addf %add3A_25, %mul3A_23 : vector<80x2944xf32>
    %max3A = arith.constant 0.000000e+00 : f32
    %max3A_27 = vector.broadcast %max3A : f32 to vector<80x2944xf32>
    %max3A_28 = arith.maximumf %get3A_1, %max3A_27 : vector<80x2944xf32>
    %mul3A_29 = arith.mulf %get3A_1, %select_n3A : vector<80x2944xf32>
    %sub3A_30 = arith.subf %max3A_28, %mul3A_29 : vector<80x2944xf32>
    %add3A_31 = arith.addf %sub3A_30, %log3A : vector<80x2944xf32>
    %mul3A_32 = arith.mulf %sub3A, %sub3A : vector<80x2944xf32>
    %mul3A_33 = arith.mulf %add3A_26, %mul3A_32 : vector<80x2944xf32>
    %mul3A_34 = arith.mulf %mul3A_33, %add3A_31 : vector<80x2944xf32>
    %mul3A_35 = arith.constant 2944 : i32
    %mul3A_36 = arith.muli %arg0, %mul3A_35 : i32
    %add3A_37 = arith.constant 50048 : i32
    %add3A_38 = arith.addi %add3A_37, %mul3A_36 : i32
    %iota3A_39 = tpu.iota {dimensions = array<i32: 1>} : vector<80x2944xi32>
    %add3A_40 = vector.broadcast %add3A_38 : i32 to vector<80x2944xi32>
    %add3A_41 = arith.addi %add3A_40, %iota3A_39 : vector<80x2944xi32>
    %lt3A = arith.constant 100000 : i32
    %lt3A_42 = vector.broadcast %lt3A : i32 to vector<80x2944xi32>
    %lt3A_43 = arith.cmpi slt, %add3A_41, %lt3A_42 : vector<80x2944xi32>
    %jit3A_44 = arith.constant 0.000000e+00 : f32
    %broadcast_in_dim3A_45 = vector.broadcast %jit3A_44 : f32 to vector<80x2944xf32>
    %select_n3A_46 = arith.select %lt3A_43, %mul3A_34, %broadcast_in_dim3A_45 : vector<80x2944xi1>, vector<80x2944xf32>
    %swap3A = arith.constant 0 : index
    %swap3A_47 = arith.constant 0 : index
    %swap3A_48 = vector.load %arg3[%swap3A, %swap3A_47] : memref<80x2944xf32, #tpu.memory_space<vmem>>, vector<80x2944xf32>
    tpu.vector_store %arg3[%swap3A, %swap3A_47], %select_n3A_46 {strides = array<i32>} : memref<80x2944xf32, #tpu.memory_space<vmem>>, vector<80x2944xf32>,
    %eq3A_49 = arith.constant 0 : i32
    %eq3A_50 = arith.cmpi eq, %arg0, %eq3A_49 : i32
    %convert_element_type3A = arith.extui %eq3A_50 : i1 to i32
    %cond3A = arith.constant 0 : i32
    %cond3A_51 = arith.cmpi ne, %convert_element_type3A, %cond3A : i32
    scf.if %cond3A_51 {
      %broadcast_in_dim3A_64 = arith.constant 0.000000e+00 : f32
      %broadcast_in_dim3A_65 = vector.broadcast %broadcast_in_dim3A_64 : f32 to vector<1x1xf32>
      %swap3A_66 = arith.constant 0 : index
      %swap3A_67 = arith.constant 0 : index
      %swap3A_68 = vector.load %arg4[%swap3A_66, %swap3A_67] : memref<1x1xf32, #tpu.memory_space<vmem>>, vector<1x1xf32>
      tpu.vector_store %arg4[%swap3A_66, %swap3A_67], %broadcast_in_dim3A_65 {strides = array<i32>} : memref<1x1xf32, #tpu.memory_space<vmem>>, vector<1x1xf32>,
    } else {
    }
    %get3A_52 = arith.constant 0 : index
    %get3A_53 = arith.constant 0 : index
    %get3A_54 = vector.load %arg4[%get3A_52, %get3A_53] : memref<1x1xf32, #tpu.memory_space<vmem>>, vector<1x1xf32>
    %reduce_sum3A = vector.shape_cast %select_n3A_46 : vector<80x2944xf32> to vector<1x80x2944xf32>
    %reduce_sum3A_55 = arith.constant dense<0.000000e+00> : vector<1xf32>
    %reduce_sum3A_56 = vector.multi_reduction <add>, %reduce_sum3A, %reduce_sum3A_55 [1, 2] : vector<1x80x2944xf32> to vector<1xf32>
    %reduce_sum3A_57 = vector.shape_cast %reduce_sum3A_56 : vector<1xf32> to vector<1x1x1xf32>
    %reduce_sum3A_58 = vector.extract %reduce_sum3A_57[0, 0, 0] : f32 from vector<1x1x1xf32>
    %broadcast_in_dim3A_59 = vector.broadcast %reduce_sum3A_58 : f32 to vector<1x1xf32>
    %add3A_60 = arith.addf %get3A_54, %broadcast_in_dim3A_59 : vector<1x1xf32>
    %swap3A_61 = arith.constant 0 : index
    %swap3A_62 = arith.constant 0 : index
    %swap3A_63 = vector.load %arg4[%swap3A_61, %swap3A_62] : memref<1x1xf32, #tpu.memory_space<vmem>>, vector<1x1xf32>
    tpu.vector_store %arg4[%swap3A_61, %swap3A_62], %add3A_60 {strides = array<i32>} : memref<1x1xf32, #tpu.memory_space<vmem>>, vector<1x1xf32>,
    return
  }
  func.func @transform_0(%arg0: i32) -> (i32, i32) {
    %add3A = arith.constant 17 : i32
    %add3A_0 = arith.addi %arg0, %add3A : i32
    %c0_i32 = arith.constant 0 : i32
    %c0_i32_1 = arith.constant 0 : i32
    return %c0_i32, %add3A_0 : i32, i32
  }
  func.func @transform_1(%arg0: i32) -> (i32, i32) {
    %add3A = arith.constant 17 : i32
    %add3A_0 = arith.addi %arg0, %add3A : i32
    %c0_i32 = arith.constant 0 : i32
    %c0_i32_1 = arith.constant 0 : i32
    return %c0_i32, %add3A_0 : i32, i32
  }
  func.func @transform_2(%arg0: i32) -> (i32, i32) {
    %c0_i32 = arith.constant 0 : i32
    %c0_i32_0 = arith.constant 0 : i32
    return %c0_i32, %arg0 : i32, i32
  }
  func.func @transform_3(%arg0: i32) -> (i32, i32) {
    %c0_i32 = arith.constant 0 : i32
    %c0_i32_0 = arith.constant 0 : i32
    %c0_i32_1 = arith.constant 0 : i32
    return %c0_i32, %c0_i32_0 : i32, i32
  }
}

module attributes {stable_mosaic.version = 14 : i64} {
  func.func @_select_body(%arg0: memref<32x128x128xf32, #tpu.memory_space<vmem>>, %arg1: memref<32x128x128xf32, #tpu.memory_space<vmem>>, %arg2: memref<1x1xf32, #tpu.memory_space<vmem>>, %arg3: memref<1x1xf32, #tpu.memory_space<vmem>>) attributes {dimension_semantics = [], scalar_prefetch = 0 : i64, scratch_operands = 0 : i64, tpu.core_type = #tpu.core_type<tc>} {
    %broadcast_in_dim3A = arith.constant 0.000000e+00 : f32
    %broadcast_in_dim3A_0 = vector.broadcast %broadcast_in_dim3A : f32 to vector<128x128xf32>
    %get3A = arith.constant 0 : index
    %get3A_1 = arith.constant 0 : index
    %get3A_2 = arith.constant 0 : index
    %get3A_3 = vector.load %arg0[%get3A, %get3A_1, %get3A_2] : memref<32x128x128xf32, #tpu.memory_space<vmem>>, vector<1x128x128xf32>
    %get3A_4 = vector.shape_cast %get3A_3 : vector<1x128x128xf32> to vector<128x128xf32>
    %add3A = arith.addf %broadcast_in_dim3A_0, %get3A_4 : vector<128x128xf32>
    %get3A_5 = arith.constant 0 : index
    %get3A_6 = arith.constant 0 : index
    %get3A_7 = arith.constant 0 : index
    %get3A_8 = vector.load %arg1[%get3A_5, %get3A_6, %get3A_7] : memref<32x128x128xf32, #tpu.memory_space<vmem>>, vector<1x128x128xf32>
    %get3A_9 = vector.shape_cast %get3A_8 : vector<1x128x128xf32> to vector<128x128xf32>
    %add3A_10 = arith.addf %add3A, %get3A_9 : vector<128x128xf32>
    %get3A_11 = arith.constant 1 : index
    %get3A_12 = arith.constant 0 : index
    %get3A_13 = arith.constant 0 : index
    %get3A_14 = vector.load %arg0[%get3A_11, %get3A_12, %get3A_13] : memref<32x128x128xf32, #tpu.memory_space<vmem>>, vector<1x128x128xf32>
    %get3A_15 = vector.shape_cast %get3A_14 : vector<1x128x128xf32> to vector<128x128xf32>
    %add3A_16 = arith.addf %add3A_10, %get3A_15 : vector<128x128xf32>
    %get3A_17 = arith.constant 1 : index
    %get3A_18 = arith.constant 0 : index
    %get3A_19 = arith.constant 0 : index
    %get3A_20 = vector.load %arg1[%get3A_17, %get3A_18, %get3A_19] : memref<32x128x128xf32, #tpu.memory_space<vmem>>, vector<1x128x128xf32>
    %get3A_21 = vector.shape_cast %get3A_20 : vector<1x128x128xf32> to vector<128x128xf32>
    %add3A_22 = arith.addf %add3A_16, %get3A_21 : vector<128x128xf32>
    %get3A_23 = arith.constant 2 : index
    %get3A_24 = arith.constant 0 : index
    %get3A_25 = arith.constant 0 : index
    %get3A_26 = vector.load %arg0[%get3A_23, %get3A_24, %get3A_25] : memref<32x128x128xf32, #tpu.memory_space<vmem>>, vector<1x128x128xf32>
    %get3A_27 = vector.shape_cast %get3A_26 : vector<1x128x128xf32> to vector<128x128xf32>
    %add3A_28 = arith.addf %add3A_22, %get3A_27 : vector<128x128xf32>
    %get3A_29 = arith.constant 2 : index
    %get3A_30 = arith.constant 0 : index
    %get3A_31 = arith.constant 0 : index
    %get3A_32 = vector.load %arg1[%get3A_29, %get3A_30, %get3A_31] : memref<32x128x128xf32, #tpu.memory_space<vmem>>, vector<1x128x128xf32>
    %get3A_33 = vector.shape_cast %get3A_32 : vector<1x128x128xf32> to vector<128x128xf32>
    %add3A_34 = arith.addf %add3A_28, %get3A_33 : vector<128x128xf32>
    %get3A_35 = arith.constant 3 : index
    %get3A_36 = arith.constant 0 : index
    %get3A_37 = arith.constant 0 : index
    %get3A_38 = vector.load %arg0[%get3A_35, %get3A_36, %get3A_37] : memref<32x128x128xf32, #tpu.memory_space<vmem>>, vector<1x128x128xf32>
    %get3A_39 = vector.shape_cast %get3A_38 : vector<1x128x128xf32> to vector<128x128xf32>
    %add3A_40 = arith.addf %add3A_34, %get3A_39 : vector<128x128xf32>
    %get3A_41 = arith.constant 3 : index
    %get3A_42 = arith.constant 0 : index
    %get3A_43 = arith.constant 0 : index
    %get3A_44 = vector.load %arg1[%get3A_41, %get3A_42, %get3A_43] : memref<32x128x128xf32, #tpu.memory_space<vmem>>, vector<1x128x128xf32>
    %get3A_45 = vector.shape_cast %get3A_44 : vector<1x128x128xf32> to vector<128x128xf32>
    %add3A_46 = arith.addf %add3A_40, %get3A_45 : vector<128x128xf32>
    %get3A_47 = arith.constant 4 : index
    %get3A_48 = arith.constant 0 : index
    %get3A_49 = arith.constant 0 : index
    %get3A_50 = vector.load %arg0[%get3A_47, %get3A_48, %get3A_49] : memref<32x128x128xf32, #tpu.memory_space<vmem>>, vector<1x128x128xf32>
    %get3A_51 = vector.shape_cast %get3A_50 : vector<1x128x128xf32> to vector<128x128xf32>
    %add3A_52 = arith.addf %add3A_46, %get3A_51 : vector<128x128xf32>
    %get3A_53 = arith.constant 4 : index
    %get3A_54 = arith.constant 0 : index
    %get3A_55 = arith.constant 0 : index
    %get3A_56 = vector.load %arg1[%get3A_53, %get3A_54, %get3A_55] : memref<32x128x128xf32, #tpu.memory_space<vmem>>, vector<1x128x128xf32>
    %get3A_57 = vector.shape_cast %get3A_56 : vector<1x128x128xf32> to vector<128x128xf32>
    %add3A_58 = arith.addf %add3A_52, %get3A_57 : vector<128x128xf32>
    %get3A_59 = arith.constant 5 : index
    %get3A_60 = arith.constant 0 : index
    %get3A_61 = arith.constant 0 : index
    %get3A_62 = vector.load %arg0[%get3A_59, %get3A_60, %get3A_61] : memref<32x128x128xf32, #tpu.memory_space<vmem>>, vector<1x128x128xf32>
    %get3A_63 = vector.shape_cast %get3A_62 : vector<1x128x128xf32> to vector<128x128xf32>
    %add3A_64 = arith.addf %add3A_58, %get3A_63 : vector<128x128xf32>
    %get3A_65 = arith.constant 5 : index
    %get3A_66 = arith.constant 0 : index
    %get3A_67 = arith.constant 0 : index
    %get3A_68 = vector.load %arg1[%get3A_65, %get3A_66, %get3A_67] : memref<32x128x128xf32, #tpu.memory_space<vmem>>, vector<1x128x128xf32>
    %get3A_69 = vector.shape_cast %get3A_68 : vector<1x128x128xf32> to vector<128x128xf32>
    %add3A_70 = arith.addf %add3A_64, %get3A_69 : vector<128x128xf32>
    %get3A_71 = arith.constant 6 : index
    %get3A_72 = arith.constant 0 : index
    %get3A_73 = arith.constant 0 : index
    %get3A_74 = vector.load %arg0[%get3A_71, %get3A_72, %get3A_73] : memref<32x128x128xf32, #tpu.memory_space<vmem>>, vector<1x128x128xf32>
    %get3A_75 = vector.shape_cast %get3A_74 : vector<1x128x128xf32> to vector<128x128xf32>
    %add3A_76 = arith.addf %add3A_70, %get3A_75 : vector<128x128xf32>
    %get3A_77 = arith.constant 6 : index
    %get3A_78 = arith.constant 0 : index
    %get3A_79 = arith.constant 0 : index
    %get3A_80 = vector.load %arg1[%get3A_77, %get3A_78, %get3A_79] : memref<32x128x128xf32, #tpu.memory_space<vmem>>, vector<1x128x128xf32>
    %get3A_81 = vector.shape_cast %get3A_80 : vector<1x128x128xf32> to vector<128x128xf32>
    %add3A_82 = arith.addf %add3A_76, %get3A_81 : vector<128x128xf32>
    %get3A_83 = arith.constant 7 : index
    %get3A_84 = arith.constant 0 : index
    %get3A_85 = arith.constant 0 : index
    %get3A_86 = vector.load %arg0[%get3A_83, %get3A_84, %get3A_85] : memref<32x128x128xf32, #tpu.memory_space<vmem>>, vector<1x128x128xf32>
    %get3A_87 = vector.shape_cast %get3A_86 : vector<1x128x128xf32> to vector<128x128xf32>
    %add3A_88 = arith.addf %add3A_82, %get3A_87 : vector<128x128xf32>
    %get3A_89 = arith.constant 7 : index
    %get3A_90 = arith.constant 0 : index
    %get3A_91 = arith.constant 0 : index
    %get3A_92 = vector.load %arg1[%get3A_89, %get3A_90, %get3A_91] : memref<32x128x128xf32, #tpu.memory_space<vmem>>, vector<1x128x128xf32>
    %get3A_93 = vector.shape_cast %get3A_92 : vector<1x128x128xf32> to vector<128x128xf32>
    %add3A_94 = arith.addf %add3A_88, %get3A_93 : vector<128x128xf32>
    %get3A_95 = arith.constant 8 : index
    %get3A_96 = arith.constant 0 : index
    %get3A_97 = arith.constant 0 : index
    %get3A_98 = vector.load %arg0[%get3A_95, %get3A_96, %get3A_97] : memref<32x128x128xf32, #tpu.memory_space<vmem>>, vector<1x128x128xf32>
    %get3A_99 = vector.shape_cast %get3A_98 : vector<1x128x128xf32> to vector<128x128xf32>
    %add3A_100 = arith.addf %add3A_94, %get3A_99 : vector<128x128xf32>
    %get3A_101 = arith.constant 8 : index
    %get3A_102 = arith.constant 0 : index
    %get3A_103 = arith.constant 0 : index
    %get3A_104 = vector.load %arg1[%get3A_101, %get3A_102, %get3A_103] : memref<32x128x128xf32, #tpu.memory_space<vmem>>, vector<1x128x128xf32>
    %get3A_105 = vector.shape_cast %get3A_104 : vector<1x128x128xf32> to vector<128x128xf32>
    %add3A_106 = arith.addf %add3A_100, %get3A_105 : vector<128x128xf32>
    %get3A_107 = arith.constant 9 : index
    %get3A_108 = arith.constant 0 : index
    %get3A_109 = arith.constant 0 : index
    %get3A_110 = vector.load %arg0[%get3A_107, %get3A_108, %get3A_109] : memref<32x128x128xf32, #tpu.memory_space<vmem>>, vector<1x128x128xf32>
    %get3A_111 = vector.shape_cast %get3A_110 : vector<1x128x128xf32> to vector<128x128xf32>
    %add3A_112 = arith.addf %add3A_106, %get3A_111 : vector<128x128xf32>
    %get3A_113 = arith.constant 9 : index
    %get3A_114 = arith.constant 0 : index
    %get3A_115 = arith.constant 0 : index
    %get3A_116 = vector.load %arg1[%get3A_113, %get3A_114, %get3A_115] : memref<32x128x128xf32, #tpu.memory_space<vmem>>, vector<1x128x128xf32>
    %get3A_117 = vector.shape_cast %get3A_116 : vector<1x128x128xf32> to vector<128x128xf32>
    %add3A_118 = arith.addf %add3A_112, %get3A_117 : vector<128x128xf32>
    %get3A_119 = arith.constant 10 : index
    %get3A_120 = arith.constant 0 : index
    %get3A_121 = arith.constant 0 : index
    %get3A_122 = vector.load %arg0[%get3A_119, %get3A_120, %get3A_121] : memref<32x128x128xf32, #tpu.memory_space<vmem>>, vector<1x128x128xf32>
    %get3A_123 = vector.shape_cast %get3A_122 : vector<1x128x128xf32> to vector<128x128xf32>
    %add3A_124 = arith.addf %add3A_118, %get3A_123 : vector<128x128xf32>
    %get3A_125 = arith.constant 10 : index
    %get3A_126 = arith.constant 0 : index
    %get3A_127 = arith.constant 0 : index
    %get3A_128 = vector.load %arg1[%get3A_125, %get3A_126, %get3A_127] : memref<32x128x128xf32, #tpu.memory_space<vmem>>, vector<1x128x128xf32>
    %get3A_129 = vector.shape_cast %get3A_128 : vector<1x128x128xf32> to vector<128x128xf32>
    %add3A_130 = arith.addf %add3A_124, %get3A_129 : vector<128x128xf32>
    %get3A_131 = arith.constant 11 : index
    %get3A_132 = arith.constant 0 : index
    %get3A_133 = arith.constant 0 : index
    %get3A_134 = vector.load %arg0[%get3A_131, %get3A_132, %get3A_133] : memref<32x128x128xf32, #tpu.memory_space<vmem>>, vector<1x128x128xf32>
    %get3A_135 = vector.shape_cast %get3A_134 : vector<1x128x128xf32> to vector<128x128xf32>
    %add3A_136 = arith.addf %add3A_130, %get3A_135 : vector<128x128xf32>
    %get3A_137 = arith.constant 11 : index
    %get3A_138 = arith.constant 0 : index
    %get3A_139 = arith.constant 0 : index
    %get3A_140 = vector.load %arg1[%get3A_137, %get3A_138, %get3A_139] : memref<32x128x128xf32, #tpu.memory_space<vmem>>, vector<1x128x128xf32>
    %get3A_141 = vector.shape_cast %get3A_140 : vector<1x128x128xf32> to vector<128x128xf32>
    %add3A_142 = arith.addf %add3A_136, %get3A_141 : vector<128x128xf32>
    %get3A_143 = arith.constant 12 : index
    %get3A_144 = arith.constant 0 : index
    %get3A_145 = arith.constant 0 : index
    %get3A_146 = vector.load %arg0[%get3A_143, %get3A_144, %get3A_145] : memref<32x128x128xf32, #tpu.memory_space<vmem>>, vector<1x128x128xf32>
    %get3A_147 = vector.shape_cast %get3A_146 : vector<1x128x128xf32> to vector<128x128xf32>
    %add3A_148 = arith.addf %add3A_142, %get3A_147 : vector<128x128xf32>
    %get3A_149 = arith.constant 12 : index
    %get3A_150 = arith.constant 0 : index
    %get3A_151 = arith.constant 0 : index
    %get3A_152 = vector.load %arg1[%get3A_149, %get3A_150, %get3A_151] : memref<32x128x128xf32, #tpu.memory_space<vmem>>, vector<1x128x128xf32>
    %get3A_153 = vector.shape_cast %get3A_152 : vector<1x128x128xf32> to vector<128x128xf32>
    %add3A_154 = arith.addf %add3A_148, %get3A_153 : vector<128x128xf32>
    %get3A_155 = arith.constant 13 : index
    %get3A_156 = arith.constant 0 : index
    %get3A_157 = arith.constant 0 : index
    %get3A_158 = vector.load %arg0[%get3A_155, %get3A_156, %get3A_157] : memref<32x128x128xf32, #tpu.memory_space<vmem>>, vector<1x128x128xf32>
    %get3A_159 = vector.shape_cast %get3A_158 : vector<1x128x128xf32> to vector<128x128xf32>
    %add3A_160 = arith.addf %add3A_154, %get3A_159 : vector<128x128xf32>
    %get3A_161 = arith.constant 13 : index
    %get3A_162 = arith.constant 0 : index
    %get3A_163 = arith.constant 0 : index
    %get3A_164 = vector.load %arg1[%get3A_161, %get3A_162, %get3A_163] : memref<32x128x128xf32, #tpu.memory_space<vmem>>, vector<1x128x128xf32>
    %get3A_165 = vector.shape_cast %get3A_164 : vector<1x128x128xf32> to vector<128x128xf32>
    %add3A_166 = arith.addf %add3A_160, %get3A_165 : vector<128x128xf32>
    %get3A_167 = arith.constant 14 : index
    %get3A_168 = arith.constant 0 : index
    %get3A_169 = arith.constant 0 : index
    %get3A_170 = vector.load %arg0[%get3A_167, %get3A_168, %get3A_169] : memref<32x128x128xf32, #tpu.memory_space<vmem>>, vector<1x128x128xf32>
    %get3A_171 = vector.shape_cast %get3A_170 : vector<1x128x128xf32> to vector<128x128xf32>
    %add3A_172 = arith.addf %add3A_166, %get3A_171 : vector<128x128xf32>
    %get3A_173 = arith.constant 14 : index
    %get3A_174 = arith.constant 0 : index
    %get3A_175 = arith.constant 0 : index
    %get3A_176 = vector.load %arg1[%get3A_173, %get3A_174, %get3A_175] : memref<32x128x128xf32, #tpu.memory_space<vmem>>, vector<1x128x128xf32>
    %get3A_177 = vector.shape_cast %get3A_176 : vector<1x128x128xf32> to vector<128x128xf32>
    %add3A_178 = arith.addf %add3A_172, %get3A_177 : vector<128x128xf32>
    %get3A_179 = arith.constant 15 : index
    %get3A_180 = arith.constant 0 : index
    %get3A_181 = arith.constant 0 : index
    %get3A_182 = vector.load %arg0[%get3A_179, %get3A_180, %get3A_181] : memref<32x128x128xf32, #tpu.memory_space<vmem>>, vector<1x128x128xf32>
    %get3A_183 = vector.shape_cast %get3A_182 : vector<1x128x128xf32> to vector<128x128xf32>
    %add3A_184 = arith.addf %add3A_178, %get3A_183 : vector<128x128xf32>
    %get3A_185 = arith.constant 15 : index
    %get3A_186 = arith.constant 0 : index
    %get3A_187 = arith.constant 0 : index
    %get3A_188 = vector.load %arg1[%get3A_185, %get3A_186, %get3A_187] : memref<32x128x128xf32, #tpu.memory_space<vmem>>, vector<1x128x128xf32>
    %get3A_189 = vector.shape_cast %get3A_188 : vector<1x128x128xf32> to vector<128x128xf32>
    %add3A_190 = arith.addf %add3A_184, %get3A_189 : vector<128x128xf32>
    %get3A_191 = arith.constant 16 : index
    %get3A_192 = arith.constant 0 : index
    %get3A_193 = arith.constant 0 : index
    %get3A_194 = vector.load %arg0[%get3A_191, %get3A_192, %get3A_193] : memref<32x128x128xf32, #tpu.memory_space<vmem>>, vector<1x128x128xf32>
    %get3A_195 = vector.shape_cast %get3A_194 : vector<1x128x128xf32> to vector<128x128xf32>
    %add3A_196 = arith.addf %add3A_190, %get3A_195 : vector<128x128xf32>
    %get3A_197 = arith.constant 16 : index
    %get3A_198 = arith.constant 0 : index
    %get3A_199 = arith.constant 0 : index
    %get3A_200 = vector.load %arg1[%get3A_197, %get3A_198, %get3A_199] : memref<32x128x128xf32, #tpu.memory_space<vmem>>, vector<1x128x128xf32>
    %get3A_201 = vector.shape_cast %get3A_200 : vector<1x128x128xf32> to vector<128x128xf32>
    %add3A_202 = arith.addf %add3A_196, %get3A_201 : vector<128x128xf32>
    %get3A_203 = arith.constant 17 : index
    %get3A_204 = arith.constant 0 : index
    %get3A_205 = arith.constant 0 : index
    %get3A_206 = vector.load %arg0[%get3A_203, %get3A_204, %get3A_205] : memref<32x128x128xf32, #tpu.memory_space<vmem>>, vector<1x128x128xf32>
    %get3A_207 = vector.shape_cast %get3A_206 : vector<1x128x128xf32> to vector<128x128xf32>
    %add3A_208 = arith.addf %add3A_202, %get3A_207 : vector<128x128xf32>
    %get3A_209 = arith.constant 17 : index
    %get3A_210 = arith.constant 0 : index
    %get3A_211 = arith.constant 0 : index
    %get3A_212 = vector.load %arg1[%get3A_209, %get3A_210, %get3A_211] : memref<32x128x128xf32, #tpu.memory_space<vmem>>, vector<1x128x128xf32>
    %get3A_213 = vector.shape_cast %get3A_212 : vector<1x128x128xf32> to vector<128x128xf32>
    %add3A_214 = arith.addf %add3A_208, %get3A_213 : vector<128x128xf32>
    %get3A_215 = arith.constant 18 : index
    %get3A_216 = arith.constant 0 : index
    %get3A_217 = arith.constant 0 : index
    %get3A_218 = vector.load %arg0[%get3A_215, %get3A_216, %get3A_217] : memref<32x128x128xf32, #tpu.memory_space<vmem>>, vector<1x128x128xf32>
    %get3A_219 = vector.shape_cast %get3A_218 : vector<1x128x128xf32> to vector<128x128xf32>
    %add3A_220 = arith.addf %add3A_214, %get3A_219 : vector<128x128xf32>
    %get3A_221 = arith.constant 18 : index
    %get3A_222 = arith.constant 0 : index
    %get3A_223 = arith.constant 0 : index
    %get3A_224 = vector.load %arg1[%get3A_221, %get3A_222, %get3A_223] : memref<32x128x128xf32, #tpu.memory_space<vmem>>, vector<1x128x128xf32>
    %get3A_225 = vector.shape_cast %get3A_224 : vector<1x128x128xf32> to vector<128x128xf32>
    %add3A_226 = arith.addf %add3A_220, %get3A_225 : vector<128x128xf32>
    %get3A_227 = arith.constant 19 : index
    %get3A_228 = arith.constant 0 : index
    %get3A_229 = arith.constant 0 : index
    %get3A_230 = vector.load %arg0[%get3A_227, %get3A_228, %get3A_229] : memref<32x128x128xf32, #tpu.memory_space<vmem>>, vector<1x128x128xf32>
    %get3A_231 = vector.shape_cast %get3A_230 : vector<1x128x128xf32> to vector<128x128xf32>
    %add3A_232 = arith.addf %add3A_226, %get3A_231 : vector<128x128xf32>
    %get3A_233 = arith.constant 19 : index
    %get3A_234 = arith.constant 0 : index
    %get3A_235 = arith.constant 0 : index
    %get3A_236 = vector.load %arg1[%get3A_233, %get3A_234, %get3A_235] : memref<32x128x128xf32, #tpu.memory_space<vmem>>, vector<1x128x128xf32>
    %get3A_237 = vector.shape_cast %get3A_236 : vector<1x128x128xf32> to vector<128x128xf32>
    %add3A_238 = arith.addf %add3A_232, %get3A_237 : vector<128x128xf32>
    %get3A_239 = arith.constant 20 : index
    %get3A_240 = arith.constant 0 : index
    %get3A_241 = arith.constant 0 : index
    %get3A_242 = vector.load %arg0[%get3A_239, %get3A_240, %get3A_241] : memref<32x128x128xf32, #tpu.memory_space<vmem>>, vector<1x128x128xf32>
    %get3A_243 = vector.shape_cast %get3A_242 : vector<1x128x128xf32> to vector<128x128xf32>
    %add3A_244 = arith.addf %add3A_238, %get3A_243 : vector<128x128xf32>
    %get3A_245 = arith.constant 20 : index
    %get3A_246 = arith.constant 0 : index
    %get3A_247 = arith.constant 0 : index
    %get3A_248 = vector.load %arg1[%get3A_245, %get3A_246, %get3A_247] : memref<32x128x128xf32, #tpu.memory_space<vmem>>, vector<1x128x128xf32>
    %get3A_249 = vector.shape_cast %get3A_248 : vector<1x128x128xf32> to vector<128x128xf32>
    %add3A_250 = arith.addf %add3A_244, %get3A_249 : vector<128x128xf32>
    %get3A_251 = arith.constant 21 : index
    %get3A_252 = arith.constant 0 : index
    %get3A_253 = arith.constant 0 : index
    %get3A_254 = vector.load %arg0[%get3A_251, %get3A_252, %get3A_253] : memref<32x128x128xf32, #tpu.memory_space<vmem>>, vector<1x128x128xf32>
    %get3A_255 = vector.shape_cast %get3A_254 : vector<1x128x128xf32> to vector<128x128xf32>
    %add3A_256 = arith.addf %add3A_250, %get3A_255 : vector<128x128xf32>
    %get3A_257 = arith.constant 21 : index
    %get3A_258 = arith.constant 0 : index
    %get3A_259 = arith.constant 0 : index
    %get3A_260 = vector.load %arg1[%get3A_257, %get3A_258, %get3A_259] : memref<32x128x128xf32, #tpu.memory_space<vmem>>, vector<1x128x128xf32>
    %get3A_261 = vector.shape_cast %get3A_260 : vector<1x128x128xf32> to vector<128x128xf32>
    %add3A_262 = arith.addf %add3A_256, %get3A_261 : vector<128x128xf32>
    %get3A_263 = arith.constant 22 : index
    %get3A_264 = arith.constant 0 : index
    %get3A_265 = arith.constant 0 : index
    %get3A_266 = vector.load %arg0[%get3A_263, %get3A_264, %get3A_265] : memref<32x128x128xf32, #tpu.memory_space<vmem>>, vector<1x128x128xf32>
    %get3A_267 = vector.shape_cast %get3A_266 : vector<1x128x128xf32> to vector<128x128xf32>
    %add3A_268 = arith.addf %add3A_262, %get3A_267 : vector<128x128xf32>
    %get3A_269 = arith.constant 22 : index
    %get3A_270 = arith.constant 0 : index
    %get3A_271 = arith.constant 0 : index
    %get3A_272 = vector.load %arg1[%get3A_269, %get3A_270, %get3A_271] : memref<32x128x128xf32, #tpu.memory_space<vmem>>, vector<1x128x128xf32>
    %get3A_273 = vector.shape_cast %get3A_272 : vector<1x128x128xf32> to vector<128x128xf32>
    %add3A_274 = arith.addf %add3A_268, %get3A_273 : vector<128x128xf32>
    %get3A_275 = arith.constant 23 : index
    %get3A_276 = arith.constant 0 : index
    %get3A_277 = arith.constant 0 : index
    %get3A_278 = vector.load %arg0[%get3A_275, %get3A_276, %get3A_277] : memref<32x128x128xf32, #tpu.memory_space<vmem>>, vector<1x128x128xf32>
    %get3A_279 = vector.shape_cast %get3A_278 : vector<1x128x128xf32> to vector<128x128xf32>
    %add3A_280 = arith.addf %add3A_274, %get3A_279 : vector<128x128xf32>
    %get3A_281 = arith.constant 23 : index
    %get3A_282 = arith.constant 0 : index
    %get3A_283 = arith.constant 0 : index
    %get3A_284 = vector.load %arg1[%get3A_281, %get3A_282, %get3A_283] : memref<32x128x128xf32, #tpu.memory_space<vmem>>, vector<1x128x128xf32>
    %get3A_285 = vector.shape_cast %get3A_284 : vector<1x128x128xf32> to vector<128x128xf32>
    %add3A_286 = arith.addf %add3A_280, %get3A_285 : vector<128x128xf32>
    %get3A_287 = arith.constant 24 : index
    %get3A_288 = arith.constant 0 : index
    %get3A_289 = arith.constant 0 : index
    %get3A_290 = vector.load %arg0[%get3A_287, %get3A_288, %get3A_289] : memref<32x128x128xf32, #tpu.memory_space<vmem>>, vector<1x128x128xf32>
    %get3A_291 = vector.shape_cast %get3A_290 : vector<1x128x128xf32> to vector<128x128xf32>
    %add3A_292 = arith.addf %add3A_286, %get3A_291 : vector<128x128xf32>
    %get3A_293 = arith.constant 24 : index
    %get3A_294 = arith.constant 0 : index
    %get3A_295 = arith.constant 0 : index
    %get3A_296 = vector.load %arg1[%get3A_293, %get3A_294, %get3A_295] : memref<32x128x128xf32, #tpu.memory_space<vmem>>, vector<1x128x128xf32>
    %get3A_297 = vector.shape_cast %get3A_296 : vector<1x128x128xf32> to vector<128x128xf32>
    %add3A_298 = arith.addf %add3A_292, %get3A_297 : vector<128x128xf32>
    %get3A_299 = arith.constant 25 : index
    %get3A_300 = arith.constant 0 : index
    %get3A_301 = arith.constant 0 : index
    %get3A_302 = vector.load %arg0[%get3A_299, %get3A_300, %get3A_301] : memref<32x128x128xf32, #tpu.memory_space<vmem>>, vector<1x128x128xf32>
    %get3A_303 = vector.shape_cast %get3A_302 : vector<1x128x128xf32> to vector<128x128xf32>
    %add3A_304 = arith.addf %add3A_298, %get3A_303 : vector<128x128xf32>
    %get3A_305 = arith.constant 25 : index
    %get3A_306 = arith.constant 0 : index
    %get3A_307 = arith.constant 0 : index
    %get3A_308 = vector.load %arg1[%get3A_305, %get3A_306, %get3A_307] : memref<32x128x128xf32, #tpu.memory_space<vmem>>, vector<1x128x128xf32>
    %get3A_309 = vector.shape_cast %get3A_308 : vector<1x128x128xf32> to vector<128x128xf32>
    %add3A_310 = arith.addf %add3A_304, %get3A_309 : vector<128x128xf32>
    %get3A_311 = arith.constant 26 : index
    %get3A_312 = arith.constant 0 : index
    %get3A_313 = arith.constant 0 : index
    %get3A_314 = vector.load %arg0[%get3A_311, %get3A_312, %get3A_313] : memref<32x128x128xf32, #tpu.memory_space<vmem>>, vector<1x128x128xf32>
    %get3A_315 = vector.shape_cast %get3A_314 : vector<1x128x128xf32> to vector<128x128xf32>
    %add3A_316 = arith.addf %add3A_310, %get3A_315 : vector<128x128xf32>
    %get3A_317 = arith.constant 26 : index
    %get3A_318 = arith.constant 0 : index
    %get3A_319 = arith.constant 0 : index
    %get3A_320 = vector.load %arg1[%get3A_317, %get3A_318, %get3A_319] : memref<32x128x128xf32, #tpu.memory_space<vmem>>, vector<1x128x128xf32>
    %get3A_321 = vector.shape_cast %get3A_320 : vector<1x128x128xf32> to vector<128x128xf32>
    %add3A_322 = arith.addf %add3A_316, %get3A_321 : vector<128x128xf32>
    %get3A_323 = arith.constant 27 : index
    %get3A_324 = arith.constant 0 : index
    %get3A_325 = arith.constant 0 : index
    %get3A_326 = vector.load %arg0[%get3A_323, %get3A_324, %get3A_325] : memref<32x128x128xf32, #tpu.memory_space<vmem>>, vector<1x128x128xf32>
    %get3A_327 = vector.shape_cast %get3A_326 : vector<1x128x128xf32> to vector<128x128xf32>
    %add3A_328 = arith.addf %add3A_322, %get3A_327 : vector<128x128xf32>
    %get3A_329 = arith.constant 27 : index
    %get3A_330 = arith.constant 0 : index
    %get3A_331 = arith.constant 0 : index
    %get3A_332 = vector.load %arg1[%get3A_329, %get3A_330, %get3A_331] : memref<32x128x128xf32, #tpu.memory_space<vmem>>, vector<1x128x128xf32>
    %get3A_333 = vector.shape_cast %get3A_332 : vector<1x128x128xf32> to vector<128x128xf32>
    %add3A_334 = arith.addf %add3A_328, %get3A_333 : vector<128x128xf32>
    %get3A_335 = arith.constant 28 : index
    %get3A_336 = arith.constant 0 : index
    %get3A_337 = arith.constant 0 : index
    %get3A_338 = vector.load %arg0[%get3A_335, %get3A_336, %get3A_337] : memref<32x128x128xf32, #tpu.memory_space<vmem>>, vector<1x128x128xf32>
    %get3A_339 = vector.shape_cast %get3A_338 : vector<1x128x128xf32> to vector<128x128xf32>
    %add3A_340 = arith.addf %add3A_334, %get3A_339 : vector<128x128xf32>
    %get3A_341 = arith.constant 28 : index
    %get3A_342 = arith.constant 0 : index
    %get3A_343 = arith.constant 0 : index
    %get3A_344 = vector.load %arg1[%get3A_341, %get3A_342, %get3A_343] : memref<32x128x128xf32, #tpu.memory_space<vmem>>, vector<1x128x128xf32>
    %get3A_345 = vector.shape_cast %get3A_344 : vector<1x128x128xf32> to vector<128x128xf32>
    %add3A_346 = arith.addf %add3A_340, %get3A_345 : vector<128x128xf32>
    %get3A_347 = arith.constant 29 : index
    %get3A_348 = arith.constant 0 : index
    %get3A_349 = arith.constant 0 : index
    %get3A_350 = vector.load %arg0[%get3A_347, %get3A_348, %get3A_349] : memref<32x128x128xf32, #tpu.memory_space<vmem>>, vector<1x128x128xf32>
    %get3A_351 = vector.shape_cast %get3A_350 : vector<1x128x128xf32> to vector<128x128xf32>
    %add3A_352 = arith.addf %add3A_346, %get3A_351 : vector<128x128xf32>
    %get3A_353 = arith.constant 29 : index
    %get3A_354 = arith.constant 0 : index
    %get3A_355 = arith.constant 0 : index
    %get3A_356 = vector.load %arg1[%get3A_353, %get3A_354, %get3A_355] : memref<32x128x128xf32, #tpu.memory_space<vmem>>, vector<1x128x128xf32>
    %get3A_357 = vector.shape_cast %get3A_356 : vector<1x128x128xf32> to vector<128x128xf32>
    %add3A_358 = arith.addf %add3A_352, %get3A_357 : vector<128x128xf32>
    %get3A_359 = arith.constant 30 : index
    %get3A_360 = arith.constant 0 : index
    %get3A_361 = arith.constant 0 : index
    %get3A_362 = vector.load %arg0[%get3A_359, %get3A_360, %get3A_361] : memref<32x128x128xf32, #tpu.memory_space<vmem>>, vector<1x128x128xf32>
    %get3A_363 = vector.shape_cast %get3A_362 : vector<1x128x128xf32> to vector<128x128xf32>
    %add3A_364 = arith.addf %add3A_358, %get3A_363 : vector<128x128xf32>
    %get3A_365 = arith.constant 30 : index
    %get3A_366 = arith.constant 0 : index
    %get3A_367 = arith.constant 0 : index
    %get3A_368 = vector.load %arg1[%get3A_365, %get3A_366, %get3A_367] : memref<32x128x128xf32, #tpu.memory_space<vmem>>, vector<1x128x128xf32>
    %get3A_369 = vector.shape_cast %get3A_368 : vector<1x128x128xf32> to vector<128x128xf32>
    %add3A_370 = arith.addf %add3A_364, %get3A_369 : vector<128x128xf32>
    %get3A_371 = arith.constant 31 : index
    %get3A_372 = arith.constant 0 : index
    %get3A_373 = arith.constant 0 : index
    %get3A_374 = vector.load %arg0[%get3A_371, %get3A_372, %get3A_373] : memref<32x128x128xf32, #tpu.memory_space<vmem>>, vector<1x128x128xf32>
    %get3A_375 = vector.shape_cast %get3A_374 : vector<1x128x128xf32> to vector<128x128xf32>
    %add3A_376 = arith.addf %add3A_370, %get3A_375 : vector<128x128xf32>
    %get3A_377 = arith.constant 31 : index
    %get3A_378 = arith.constant 0 : index
    %get3A_379 = arith.constant 0 : index
    %get3A_380 = vector.load %arg1[%get3A_377, %get3A_378, %get3A_379] : memref<32x128x128xf32, #tpu.memory_space<vmem>>, vector<1x128x128xf32>
    %get3A_381 = vector.shape_cast %get3A_380 : vector<1x128x128xf32> to vector<128x128xf32>
    %add3A_382 = arith.addf %add3A_376, %get3A_381 : vector<128x128xf32>
    %iota3A = tpu.iota {dimensions = array<i32: 0>} : vector<128x128xi32>
    %iota3A_383 = tpu.iota {dimensions = array<i32: 1>} : vector<128x128xi32>
    %mul3A = arith.constant 128 : i32
    %mul3A_384 = vector.broadcast %mul3A : i32 to vector<128x128xi32>
    %mul3A_385 = arith.muli %iota3A, %mul3A_384 : vector<128x128xi32>
    %add3A_386 = arith.addi %mul3A_385, %iota3A_383 : vector<128x128xi32>
    %eq3A = arith.constant 0 : i32
    %eq3A_387 = vector.broadcast %eq3A : i32 to vector<128x128xi32>
    %eq3A_388 = arith.cmpi eq, %add3A_386, %eq3A_387 : vector<128x128xi32>
    %jit3A = arith.constant 7.680000e+03 : f32
    %jit3A_389 = arith.constant 0.000000e+00 : f32
    %broadcast_in_dim3A_390 = vector.broadcast %jit3A : f32 to vector<128x128xf32>
    %broadcast_in_dim3A_391 = vector.broadcast %jit3A_389 : f32 to vector<128x128xf32>
    %select_n3A = arith.select %eq3A_388, %broadcast_in_dim3A_390, %broadcast_in_dim3A_391 : vector<128x128xi1>, vector<128x128xf32>
    %sub3A = arith.subf %add3A_382, %select_n3A : vector<128x128xf32>
    %mul3A_392 = arith.constant 131072 : i32
    %mul3A_393 = vector.broadcast %mul3A_392 : i32 to vector<128x128xi32>
    %mul3A_394 = arith.muli %add3A_386, %mul3A_393 : vector<128x128xi32>
    %add3A_395 = arith.constant 65536 : i32
    %add3A_396 = vector.broadcast %add3A_395 : i32 to vector<128x128xi32>
    %add3A_397 = arith.addi %mul3A_394, %add3A_396 : vector<128x128xi32>
    %bitcast_convert_type3A = tpu.bitcast %add3A_397 : vector<128x128xi32> -> vector<128x128xf32>
    %mul3A_398 = arith.mulf %sub3A, %bitcast_convert_type3A : vector<128x128xf32>
    %le3A = arith.cmpi sle, %iota3A, %iota3A_383 : vector<128x128xi32>
    %jit3A_399 = arith.constant 1.000000e+00 : f32
    %jit3A_400 = arith.constant 0.000000e+00 : f32
    %broadcast_in_dim3A_401 = vector.broadcast %jit3A_399 : f32 to vector<128x128xf32>
    %broadcast_in_dim3A_402 = vector.broadcast %jit3A_400 : f32 to vector<128x128xf32>
    %select_n3A_403 = arith.select %le3A, %broadcast_in_dim3A_401, %broadcast_in_dim3A_402 : vector<128x128xi1>, vector<128x128xf32>
    %lt3A = arith.cmpi slt, %iota3A_383, %iota3A : vector<128x128xi32>
    %jit3A_404 = arith.constant 1.000000e+00 : f32
    %jit3A_405 = arith.constant 0.000000e+00 : f32
    %broadcast_in_dim3A_406 = vector.broadcast %jit3A_404 : f32 to vector<128x128xf32>
    %broadcast_in_dim3A_407 = vector.broadcast %jit3A_405 : f32 to vector<128x128xf32>
    %select_n3A_408 = arith.select %lt3A, %broadcast_in_dim3A_406, %broadcast_in_dim3A_407 : vector<128x128xi1>, vector<128x128xf32>
    %dot_general3A = arith.constant dense<0.000000e+00> : vector<128x128xf32>
    %dot_general3A_409 = tpu.matmul %sub3A, %select_n3A_403, %dot_general3A {dimension_numbers = #tpu.dot_dimension_numbers<[1], [0], [0], [1], [0, 0, 1, 1], [], []>, precision = #tpu.contract_precision<fp32>, transpose_lhs_hint = false} : vector<128x128xf32>, vector<128x128xf32>, vector<128x128xf32> -> vector<128x128xf32>
    %reduce_sum3A = arith.constant dense<0.000000e+00> : vector<128xf32>
    %reduce_sum3A_410 = vector.multi_reduction <add>, %sub3A, %reduce_sum3A [1] : vector<128x128xf32> to vector<128xf32>
    %broadcast_in_dim3A_411 = vector.shape_cast %reduce_sum3A_410 : vector<128xf32> to vector<128x1xf32>
    %dot_general3A_412 = arith.constant dense<0.000000e+00> : vector<128x1xf32>
    %dot_general3A_413 = tpu.matmul %select_n3A_408, %broadcast_in_dim3A_411, %dot_general3A_412 {dimension_numbers = #tpu.dot_dimension_numbers<[1], [0], [0], [1], [0, 0, 1, 1], [], []>, precision = #tpu.contract_precision<fp32>, transpose_lhs_hint = false} : vector<128x128xf32>, vector<128x1xf32>, vector<128x1xf32> -> vector<128x1xf32>
    %add3A_414 = vector.broadcast %dot_general3A_413 : vector<128x1xf32> to vector<128x128xf32>
    %add3A_415 = arith.addf %dot_general3A_409, %add3A_414 : vector<128x128xf32>
    %dot_general3A_416 = arith.constant dense<0.000000e+00> : vector<128x128xf32>
    %dot_general3A_417 = tpu.matmul %mul3A_398, %select_n3A_403, %dot_general3A_416 {dimension_numbers = #tpu.dot_dimension_numbers<[1], [0], [0], [1], [0, 0, 1, 1], [], []>, precision = #tpu.contract_precision<fp32>, transpose_lhs_hint = false} : vector<128x128xf32>, vector<128x128xf32>, vector<128x128xf32> -> vector<128x128xf32>
    %reduce_sum3A_418 = arith.constant dense<0.000000e+00> : vector<128xf32>
    %reduce_sum3A_419 = vector.multi_reduction <add>, %mul3A_398, %reduce_sum3A_418 [1] : vector<128x128xf32> to vector<128xf32>
    %broadcast_in_dim3A_420 = vector.shape_cast %reduce_sum3A_419 : vector<128xf32> to vector<128x1xf32>
    %dot_general3A_421 = arith.constant dense<0.000000e+00> : vector<128x1xf32>
    %dot_general3A_422 = tpu.matmul %select_n3A_408, %broadcast_in_dim3A_420, %dot_general3A_421 {dimension_numbers = #tpu.dot_dimension_numbers<[1], [0], [0], [1], [0, 0, 1, 1], [], []>, precision = #tpu.contract_precision<fp32>, transpose_lhs_hint = false} : vector<128x128xf32>, vector<128x1xf32>, vector<128x1xf32> -> vector<128x1xf32>
    %add3A_423 = vector.broadcast %dot_general3A_422 : vector<128x1xf32> to vector<128x128xf32>
    %add3A_424 = arith.addf %dot_general3A_417, %add3A_423 : vector<128x128xf32>
    %sub3A_425 = arith.constant 8.000000e+06 : f32
    %sub3A_426 = vector.broadcast %sub3A_425 : f32 to vector<128x128xf32>
    %sub3A_427 = arith.subf %sub3A_426, %add3A_415 : vector<128x128xf32>
    %add3A_428 = arith.addf %sub3A_427, %sub3A : vector<128x128xf32>
    %ge3A = arith.constant 2.400000e+06 : f32
    %ge3A_429 = vector.broadcast %ge3A : f32 to vector<128x128xf32>
    %ge3A_430 = arith.cmpf oge, %add3A_428, %ge3A_429 : vector<128x128xf32>
    %convert_element_type3A = arith.extui %ge3A_430 : vector<128x128xi1> to vector<128x128xi32>
    %reduce_sum3A_431 = vector.shape_cast %convert_element_type3A : vector<128x128xi32> to vector<1x128x128xi32>
    %reduce_sum3A_432 = arith.constant dense<0> : vector<1xi32>
    %reduce_sum3A_433 = vector.multi_reduction <add>, %reduce_sum3A_431, %reduce_sum3A_432 [1, 2] : vector<1x128x128xi32> to vector<1xi32>
    %reduce_sum3A_434 = vector.shape_cast %reduce_sum3A_433 : vector<1xi32> to vector<1x1x1xi32>
    %reduce_sum3A_435 = vector.extract %reduce_sum3A_434[0, 0, 0] : i32 from vector<1x1x1xi32>
    %sub3A_436 = arith.constant 1 : i32
    %sub3A_437 = arith.subi %reduce_sum3A_435, %sub3A_436 : i32
    %eq3A_438 = vector.broadcast %sub3A_437 : i32 to vector<128x128xi32>
    %eq3A_439 = arith.cmpi eq, %add3A_386, %eq3A_438 : vector<128x128xi32>
    %jit3A_440 = arith.constant 0.000000e+00 : f32
    %broadcast_in_dim3A_441 = vector.broadcast %jit3A_440 : f32 to vector<128x128xf32>
    %select_n3A_442 = arith.select %eq3A_439, %sub3A, %broadcast_in_dim3A_441 : vector<128x128xi1>, vector<128x128xf32>
    %reduce_sum3A_443 = vector.shape_cast %select_n3A_442 : vector<128x128xf32> to vector<1x128x128xf32>
    %reduce_sum3A_444 = arith.constant dense<0.000000e+00> : vector<1xf32>
    %reduce_sum3A_445 = vector.multi_reduction <add>, %reduce_sum3A_443, %reduce_sum3A_444 [1, 2] : vector<1x128x128xf32> to vector<1xf32>
    %reduce_sum3A_446 = vector.shape_cast %reduce_sum3A_445 : vector<1xf32> to vector<1x1x1xf32>
    %reduce_sum3A_447 = vector.extract %reduce_sum3A_446[0, 0, 0] : f32 from vector<1x1x1xf32>
    %jit3A_448 = arith.constant 0.000000e+00 : f32
    %broadcast_in_dim3A_449 = vector.broadcast %jit3A_448 : f32 to vector<128x128xf32>
    %select_n3A_450 = arith.select %eq3A_439, %mul3A_398, %broadcast_in_dim3A_449 : vector<128x128xi1>, vector<128x128xf32>
    %reduce_sum3A_451 = vector.shape_cast %select_n3A_450 : vector<128x128xf32> to vector<1x128x128xf32>
    %reduce_sum3A_452 = arith.constant dense<0.000000e+00> : vector<1xf32>
    %reduce_sum3A_453 = vector.multi_reduction <add>, %reduce_sum3A_451, %reduce_sum3A_452 [1, 2] : vector<1x128x128xf32> to vector<1xf32>
    %reduce_sum3A_454 = vector.shape_cast %reduce_sum3A_453 : vector<1xf32> to vector<1x1x1xf32>
    %reduce_sum3A_455 = vector.extract %reduce_sum3A_454[0, 0, 0] : f32 from vector<1x1x1xf32>
    %jit3A_456 = arith.constant 0.000000e+00 : f32
    %broadcast_in_dim3A_457 = vector.broadcast %jit3A_456 : f32 to vector<128x128xf32>
    %select_n3A_458 = arith.select %eq3A_439, %add3A_415, %broadcast_in_dim3A_457 : vector<128x128xi1>, vector<128x128xf32>
    %reduce_sum3A_459 = vector.shape_cast %select_n3A_458 : vector<128x128xf32> to vector<1x128x128xf32>
    %reduce_sum3A_460 = arith.constant dense<0.000000e+00> : vector<1xf32>
    %reduce_sum3A_461 = vector.multi_reduction <add>, %reduce_sum3A_459, %reduce_sum3A_460 [1, 2] : vector<1x128x128xf32> to vector<1xf32>
    %reduce_sum3A_462 = vector.shape_cast %reduce_sum3A_461 : vector<1xf32> to vector<1x1x1xf32>
    %reduce_sum3A_463 = vector.extract %reduce_sum3A_462[0, 0, 0] : f32 from vector<1x1x1xf32>
    %jit3A_464 = arith.constant 0.000000e+00 : f32
    %broadcast_in_dim3A_465 = vector.broadcast %jit3A_464 : f32 to vector<128x128xf32>
    %select_n3A_466 = arith.select %eq3A_439, %add3A_424, %broadcast_in_dim3A_465 : vector<128x128xi1>, vector<128x128xf32>
    %reduce_sum3A_467 = vector.shape_cast %select_n3A_466 : vector<128x128xf32> to vector<1x128x128xf32>
    %reduce_sum3A_468 = arith.constant dense<0.000000e+00> : vector<1xf32>
    %reduce_sum3A_469 = vector.multi_reduction <add>, %reduce_sum3A_467, %reduce_sum3A_468 [1, 2] : vector<1x128x128xf32> to vector<1xf32>
    %reduce_sum3A_470 = vector.shape_cast %reduce_sum3A_469 : vector<1xf32> to vector<1x1x1xf32>
    %reduce_sum3A_471 = vector.extract %reduce_sum3A_470[0, 0, 0] : f32 from vector<1x1x1xf32>
    %sub3A_472 = arith.constant 8.000000e+06 : f32
    %sub3A_473 = arith.subf %sub3A_472, %reduce_sum3A_463 : f32
    %reduce_sum3A_474 = vector.shape_cast %mul3A_398 : vector<128x128xf32> to vector<1x128x128xf32>
    %reduce_sum3A_475 = arith.constant dense<0.000000e+00> : vector<1xf32>
    %reduce_sum3A_476 = vector.multi_reduction <add>, %reduce_sum3A_474, %reduce_sum3A_475 [1, 2] : vector<1x128x128xf32> to vector<1xf32>
    %reduce_sum3A_477 = vector.shape_cast %reduce_sum3A_476 : vector<1xf32> to vector<1x1x1xf32>
    %reduce_sum3A_478 = vector.extract %reduce_sum3A_477[0, 0, 0] : f32 from vector<1x1x1xf32>
    %sub3A_479 = arith.subf %reduce_sum3A_478, %reduce_sum3A_471 : f32
    %sub3A_480 = arith.constant 2.400000e+06 : f32
    %sub3A_481 = arith.subf %sub3A_480, %sub3A_473 : f32
    %max3A = arith.constant 1.000000e+00 : f32
    %max3A_482 = arith.maximumf %reduce_sum3A_447, %max3A : f32
    %div3A = arith.divf %reduce_sum3A_455, %max3A_482 : f32
    %mul3A_483 = arith.mulf %sub3A_481, %div3A : f32
    %add3A_484 = arith.addf %sub3A_479, %mul3A_483 : f32
    %get3A_485 = arith.constant 0 : index
    %get3A_486 = arith.constant 0 : index
    %get3A_487 = vector.load %arg2[%get3A_485, %get3A_486] : memref<1x1xf32, #tpu.memory_space<vmem>>, vector<1x1xf32>
    %div3A_488 = arith.constant 8.000000e+06 : f32
    %div3A_489 = vector.broadcast %div3A_488 : f32 to vector<1x1xf32>
    %div3A_490 = arith.divf %get3A_487, %div3A_489 : vector<1x1xf32>
    %div3A_491 = arith.constant 2.400000e+06 : f32
    %div3A_492 = arith.divf %add3A_484, %div3A_491 : f32
    %broadcast_in_dim3A_493 = vector.broadcast %div3A_492 : f32 to vector<1x1xf32>
    %add3A_494 = arith.addf %div3A_490, %broadcast_in_dim3A_493 : vector<1x1xf32>
    %swap3A = arith.constant 0 : index
    %swap3A_495 = arith.constant 0 : index
    %swap3A_496 = vector.load %arg3[%swap3A, %swap3A_495] : memref<1x1xf32, #tpu.memory_space<vmem>>, vector<1x1xf32>
    tpu.vector_store %arg3[%swap3A, %swap3A_495], %add3A_494 {strides = array<i32>} : memref<1x1xf32, #tpu.memory_space<vmem>>, vector<1x1xf32>,
    return
  }
}

</mosaic_0001>

<sc_bundles>
// kernel: kernel.10.cloned.1.call-start
scs
__scs_entry_jumppad:
0x0: {  	(pc) =	sbr.rel $0x88, $3  }
0x1: {  	(tag) =	ssettag $0x0;
	lr =	simm.s32 $0x1  }
0x2: {  	[smem:$0x3F9F] =	sst lr;
	_ =	strace $0xD0000000  }
0x3: {  	_ = 	snop  }
0x4: {  	_ = 	snop  }
0x5: {  	_ = 	snop  }
0x6: {  	_ = 	snop  }
0x7: {  	_ = 	snop  }
__scs_overlays_trampoline_lowered:
0x8: {  	[smem:$0x3FAE] =	sst s0  }
0x9: {  	[smem:$0x3FAF] =	sst s1  }
0xa: {  	[smem:$0x3FB0] =	sst s2  }
0xb: {  	[smem:$0x3FB1] =	sst s3  }
0xc: {  	[smem:$0x3FB2] =	sst s4  }
0xd: {  	[smem:$0x3FB3] =	sst s5  }
0xe: {  	[smem:$0x3FB4] =	sst s6  }
0xf: {  	[smem:$0x3FB5] =	sst s7  }
0x10: {  	[smem:$0x3FB6] =	sst s8  }
0x11: {  	[smem:$0x3FB7] =	sst s9;
	s0 =	simm.s32 @!p0 $0x0  }
0x12: {  	s1 =	sld [smem:$0x3F9D];
	s0 =	simm.s32 @p0 $0x1  }
0x13: {  	[smem:$0x3FB8] =	sst s0;
	s0 =	simm.s32 @!p1 $0x0  }
0x14: {  	s2 =	sld [smem:$0x3F9C];
	s0 =	simm.s32 @p1 $0x1  }
0x15: {  	[smem:$0x3FB9] =	sst s0;
	s0 =	simm.s32 @!p2 $0x0  }
0x16: {  	s3 =	sld [smem:$0x3FDB];
	s0 =	simm.s32 @p2 $0x1  }
0x17: {  	s4 =	simm.s32 $0x1BF5;
	[smem:$0x3FBB] =	sst s0  }
0x18: {  	s0 =	sld [smem:$0x3F9E];
	_ =	swait.ge [sflag:s4], $0x0  }
0x19: {  	s7 =	sld [smem:$0x3F9F]  }
0x1a: {  	s8 =	sadd.s32 $0xFFFFE003, lr  }
0x1b: {  	s9 =	sadd.s32 $0xFFFFFEF7, lr;
	s5 =	simm.s32 $0xFFFFFFFF;
	p2 =	slt.u32 s8, $0xFFFFF086  }
0x1c: {  	p1 =	slt.u32 s9, $0xF7A;
	s5 =	simm.s32 @!p2 $0x0  }
0x1d: {  	s5 =	simm.s32 @p1 $0x1;
	p0 =	seq.s32 s7, s2  }
0x1e: {  	s7 =	smul.u32 @!p0 $0xF7A, s2;
	p2 =	seq.s32 @!p0 s5, $0x0  }
0x1f: {  	s9 =	smul.u32 $0xF7A, s1;
	s8 =	simm.s32 @!p0 $0x1BF5;
	p2 =	por !p2, p0  }
0x20: {  	[sflag:s8] =	ssyncset.s32 @!p0 $0xFFFFF086;
	s6 =	sadd.s32 @!p0 s3, s7;
	s7 =	simm.s32 @!p0 $0x108  }
0x21: {  	s3 =	sadd.s32 s3, s9;
	s6 =	sadd.s32 @!p0 $0x88, s6;
	s7 =	simm.s32 @p2 $0x1082  }
0x22: {  	[simem:s7], [sflag:s8] =	dma.local @!p0 [hbm:s6], $0xF7A  }
0x23: {  	s9 =	sor.u32 $0xD0000000, s2;
	s6 =	simm.s32 $0x108;
	_ =	swait.ge @!p0 [sflag:s8], $0x0  }
0x24: {  	s3 =	sadd.s32 $0x88, s3;
	s6 =	simm.s32 @!p1 $0x1082;
	[sflag:s4] =	ssyncset.s32 $0xFFFFF086  }
0x25: {  	[simem:s6], [sflag:s4] =	dma.local [hbm:s3], $0xF7A  }
0x26: {  	[smem:$0x3F9F] =	sst s1;
	(tag) =	ssettag s2;
	_ =	strace s9  }
0x27: {  	s1 =	sld [smem:$0x3FAF]  }
0x28: {  	s2 =	sld [smem:$0x3FB0]  }
0x29: {  	s4 =	sld [smem:$0x3FB2]  }
0x2a: {  	p0 =	seq.s32 s5, $0x0;
	s5 =	sld [smem:$0x3FB3]  }
0x2b: {  	s6 =	sld [smem:$0x3FB4]  }
0x2c: {  	s7 =	sld [smem:$0x3FB5]  }
0x2d: {  	s3 =	simm.s32 $0x108;
	s8 =	sld [smem:$0x3FB6]  }
0x2e: {  	s3 =	simm.s32 @!p0 $0x1082;
	s9 =	sld [smem:$0x3FB7]  }
0x2f: {  	lr =	sadd.s32 s0, s3;
	s0 =	sld [smem:$0x3FAE]  }
0x30: {  	s3 =	sld [smem:$0x3FB1]  }
0x31: {  	[smem:$0x3FBA] =	sst s10  }
0x32: {  	s10 =	sld [smem:$0x3FB8];
	_ =	sdelay $0x3  }
0x33: {  	p0 =	seq.s32 s10, $0x1;
	s10 =	sld [smem:$0x3FBA];
	_ =	sdelay $0x3  }
0x34: {  	[smem:$0x3FBA] =	sst s10  }
0x35: {  	s10 =	sld [smem:$0x3FB9];
	_ =	sdelay $0x3  }
0x36: {  	p1 =	seq.s32 s10, $0x1;
	s10 =	sld [smem:$0x3FBA];
	_ =	sdelay $0x3  }
0x37: {  	[smem:$0x3FBA] =	sst s10  }
0x38: {  	s10 =	sld [smem:$0x3FBB]  }
0x39: {  	_ = 	snop;
	(pc) =	sbr.ind lr, $3  }
0x3a: {  	_ = 	snop  }
0x3b: {  	_ = 	snop  }
0x3c: {  	p2 =	seq.s32 s10, $0x1;
	s10 =	sld [smem:$0x3FBA]  }
0x3d: {  	_ =	shalt  }
0x3e: {  	_ =	shalt  }
0x3f: {  	_ =	shalt  }
0x40: {  	_ =	shalt  }
0x41: {  	_ =	shalt  }
0x42: {  	_ =	shalt  }
0x43: {  	_ =	shalt  }
0x44: {  	_ =	shalt  }
0x45: {  	_ =	shalt  }
0x46: {  	_ =	shalt  }
0x47: {  	_ =	shalt  }
0x48: {  	_ =	shalt  }
0x49: {  	_ =	shalt  }
0x4a: {  	_ =	shalt  }
0x4b: {  	_ =	shalt  }
0x4c: {  	_ =	shalt  }
0x4d: {  	_ =	shalt  }
0x4e: {  	_ =	shalt  }
0x4f: {  	_ =	shalt  }
0x50: {  	_ =	shalt  }
0x51: {  	_ =	shalt  }
0x52: {  	_ =	shalt  }
0x53: {  	_ =	shalt  }
0x54: {  	_ =	shalt  }
0x55: {  	_ =	shalt  }
0x56: {  	_ =	shalt  }
0x57: {  	_ =	shalt  }
0x58: {  	_ =	shalt  }
0x59: {  	_ =	shalt  }
0x5a: {  	_ =	shalt  }
0x5b: {  	_ =	shalt  }
0x5c: {  	_ =	shalt  }
0x5d: {  	_ =	shalt  }
0x5e: {  	_ =	shalt  }
0x5f: {  	_ =	shalt  }
0x60: {  	_ =	shalt  }
0x61: {  	_ =	shalt  }
0x62: {  	_ =	shalt  }
0x63: {  	_ =	shalt  }
0x64: {  	_ =	shalt  }
0x65: {  	_ =	shalt  }
0x66: {  	_ =	shalt  }
0x67: {  	_ =	shalt  }
0x68: {  	_ =	shalt  }
0x69: {  	_ =	shalt  }
0x6a: {  	_ =	shalt  }
0x6b: {  	_ =	shalt  }
0x6c: {  	_ =	shalt  }
0x6d: {  	_ =	shalt  }
0x6e: {  	_ =	shalt  }
0x6f: {  	_ =	shalt  }
0x70: {  	_ =	shalt  }
0x71: {  	_ =	shalt  }
0x72: {  	_ =	shalt  }
0x73: {  	_ =	shalt  }
0x74: {  	_ =	shalt  }
0x75: {  	_ =	shalt  }
0x76: {  	_ =	shalt  }
0x77: {  	_ =	shalt  }
0x78: {  	_ =	shalt  }
0x79: {  	_ =	shalt  }
0x7a: {  	_ =	shalt  }
0x7b: {  	_ =	shalt  }
0x7c: {  	_ =	shalt  }
0x7d: {  	_ =	shalt  }
0x7e: {  	_ =	shalt  }
0x7f: {  	_ =	shalt  }
0x80: {  	_ =	shalt  }
0x81: {  	_ =	shalt  }
0x82: {  	_ =	shalt  }
0x83: {  	_ =	shalt  }
0x84: {  	_ =	shalt  }
0x85: {  	_ =	shalt  }
0x86: {  	_ =	shalt  }
0x87: {  	_ =	shalt  }
.Lfunc_end0:
.L_simem_size_0:
called_computation.1_lowered:
.L_overlay_start_0:
0x88: {  	s2 =	sld [smem:$0x3FD9]  }
0x89: {  	s3 =	sld [smem:$0x3FFE];
	_ =	sdelay $0x1  }
0x8a: {  	s1 =	srdreg.scid  }
0x8b: {  	s0 =	sand.u32 $0x1, s1  }
0x8c: {  	s16 =	sshll.u32 s0, $0xA;
	s2 =	sadd.s32 s3, s2  }
0x8d: {  	s2 =	sadd.s32 s2, s16  }
0x8e: {  	[smem:$0x3FC6] =	sst s2  }
0x8f: {  	_ = 	snop  }
0x90: {  	(tm) =	ssettm $0x1  }
0x91: {  	s17 =	sld [smem:$0x3FFB];
	_ =	sdelay $0x3  }
0x92: {  	_ =	strace s17  }
0x93: {  	s2 =	sld [smem:$0x3FFC];
	_ =	sdelay $0x3  }
0x94: {  	_ =	strace s2  }
0x95: {  	s2 =	sld [smem:$0x3FFD];
	_ =	sdelay $0x3  }
0x96: {  	_ =	strace s2  }
0x97: {  	_ =	strace $0x8FFFFFFF  }
0x98: {  	s18 =	sld [smem:$0x3FDB];
	_ =	sdelay $0x1  }
0x99: {  	s19 =	simm.s32 $_scs_section_size  }
0x9a: {  	s4 =	simm.s32 $_size__tile_overlayer_lowered;
	s5 =	simm.s32 $_tile_overlayer_lowered  }
0x9b: {  	s22 =	simm.s32 $0x1BFF;
	s21 =	sshll.u32 s5, $0x1;
	s2 =	sadd.s32 s19, s18  }
0x9c: {  	s6 =	simm.s32 $0x0;
	s20 =	sshll.u32 s4, $0x1;
	s4 =	sadd.s32 s21, s2  }
0x9d: {  	[timem:s6], [sflag:s22] =	dma.local [hbm:s4], s20  }
0x9e: {  	_ =	swait.ge [sflag:s22], s20  }
0x9f: {  	s3 =	ssub.s32 $0x0, s20;
	[sflag:s22] =	ssyncset.done $0x0  }
0xa0: {  	[sflag:s22] =	ssyncadd.s32 s3;
	_ =	sdelay $0x1  }
0xa1: {  	s23 =	simm.s32 $0x1B8B  }
0xa2: {  	_ =	swait.ge [sflag:s23], $0x1  }
0xa3: {  	[sflag:s23] =	ssyncset.done $0x0  }
0xa4: {  	s25 =	simm.s32 $0x1B8E;
	s24 =	sld [smem:$0x3FFE];
	[sflag:s23] =	ssyncadd.s32 $0xFFFFFFFF  }
0xa5: {  	s26 =	simm.s32 $execute0_lowered;
	[smem:$0x3FD2] =	sst s25  }
0xa6: {  	s4 =	sshll.u32 s26, $0x1;
	_ =	strace $0x80000046;
	[dreg:$0x1] =	wrdreg $0xFFFFFFFF  }
0xa7: {  	s28 =	simm.s32 $_size_execute0_lowered;
	s2 =	sadd.s32 s2, s4;
	[dreg:$0x0] =	wrdreg $0x0  }
0xa8: {  	s4 =	sshll.u32 s28, $0x1;
	[dreg:$0x2] =	wrdreg s2  }
0xa9: {  	[dreg:$0x3] =	wrdreg s4  }
0xaa: {  	[dreg:$0x4] =	wrdreg $0xC0  }
0xab: {  	_ =	task [dreg:s6], $0x5FFFF  }
0xac: {  	[dreg:$0x1] =	wrdreg $0xFFFFFFFF  }
0xad: {  	[dreg:$0x0] =	wrdreg $0x60  }
0xae: {  	[dreg:$0x2] =	wrdreg s24  }
0xaf: {  	[dreg:$0x3] =	wrdreg $0xA  }
0xb0: {  	_ =	task.clear_ibuf [dreg:s6], $0x4FFFF;
	_ =	strace $0x90000046  }
0xb1: {  	s29 =	simm.s32 $0xA;
	_ =	strace $0x80000048  }
0xb2: {  	_ =	swait.ge [sflag:s29], $0x1  }
0xb3: {  	[sflag:s29] =	ssyncadd.s32 $0xFFFFFFFF  }
0xb4: {  	_ =	strace $0x90000048  }
0xb5: {  	_ =	sfence  }
0xb6: {  	s30 =	sld [smem:$0x0];
	_ =	sdelay $0x2  }
0xb7: {  	s31 =	sshll.u32 s1, $0xD;
	s1 =	sshrl.u32 s1, $0x2  }
0xb8: {  	s3 =	sand.u32 $0x4000, s31;
	s1 =	sadd.s32 s1, s30  }
0xb9: {  	s0 =	sor.u32 s3, s0;
	s1 =	sshll.u32 s1, $0x11  }
0xba: {  	s0 =	sor.u32 s1, s0  }
0xbb: {  	s0 =	sadd.s32 $0x8F2B, s0  }
0xbc: {  	[sflag:s0] =	ssyncadd.remote.s32 $0x1  }
0xbd: {  	_ =	sfence.sel $0xFFFF  }
0xbe: {  	[dreg:$0x0] =	wrdreg $0xFFFFFFFF;
	(pc) =	sbr.abs _section_cstart, $3  }
0xbf: {  	[dreg:$0x1] =	wrdreg $0xFFFFFFFF  }
0xc0: {  	_ =	task.clear_ibuf [dreg:s6], $0x2FFFF;
	_ =	strace $0x9FFFFFFF  }
0xc1: {  	(tm) =	ssettm $0x7FFFFFFF  }
tec
execute0_lowered:
.L_overlay_start_1:
0x0: {  	(tag) =	ssettag $0x1  }
0x1: {  	s1 =	srdreg.scid  }
0x2: {  	s0 =	stileid.u32;
	s4 =	rddreg [dreg:$0x0]  }
0x3: {  	s2 =	simm.s32 $0x0;
	s11 =	simm.s32 $0x1;
	s12 =	simm.s32 $0x5000  }
0x4: {  	s13 =	simm.s32 $0x2;
	s5 =	sand.u32 $0x1, s1;
	s3 =	sshll.u32 s0, $0x1  }
0x5: {  	s14 =	simm.s32 $0x3;
	s1 =	rddreg [dreg:$0x1];
	s3 =	sor.u32 s5, s3  }
0x6: {  	s15 =	simm.s32 $0x0;
	[smem:$0x7FF] =	sst s2;
	s7 =	smul.u32 $0xD, s3  }
0x7: {  	s5 =	ssub.s32 $0x2, s5;
	s6 =	sshll.u32 s3, $0xB;
	s3 =	sadd.s32 $0x1600, s4  }
0x8: {  	s9 =	sadd.s32 s6, s4;
	s4 =	smin.u32 s7, $0x187;
	s29 =	smin.u32 s7, $0x17A  }
.Ltmp0:
0x9: {  	s30 =	sshrl.u32 s5, $0x1;
	s8 =	ssub.s32 s29, s4;
	(pc) =	sbr.rel .LBB2_1-.Ltmp0, $4  }
0xa: {  	_ =	strace $0x80000047;
	s10 =	ssub.s32 s5, s30;
	s5 =	sadd.s32 $0xD, s8  }
0xb: {  	s9 =	sadd.s32 $0x7BA00, s9;
	s31 =	sshll.u32 s4, $0x7;
	p0 =	slt.s32 s5, $0x1  }
0xc: {  	s10 =	smax.u32 s10, $0x1;
	s6 =	sadd.s32 s3, s31;
	p1 =	seq.s32 @!p0 s5, $0x1  }
0xd: {  	v0 =	vimm.f32 $0.0e+00;
	v1 =	vimm.f32 $1.000000000e+00;
	s8 =	sadd.s32 $0xC, s8;
	s7 =	sadd.s32 $0x80, s6;
	p1 =	por p1, p0  }
.LBB2_13:
0xe: {  	s15 =	sadd.s32 $0x1, s15  }
0xf: {  	p2 =	sne.s32 s15, s10  }
.Ltmp1:
0x10: {  	_ = 	snop;
	(pc) =	sbr.rel @!p2 .LBB2_14-.Ltmp1, $4  }
0x11: {  	[hbm4b:s9+s2] =	stream.linear.scatter [tilespmem:s12], [sflag:$0x3], $0x4000, $0x38;
	[tilespmem:$0x9000] =	vst v63  }
0x12: {  	_ =	swait.ge [sflag:s14], $0x4000  }
0x13: {  	[sflag:s14] =	ssyncset.done $0x0  }
0x14: {  	[sflag:s14] =	ssyncadd.s32 $0xFFFFC000  }
.LBB2_1:
0x15: {  	s16 =	simm.s32 $0x5200  }
0x16: {  	[tilespmem:s16+$0xFFFFFE00] =	vst v0  }
0x17: {  	[tilespmem:s16+$0x1F0] =	vst v0  }
0x18: {  	[tilespmem:s16+$0x1E0] =	vst v0  }
0x19: {  	[tilespmem:s16+$0x1D0] =	vst v0  }
0x1a: {  	[tilespmem:s16+$0x1C0] =	vst v0  }
0x1b: {  	[tilespmem:s16+$0x1B0] =	vst v0  }
0x1c: {  	[tilespmem:s16+$0x1A0] =	vst v0  }
0x1d: {  	[tilespmem:s16+$0x190] =	vst v0  }
0x1e: {  	[tilespmem:s16+$0x180] =	vst v0  }
0x1f: {  	[tilespmem:s16+$0x170] =	vst v0  }
0x20: {  	[tilespmem:s16+$0x160] =	vst v0  }
0x21: {  	[tilespmem:s16+$0x150] =	vst v0  }
0x22: {  	[tilespmem:s16+$0x140] =	vst v0  }
0x23: {  	[tilespmem:s16+$0x130] =	vst v0  }
0x24: {  	[tilespmem:s16+$0x120] =	vst v0  }
0x25: {  	[tilespmem:s16+$0x110] =	vst v0  }
0x26: {  	[tilespmem:s16+$0x100] =	vst v0  }
0x27: {  	[tilespmem:s16+$0xF0] =	vst v0  }
0x28: {  	[tilespmem:s16+$0xE0] =	vst v0  }
0x29: {  	[tilespmem:s16+$0xD0] =	vst v0  }
0x2a: {  	[tilespmem:s16+$0xC0] =	vst v0  }
0x2b: {  	[tilespmem:s16+$0xB0] =	vst v0  }
0x2c: {  	[tilespmem:s16+$0xA0] =	vst v0  }
0x2d: {  	[tilespmem:s16+$0x90] =	vst v0  }
0x2e: {  	[tilespmem:s16+$0x80] =	vst v0  }
0x2f: {  	[tilespmem:s16+$0x70] =	vst v0  }
0x30: {  	[tilespmem:s16+$0x60] =	vst v0  }
0x31: {  	[tilespmem:s16+$0x50] =	vst v0  }
0x32: {  	[tilespmem:s16+$0x40] =	vst v0  }
0x33: {  	[tilespmem:s16+$0x30] =	vst v0  }
0x34: {  	[tilespmem:s16+$0x20] =	vst v0  }
0x35: {  	[tilespmem:s16+$0x10] =	vst v0  }
0x36: {  	[tilespmem:s16+$0x0] =	vst v0  }
0x37: {  	[tilespmem:s16+$0xFFFFFFF0] =	vst v0  }
0x38: {  	[tilespmem:s16+$0xFFFFFFE0] =	vst v0  }
0x39: {  	[tilespmem:s16+$0xFFFFFFD0] =	vst v0  }
0x3a: {  	[tilespmem:s16+$0xFFFFFFC0] =	vst v0  }
0x3b: {  	[tilespmem:s16+$0xFFFFFFB0] =	vst v0  }
0x3c: {  	[tilespmem:s16+$0xFFFFFFA0] =	vst v0  }
0x3d: {  	[tilespmem:s16+$0xFFFFFF90] =	vst v0  }
0x3e: {  	[tilespmem:s16+$0xFFFFFF80] =	vst v0  }
0x3f: {  	[tilespmem:s16+$0xFFFFFF70] =	vst v0  }
0x40: {  	[tilespmem:s16+$0xFFFFFF60] =	vst v0  }
0x41: {  	[tilespmem:s16+$0xFFFFFF50] =	vst v0  }
0x42: {  	[tilespmem:s16+$0xFFFFFF40] =	vst v0  }
0x43: {  	[tilespmem:s16+$0xFFFFFF30] =	vst v0  }
0x44: {  	[tilespmem:s16+$0xFFFFFF20] =	vst v0  }
0x45: {  	[tilespmem:s16+$0xFFFFFF10] =	vst v0  }
0x46: {  	[tilespmem:s16+$0xFFFFFF00] =	vst v0  }
0x47: {  	[tilespmem:s16+$0xFFFFFEF0] =	vst v0  }
0x48: {  	[tilespmem:s16+$0xFFFFFEE0] =	vst v0  }
0x49: {  	[tilespmem:s16+$0xFFFFFED0] =	vst v0  }
0x4a: {  	[tilespmem:s16+$0xFFFFFEC0] =	vst v0  }
0x4b: {  	[tilespmem:s16+$0xFFFFFEB0] =	vst v0  }
0x4c: {  	[tilespmem:s16+$0xFFFFFEA0] =	vst v0  }
0x4d: {  	[tilespmem:s16+$0xFFFFFE90] =	vst v0  }
0x4e: {  	[tilespmem:s16+$0xFFFFFE80] =	vst v0  }
0x4f: {  	[tilespmem:s16+$0xFFFFFE70] =	vst v0  }
0x50: {  	[tilespmem:s16+$0xFFFFFE60] =	vst v0  }
0x51: {  	[tilespmem:s16+$0xFFFFFE50] =	vst v0  }
0x52: {  	[tilespmem:s16+$0xFFFFFE40] =	vst v0  }
0x53: {  	[tilespmem:s16+$0xFFFFFE30] =	vst v0  }
0x54: {  	s17 =	simm.s32 $0x0;
	[tilespmem:s16+$0xFFFFFE20] =	vst v0  }
.LBB2_2:
0x55: {  	s17 =	sadd.s32 $0x8, s17;
	[tilespmem:s16+$0xFFFFFE10] =	vst v0;
	s16 =	sadd.s32 $0x400, s16  }
0x56: {  	[tilespmem:s16+$0xFFFFFE00] =	vst v0;
	p2 =	slt.u32 s17, $0x78  }
0x57: {  	[tilespmem:s16+$0x1F0] =	vst v0  }
0x58: {  	[tilespmem:s16+$0x1E0] =	vst v0  }
0x59: {  	[tilespmem:s16+$0x1D0] =	vst v0  }
0x5a: {  	[tilespmem:s16+$0x1C0] =	vst v0  }
0x5b: {  	[tilespmem:s16+$0x1B0] =	vst v0  }
0x5c: {  	[tilespmem:s16+$0x1A0] =	vst v0  }
0x5d: {  	[tilespmem:s16+$0x190] =	vst v0  }
0x5e: {  	[tilespmem:s16+$0x180] =	vst v0  }
0x5f: {  	[tilespmem:s16+$0x170] =	vst v0  }
0x60: {  	[tilespmem:s16+$0x160] =	vst v0  }
0x61: {  	[tilespmem:s16+$0x150] =	vst v0  }
0x62: {  	[tilespmem:s16+$0x140] =	vst v0  }
0x63: {  	[tilespmem:s16+$0x130] =	vst v0  }
0x64: {  	[tilespmem:s16+$0x120] =	vst v0  }
0x65: {  	[tilespmem:s16+$0x110] =	vst v0  }
0x66: {  	[tilespmem:s16+$0x100] =	vst v0  }
0x67: {  	[tilespmem:s16+$0xF0] =	vst v0  }
0x68: {  	[tilespmem:s16+$0xE0] =	vst v0  }
0x69: {  	[tilespmem:s16+$0xD0] =	vst v0  }
0x6a: {  	[tilespmem:s16+$0xC0] =	vst v0  }
0x6b: {  	[tilespmem:s16+$0xB0] =	vst v0  }
0x6c: {  	[tilespmem:s16+$0xA0] =	vst v0  }
0x6d: {  	[tilespmem:s16+$0x90] =	vst v0  }
0x6e: {  	[tilespmem:s16+$0x80] =	vst v0  }
0x6f: {  	[tilespmem:s16+$0x70] =	vst v0  }
0x70: {  	[tilespmem:s16+$0x60] =	vst v0  }
0x71: {  	[tilespmem:s16+$0x50] =	vst v0  }
0x72: {  	[tilespmem:s16+$0x40] =	vst v0  }
0x73: {  	[tilespmem:s16+$0x30] =	vst v0  }
0x74: {  	[tilespmem:s16+$0x20] =	vst v0  }
0x75: {  	[tilespmem:s16+$0x10] =	vst v0  }
0x76: {  	[tilespmem:s16+$0x0] =	vst v0  }
0x77: {  	[tilespmem:s16+$0xFFFFFFF0] =	vst v0  }
0x78: {  	[tilespmem:s16+$0xFFFFFFE0] =	vst v0  }
0x79: {  	[tilespmem:s16+$0xFFFFFFD0] =	vst v0  }
0x7a: {  	[tilespmem:s16+$0xFFFFFFC0] =	vst v0  }
0x7b: {  	[tilespmem:s16+$0xFFFFFFB0] =	vst v0  }
0x7c: {  	[tilespmem:s16+$0xFFFFFFA0] =	vst v0  }
0x7d: {  	[tilespmem:s16+$0xFFFFFF90] =	vst v0  }
0x7e: {  	[tilespmem:s16+$0xFFFFFF80] =	vst v0  }
0x7f: {  	[tilespmem:s16+$0xFFFFFF70] =	vst v0  }
0x80: {  	[tilespmem:s16+$0xFFFFFF60] =	vst v0  }
0x81: {  	[tilespmem:s16+$0xFFFFFF50] =	vst v0  }
0x82: {  	[tilespmem:s16+$0xFFFFFF40] =	vst v0  }
0x83: {  	[tilespmem:s16+$0xFFFFFF30] =	vst v0  }
0x84: {  	[tilespmem:s16+$0xFFFFFF20] =	vst v0  }
0x85: {  	[tilespmem:s16+$0xFFFFFF10] =	vst v0  }
0x86: {  	[tilespmem:s16+$0xFFFFFF00] =	vst v0  }
0x87: {  	[tilespmem:s16+$0xFFFFFEF0] =	vst v0  }
0x88: {  	[tilespmem:s16+$0xFFFFFEE0] =	vst v0  }
0x89: {  	[tilespmem:s16+$0xFFFFFED0] =	vst v0  }
0x8a: {  	[tilespmem:s16+$0xFFFFFEC0] =	vst v0  }
0x8b: {  	[tilespmem:s16+$0xFFFFFEB0] =	vst v0  }
0x8c: {  	[tilespmem:s16+$0xFFFFFEA0] =	vst v0  }
0x8d: {  	[tilespmem:s16+$0xFFFFFE90] =	vst v0  }
0x8e: {  	[tilespmem:s16+$0xFFFFFE80] =	vst v0  }
0x8f: {  	[tilespmem:s16+$0xFFFFFE70] =	vst v0  }
.Ltmp2:
0x90: {  	[tilespmem:s16+$0xFFFFFE60] =	vst v0;
	(pc) =	sbr.rel @p2 .LBB2_2-.Ltmp2, $4  }
0x91: {  	[tilespmem:s16+$0xFFFFFE50] =	vst v0  }
0x92: {  	[tilespmem:s16+$0xFFFFFE40] =	vst v0  }
0x93: {  	[tilespmem:s16+$0xFFFFFE30] =	vst v0  }
0x94: {  	[tilespmem:s16+$0xFFFFFE20] =	vst v0  }
0x95: {  	[tilespmem:s16+$0xFFFFFE10] =	vst v0;
	s16 =	simm.s32 @!p0 $0x400  }
.Ltmp3:
0x96: {  	s17 =	simm.s32 @!p0 $0x61C00;
	s18 =	simm.s32 @!p0 $0x0;
	(pc) =	sbr.rel .LBB2_4-.Ltmp3, $4  }
0x97: {  	[tilespmem:s18], [sflag:$0x1] =	stream.strided.gather @!p0 [hbm4b:s6+s16], $0x2800, s17, s16, $0x38;
	[tilespmem:$0x9000] =	vst v63  }
0x98: {  	s16 =	simm.s32 @!p1 $0x400;
	s17 =	simm.s32 @!p1 $0x61C00;
	s18 =	simm.s32 @!p1 $0x2800  }
0x99: {  	[tilespmem:s18], [sflag:$0x2] =	stream.strided.gather @!p1 [hbm4b:s7+s16], $0x2800, s17, s16, $0x38;
	[tilespmem:$0x9000] =	vst v63  }
0x9a: {  	s16 =	simm.s32 $0x0  }
.LBB2_12:
0x9b: {  	s16 =	sadd.s32 $0x1, s16  }
0x9c: {  	p2 =	sne.s32 s16, $0x7  }
.Ltmp4:
0x9d: {  	_ = 	snop;
	(pc) =	sbr.rel @!p2 .LBB2_13-.Ltmp4, $1  }
0x9e: {  	_ =	sdelay $0x3  }
.LBB2_4:
0x9f: {  	s17 =	sshll.u32 s16, $0x1  }
0xa0: {  	p2 =	sge.s32 s17, s5  }
.Ltmp5:
0xa1: {  	_ = 	snop;
	(pc) =	sbr.rel @p2 .LBB2_8-.Ltmp5, $1  }
0xa2: {  	_ =	sdelay $0x3  }
0xa3: {  	_ =	swait.ge [sflag:s11], $0x2800  }
0xa4: {  	[sflag:s11] =	ssyncset.done $0x0  }
0xa5: {  	s18 =	simm.s32 $0x100;
	[sflag:s11] =	ssyncadd.s32 $0xFFFFD800  }
0xa6: {  	v2 =	vld [tilespmem:s18+$0x80];
	_ =	sdelay $0x4  }
0xa7: {  	v2 =	vshrl.u32 v2, $0x11;
	_ =	sdelay $0x3  }
0xa8: {  	v3 =	vld [tilespmem:s18+$0xFFFFFF00]  }
0xa9: {  	[tilespmem:v2+s12+$0x0] =	vst.idx.add.f32.msk $0xffff, v1  }
0xaa: {  	v2 =	vld [tilespmem:s18+$0x90];
	_ =	sdelay $0x2  }
0xab: {  	v4 =	vld [tilespmem:s18+$0xFFFFFF80];
	v3 =	vshrl.u32 v3, $0x11;
	_ =	sdelay $0x1  }
0xac: {  	v5 =	vld [tilespmem:s18+$0x0];
	v2 =	vshrl.u32 v2, $0x11;
	_ =	sdelay $0x2  }
0xad: {  	v4 =	vshrl.u32 v4, $0x11;
	[tilespmem:v3+s12+$0x0] =	vst.idx.add.f32.msk $0xffff, v1  }
0xae: {  	v3 =	vld [tilespmem:s18+$0xFFFFFF10]  }
0xaf: {  	[tilespmem:v2+s12+$0x0] =	vst.idx.add.f32.msk $0xffff, v1;
	v2 =	vshrl.u32 v5, $0x11  }
0xb0: {  	v5 =	vld [tilespmem:s18+$0xA0];
	_ =	sdelay $0x1  }
0xb1: {  	[tilespmem:v4+s12+$0x0] =	vst.idx.add.f32.msk $0xffff, v1  }
0xb2: {  	v4 =	vld [tilespmem:s18+$0xFFFFFF90];
	v3 =	vshrl.u32 v3, $0x11  }
0xb3: {  	[tilespmem:v2+s12+$0x0] =	vst.idx.add.f32.msk $0xffff, v1  }
0xb4: {  	v2 =	vshrl.u32 v5, $0x11;
	v5 =	vld [tilespmem:s18+$0x10];
	_ =	sdelay $0x2  }
0xb5: {  	v4 =	vshrl.u32 v4, $0x11;
	[tilespmem:v3+s12+$0x0] =	vst.idx.add.f32.msk $0xffff, v1  }
0xb6: {  	v3 =	vld [tilespmem:s18+$0xFFFFFF20]  }
0xb7: {  	[tilespmem:v2+s12+$0x0] =	vst.idx.add.f32.msk $0xffff, v1;
	v2 =	vshrl.u32 v5, $0x11  }
0xb8: {  	v5 =	vld [tilespmem:s18+$0xB0];
	_ =	sdelay $0x1  }
0xb9: {  	[tilespmem:v4+s12+$0x0] =	vst.idx.add.f32.msk $0xffff, v1  }
0xba: {  	v4 =	vld [tilespmem:s18+$0xFFFFFFA0];
	v3 =	vshrl.u32 v3, $0x11  }
0xbb: {  	[tilespmem:v2+s12+$0x0] =	vst.idx.add.f32.msk $0xffff, v1  }
0xbc: {  	v2 =	vshrl.u32 v5, $0x11;
	v5 =	vld [tilespmem:s18+$0x20];
	_ =	sdelay $0x2  }
0xbd: {  	v4 =	vshrl.u32 v4, $0x11;
	[tilespmem:v3+s12+$0x0] =	vst.idx.add.f32.msk $0xffff, v1  }
0xbe: {  	v3 =	vld [tilespmem:s18+$0xFFFFFF30]  }
0xbf: {  	[tilespmem:v2+s12+$0x0] =	vst.idx.add.f32.msk $0xffff, v1;
	v2 =	vshrl.u32 v5, $0x11  }
0xc0: {  	v5 =	vld [tilespmem:s18+$0xC0];
	_ =	sdelay $0x1  }
0xc1: {  	[tilespmem:v4+s12+$0x0] =	vst.idx.add.f32.msk $0xffff, v1  }
0xc2: {  	v4 =	vld [tilespmem:s18+$0xFFFFFFB0];
	v3 =	vshrl.u32 v3, $0x11  }
0xc3: {  	[tilespmem:v2+s12+$0x0] =	vst.idx.add.f32.msk $0xffff, v1  }
0xc4: {  	v2 =	vshrl.u32 v5, $0x11;
	v5 =	vld [tilespmem:s18+$0x30];
	_ =	sdelay $0x2  }
0xc5: {  	v4 =	vshrl.u32 v4, $0x11;
	[tilespmem:v3+s12+$0x0] =	vst.idx.add.f32.msk $0xffff, v1  }
0xc6: {  	v3 =	vld [tilespmem:s18+$0xFFFFFF40]  }
0xc7: {  	[tilespmem:v2+s12+$0x0] =	vst.idx.add.f32.msk $0xffff, v1;
	v2 =	vshrl.u32 v5, $0x11;
	_ =	sdelay $0x1  }
0xc8: {  	v5 =	vld [tilespmem:s18+$0xD0]  }
0xc9: {  	[tilespmem:v4+s12+$0x0] =	vst.idx.add.f32.msk $0xffff, v1  }
0xca: {  	v6 =	vld [tilespmem:s18+$0xFFFFFFC0]  }
0xcb: {  	v3 =	vshrl.u32 v3, $0x11;
	[tilespmem:v2+s12+$0x0] =	vst.idx.add.f32.msk $0xffff, v1  }
0xcc: {  	v4 =	vld [tilespmem:s18+$0x40]  }
0xcd: {  	v2 =	vshrl.u32 v5, $0x11;
	_ =	sdelay $0x2  }
0xce: {  	s19 =	simm.s32 $0x0;
	s20 =	simm.s32 $0x300;
	[tilespmem:v3+s12+$0x0] =	vst.idx.add.f32.msk $0xffff, v1;
	v3 =	vshrl.u32 v6, $0x11  }
.LBB2_6:
0xcf: {  	v5 =	vld [tilespmem:s20+$0x80];
	s19 =	sadd.s32 $0x4, s19;
	v4 =	vshrl.u32 v4, $0x11  }
0xd0: {  	p2 =	slt.u32 s19, $0x4C;
	[tilespmem:v2+s12+$0x0] =	vst.idx.add.f32.msk $0xffff, v1  }
0xd1: {  	v2 =	vld [tilespmem:s18+$0xE0]  }
0xd2: {  	v6 =	vld [tilespmem:s20+$0xFFFFFF80]  }
0xd3: {  	v7 =	vld [tilespmem:s20+$0x0]  }
0xd4: {  	v8 =	vld [tilespmem:s20+$0xFFFFFF00];
	v5 =	vshrl.u32 v5, $0x11  }
0xd5: {  	[tilespmem:v3+s12+$0x0] =	vst.idx.add.f32.msk $0xffff, v1  }
0xd6: {  	[tilespmem:v4+s12+$0x0] =	vst.idx.add.f32.msk $0xffff, v1;
	v2 =	vshrl.u32 v2, $0x11  }
0xd7: {  	v3 =	vshrl.u32 v6, $0x11;
	v4 =	vld [tilespmem:s18+$0xFFFFFF50]  }
0xd8: {  	v6 =	vshrl.u32 v7, $0x11;
	v7 =	vld [tilespmem:s18+$0xFFFFFFD0]  }
0xd9: {  	v8 =	vshrl.u32 v8, $0x11;
	[tilespmem:v5+s12+$0x0] =	vst.idx.add.f32.msk $0xffff, v1  }
0xda: {  	v5 =	vld [tilespmem:s20+$0x90]  }
0xdb: {  	[tilespmem:v2+s12+$0x0] =	vst.idx.add.f32.msk $0xffff, v1  }
0xdc: {  	v2 =	vshrl.u32 v4, $0x11;
	v4 =	vld [tilespmem:s18+$0xF0]  }
0xdd: {  	[tilespmem:v3+s12+$0x0] =	vst.idx.add.f32.msk $0xffff, v1;
	v3 =	vshrl.u32 v7, $0x11  }
0xde: {  	[tilespmem:v8+s12+$0x0] =	vst.idx.add.f32.msk $0xffff, v1  }
0xdf: {  	[tilespmem:v6+s12+$0x0] =	vst.idx.add.f32.msk $0xffff, v1;
	v5 =	vshrl.u32 v5, $0x11  }
0xe0: {  	v6 =	vld [tilespmem:s20+$0xFFFFFF10]  }
0xe1: {  	v7 =	vld [tilespmem:s20+$0xFFFFFF90];
	v4 =	vshrl.u32 v4, $0x11  }
0xe2: {  	v8 =	vld [tilespmem:s20+$0x10]  }
0xe3: {  	v9 =	vld [tilespmem:s18+$0x50]  }
0xe4: {  	[tilespmem:v5+s12+$0x0] =	vst.idx.add.f32.msk $0xffff, v1  }
0xe5: {  	v5 =	vshrl.u32 v6, $0x11;
	v6 =	vld [tilespmem:s20+$0xA0]  }
0xe6: {  	v7 =	vshrl.u32 v7, $0x11;
	[tilespmem:v4+s12+$0x0] =	vst.idx.add.f32.msk $0xffff, v1  }
0xe7: {  	v4 =	vshrl.u32 v8, $0x11;
	[tilespmem:v2+s12+$0x0] =	vst.idx.add.f32.msk $0xffff, v1  }
0xe8: {  	[tilespmem:v3+s12+$0x0] =	vst.idx.add.f32.msk $0xffff, v1;
	v2 =	vshrl.u32 v9, $0x11  }
0xe9: {  	v3 =	vld [tilespmem:s18+$0xFFFFFF60]  }
0xea: {  	[tilespmem:v5+s12+$0x0] =	vst.idx.add.f32.msk $0xffff, v1;
	v5 =	vshrl.u32 v6, $0x11  }
0xeb: {  	[tilespmem:v7+s12+$0x0] =	vst.idx.add.f32.msk $0xffff, v1  }
0xec: {  	[tilespmem:v4+s12+$0x0] =	vst.idx.add.f32.msk $0xffff, v1  }
0xed: {  	v4 =	vld [tilespmem:s20+$0xFFFFFF20]  }
0xee: {  	v6 =	vld [tilespmem:s20+$0xFFFFFFA0];
	v3 =	vshrl.u32 v3, $0x11  }
0xef: {  	[tilespmem:v5+s12+$0x0] =	vst.idx.add.f32.msk $0xffff, v1  }
0xf0: {  	v5 =	vld [tilespmem:s20+$0xB0]  }
0xf1: {  	v7 =	vld [tilespmem:s20+$0x20]  }
0xf2: {  	v4 =	vshrl.u32 v4, $0x11;
	[tilespmem:v2+s12+$0x0] =	vst.idx.add.f32.msk $0xffff, v1  }
0xf3: {  	v2 =	vshrl.u32 v6, $0x11;
	v6 =	vld [tilespmem:s18+$0xFFFFFFE0]  }
0xf4: {  	v8 =	vld [tilespmem:s18+$0x60]  }
0xf5: {  	v5 =	vshrl.u32 v5, $0x11;
	[tilespmem:v3+s12+$0x0] =	vst.idx.add.f32.msk $0xffff, v1  }
0xf6: {  	v3 =	vshrl.u32 v7, $0x11;
	v7 =	vld [tilespmem:s18+$0xFFFFFF70]  }
0xf7: {  	[tilespmem:v4+s12+$0x0] =	vst.idx.add.f32.msk $0xffff, v1  }
0xf8: {  	[tilespmem:v2+s12+$0x0] =	vst.idx.add.f32.msk $0xffff, v1;
	v2 =	vshrl.u32 v6, $0x11  }
0xf9: {  	v4 =	vld [tilespmem:s20+$0xFFFFFF30];
	v6 =	vshrl.u32 v8, $0x11  }
0xfa: {  	[tilespmem:v5+s12+$0x0] =	vst.idx.add.f32.msk $0xffff, v1  }
0xfb: {  	v5 =	vld [tilespmem:s20+$0xC0];
	v7 =	vshrl.u32 v7, $0x11  }
0xfc: {  	[tilespmem:v3+s12+$0x0] =	vst.idx.add.f32.msk $0xffff, v1  }
0xfd: {  	v3 =	vld [tilespmem:s20+$0xFFFFFFB0]  }
0xfe: {  	v4 =	vshrl.u32 v4, $0x11;
	v8 =	vld [tilespmem:s20+$0x30]  }
0xff: {  	[tilespmem:v2+s12+$0x0] =	vst.idx.add.f32.msk $0xffff, v1  }
0x100: {  	v2 =	vshrl.u32 v5, $0x11;
	[tilespmem:v6+s12+$0x0] =	vst.idx.add.f32.msk $0xffff, v1  }
0x101: {  	v5 =	vld [tilespmem:s18+$0xFFFFFFF0]  }
0x102: {  	v3 =	vshrl.u32 v3, $0x11;
	v6 =	vld [tilespmem:s18+$0x70];
	s18 =	smov.u32 s20  }
0x103: {  	[tilespmem:v4+s12+$0x0] =	vst.idx.add.f32.msk $0xffff, v1;
	v4 =	vshrl.u32 v8, $0x11  }
0x104: {  	v8 =	vld [tilespmem:s20+$0xFFFFFF40]  }
0x105: {  	[tilespmem:v2+s12+$0x0] =	vst.idx.add.f32.msk $0xffff, v1  }
0x106: {  	v2 =	vld [tilespmem:s20+$0xD0];
	v5 =	vshrl.u32 v5, $0x11  }
0x107: {  	[tilespmem:v3+s12+$0x0] =	vst.idx.add.f32.msk $0xffff, v1;
	v3 =	vshrl.u32 v6, $0x11  }
0x108: {  	[tilespmem:v4+s12+$0x0] =	vst.idx.add.f32.msk $0xffff, v1  }
0x109: {  	v6 =	vshrl.u32 v8, $0x11;
	v8 =	vld [tilespmem:s20+$0xFFFFFFC0]  }
.Ltmp6:
0x10a: {  	v4 =	vld [tilespmem:s20+$0x40];
	(pc) =	sbr.rel @p2 .LBB2_6-.Ltmp6, $4  }
0x10b: {  	v2 =	vshrl.u32 v2, $0x11;
	[tilespmem:v7+s12+$0x0] =	vst.idx.add.f32.msk $0xffff, v1  }
0x10c: {  	[tilespmem:v5+s12+$0x0] =	vst.idx.add.f32.msk $0xffff, v1  }
0x10d: {  	[tilespmem:v3+s12+$0x0] =	vst.idx.add.f32.msk $0xffff, v1  }
0x10e: {  	s20 =	sadd.s32 $0x200, s20;
	[tilespmem:v6+s12+$0x0] =	vst.idx.add.f32.msk $0xffff, v1;
	v3 =	vshrl.u32 v8, $0x11  }
0x10f: {  	_ =	sdelay $0x1  }
0x110: {  	v4 =	vshrl.u32 v4, $0x11;
	_ =	sdelay $0x1  }
0x111: {  	[tilespmem:v3+s12+$0x0] =	vst.idx.add.f32.msk $0xffff, v1  }
0x112: {  	v3 =	vld [tilespmem:s18+$0xFFFFFF50]  }
0x113: {  	v5 =	vld [tilespmem:s18+$0xFFFFFFD0]  }
0x114: {  	[tilespmem:v4+s12+$0x0] =	vst.idx.add.f32.msk $0xffff, v1  }
0x115: {  	v4 =	vld [tilespmem:s18+$0x50];
	_ =	sdelay $0x1  }
0x116: {  	v3 =	vshrl.u32 v3, $0x11  }
0x117: {  	v5 =	vshrl.u32 v5, $0x11;
	_ =	sdelay $0x1  }
0x118: {  	[tilespmem:v2+s12+$0x0] =	vst.idx.add.f32.msk $0xffff, v1;
	v2 =	vshrl.u32 v4, $0x11  }
0x119: {  	v60 =	vld [tilespmem:s18+$0xE0]  }
0x11a: {  	[tilespmem:v3+s12+$0x0] =	vst.idx.add.f32.msk $0xffff, v1  }
0x11b: {  	[tilespmem:v5+s12+$0x0] =	vst.idx.add.f32.msk $0xffff, v1  }
0x11c: {  	v3 =	vld [tilespmem:s18+$0xFFFFFF60]  }
0x11d: {  	[tilespmem:v2+s12+$0x0] =	vst.idx.add.f32.msk $0xffff, v1  }
0x11e: {  	v2 =	vld [tilespmem:s18+$0xFFFFFFE0]  }
0x11f: {  	v4 =	vshrl.u32 v60, $0x11;
	v61 =	vld [tilespmem:s18+$0x60];
	_ =	sdelay $0x1  }
0x120: {  	v3 =	vshrl.u32 v3, $0x11;
	_ =	sdelay $0x1  }
0x121: {  	v2 =	vshrl.u32 v2, $0x11  }
0x122: {  	[tilespmem:v4+s12+$0x0] =	vst.idx.add.f32.msk $0xffff, v1;
	v62 =	vshrl.u32 v61, $0x11  }
0x123: {  	v63 =	vld [tilespmem:s18+$0xF0]  }
0x124: {  	[tilespmem:v3+s12+$0x0] =	vst.idx.add.f32.msk $0xffff, v1  }
0x125: {  	v3 =	vld [tilespmem:s18+$0xFFFFFF70]  }
0x126: {  	[tilespmem:v2+s12+$0x0] =	vst.idx.add.f32.msk $0xffff, v1  }
0x127: {  	[tilespmem:v62+s12+$0x0] =	vst.idx.add.f32.msk $0xffff, v1  }
0x128: {  	v2 =	vld [tilespmem:s18+$0xFFFFFFF0]  }
0x129: {  	v4 =	vld [tilespmem:s18+$0x70];
	_ =	sdelay $0x1  }
0x12a: {  	v5 =	vshrl.u32 v63, $0x11  }
0x12b: {  	v3 =	vshrl.u32 v3, $0x11  }
0x12c: {  	v2 =	vshrl.u32 v2, $0x11  }
0x12d: {  	v4 =	vshrl.u32 v4, $0x11  }
0x12e: {  	s18 =	sadd.s32 $0x2, s17  }
0x12f: {  	[tilespmem:v5+s12+$0x0] =	vst.idx.add.f32.msk $0xffff, v1;
	p2 =	sge.s32 s18, s5  }
0x130: {  	s18 =	sadd.s32 @!p2 s4, s18;
	[tilespmem:v3+s12+$0x0] =	vst.idx.add.f32.msk $0xffff, v1  }
0x131: {  	s19 =	simm.s32 @!p2 $0x400;
	s18 =	sshll.u32 @!p2 s18, $0x7;
	[tilespmem:v2+s12+$0x0] =	vst.idx.add.f32.msk $0xffff, v1  }
0x132: {  	s20 =	simm.s32 @!p2 $0x61C00;
	s21 =	simm.s32 @!p2 $0x0;
	s18 =	sadd.s32 @!p2 s3, s18;
	[tilespmem:v4+s12+$0x0] =	vst.idx.add.f32.msk $0xffff, v1  }
0x133: {  	[tilespmem:s21], [sflag:$0x1] =	stream.strided.gather @!p2 [hbm4b:s18+s19], $0x2800, s20, s19, $0x38;
	[tilespmem:$0x9000] =	vst v63  }
.LBB2_8:
0x134: {  	p2 =	sge.s32 s17, s8  }
.Ltmp7:
0x135: {  	_ = 	snop;
	(pc) =	sbr.rel @p2 .LBB2_12-.Ltmp7, $1  }
0x136: {  	_ =	sdelay $0x3  }
0x137: {  	_ =	swait.ge [sflag:s13], $0x2800  }
0x138: {  	[sflag:s13] =	ssyncset.done $0x0  }
0x139: {  	s18 =	simm.s32 $0x29F0;
	[sflag:s13] =	ssyncadd.s32 $0xFFFFD800  }
0x13a: {  	v2 =	vld [tilespmem:s18+$0xFFFFFF90];
	_ =	sdelay $0x4  }
0x13b: {  	v2 =	vshrl.u32 v2, $0x11;
	_ =	sdelay $0x3  }
0x13c: {  	v3 =	vld [tilespmem:s18+$0xFFFFFE10]  }
0x13d: {  	[tilespmem:v2+s12+$0x0] =	vst.idx.add.f32.msk $0xffff, v1  }
0x13e: {  	v2 =	vld [tilespmem:s18+$0xFFFFFFA0];
	_ =	sdelay $0x2  }
0x13f: {  	v4 =	vld [tilespmem:s18+$0xFFFFFE90];
	v3 =	vshrl.u32 v3, $0x11;
	_ =	sdelay $0x1  }
0x140: {  	v5 =	vld [tilespmem:s18+$0xFFFFFF10];
	v2 =	vshrl.u32 v2, $0x11;
	_ =	sdelay $0x2  }
0x141: {  	v4 =	vshrl.u32 v4, $0x11;
	[tilespmem:v3+s12+$0x0] =	vst.idx.add.f32.msk $0xffff, v1  }
0x142: {  	v3 =	vld [tilespmem:s18+$0xFFFFFE20]  }
0x143: {  	[tilespmem:v2+s12+$0x0] =	vst.idx.add.f32.msk $0xffff, v1;
	v2 =	vshrl.u32 v5, $0x11  }
0x144: {  	v5 =	vld [tilespmem:s18+$0xFFFFFFB0];
	_ =	sdelay $0x1  }
0x145: {  	[tilespmem:v4+s12+$0x0] =	vst.idx.add.f32.msk $0xffff, v1  }
0x146: {  	v4 =	vld [tilespmem:s18+$0xFFFFFEA0];
	v3 =	vshrl.u32 v3, $0x11  }
0x147: {  	[tilespmem:v2+s12+$0x0] =	vst.idx.add.f32.msk $0xffff, v1  }
0x148: {  	v2 =	vshrl.u32 v5, $0x11;
	v5 =	vld [tilespmem:s18+$0xFFFFFF20];
	_ =	sdelay $0x2  }
0x149: {  	v4 =	vshrl.u32 v4, $0x11;
	[tilespmem:v3+s12+$0x0] =	vst.idx.add.f32.msk $0xffff, v1  }
0x14a: {  	v3 =	vld [tilespmem:s18+$0xFFFFFE30]  }
0x14b: {  	[tilespmem:v2+s12+$0x0] =	vst.idx.add.f32.msk $0xffff, v1;
	v2 =	vshrl.u32 v5, $0x11  }
0x14c: {  	v5 =	vld [tilespmem:s18+$0xFFFFFFC0];
	_ =	sdelay $0x1  }
0x14d: {  	[tilespmem:v4+s12+$0x0] =	vst.idx.add.f32.msk $0xffff, v1  }
0x14e: {  	v4 =	vld [tilespmem:s18+$0xFFFFFEB0];
	v3 =	vshrl.u32 v3, $0x11  }
0x14f: {  	[tilespmem:v2+s12+$0x0] =	vst.idx.add.f32.msk $0xffff, v1  }
0x150: {  	v2 =	vshrl.u32 v5, $0x11;
	v5 =	vld [tilespmem:s18+$0xFFFFFF30];
	_ =	sdelay $0x2  }
0x151: {  	v4 =	vshrl.u32 v4, $0x11;
	[tilespmem:v3+s12+$0x0] =	vst.idx.add.f32.msk $0xffff, v1  }
0x152: {  	v3 =	vld [tilespmem:s18+$0xFFFFFE40]  }
0x153: {  	[tilespmem:v2+s12+$0x0] =	vst.idx.add.f32.msk $0xffff, v1;
	v2 =	vshrl.u32 v5, $0x11  }
0x154: {  	v5 =	vld [tilespmem:s18+$0xFFFFFFD0];
	_ =	sdelay $0x1  }
0x155: {  	[tilespmem:v4+s12+$0x0] =	vst.idx.add.f32.msk $0xffff, v1  }
0x156: {  	v4 =	vld [tilespmem:s18+$0xFFFFFEC0];
	v3 =	vshrl.u32 v3, $0x11  }
0x157: {  	[tilespmem:v2+s12+$0x0] =	vst.idx.add.f32.msk $0xffff, v1  }
0x158: {  	v2 =	vshrl.u32 v5, $0x11;
	v5 =	vld [tilespmem:s18+$0xFFFFFF40];
	_ =	sdelay $0x2  }
0x159: {  	v4 =	vshrl.u32 v4, $0x11;
	[tilespmem:v3+s12+$0x0] =	vst.idx.add.f32.msk $0xffff, v1  }
0x15a: {  	v3 =	vld [tilespmem:s18+$0xFFFFFE50]  }
0x15b: {  	[tilespmem:v2+s12+$0x0] =	vst.idx.add.f32.msk $0xffff, v1;
	v2 =	vshrl.u32 v5, $0x11;
	_ =	sdelay $0x1  }
0x15c: {  	v5 =	vld [tilespmem:s18+$0xFFFFFFE0]  }
0x15d: {  	[tilespmem:v4+s12+$0x0] =	vst.idx.add.f32.msk $0xffff, v1  }
0x15e: {  	v6 =	vld [tilespmem:s18+$0xFFFFFED0]  }
0x15f: {  	v3 =	vshrl.u32 v3, $0x11;
	[tilespmem:v2+s12+$0x0] =	vst.idx.add.f32.msk $0xffff, v1  }
0x160: {  	v4 =	vld [tilespmem:s18+$0xFFFFFF50]  }
0x161: {  	v2 =	vshrl.u32 v5, $0x11;
	_ =	sdelay $0x2  }
0x162: {  	s19 =	simm.s32 $0x0;
	s20 =	simm.s32 $0x2BF0;
	[tilespmem:v3+s12+$0x0] =	vst.idx.add.f32.msk $0xffff, v1;
	v3 =	vshrl.u32 v6, $0x11  }
.LBB2_10:
0x163: {  	v5 =	vld [tilespmem:s20+$0xFFFFFF90];
	s19 =	sadd.s32 $0x4, s19;
	v4 =	vshrl.u32 v4, $0x11  }
0x164: {  	p2 =	slt.u32 s19, $0x4C;
	[tilespmem:v2+s12+$0x0] =	vst.idx.add.f32.msk $0xffff, v1  }
0x165: {  	v2 =	vld [tilespmem:s18+$0xFFFFFFF0]  }
0x166: {  	v6 =	vld [tilespmem:s20+$0xFFFFFE90]  }
0x167: {  	v7 =	vld [tilespmem:s20+$0xFFFFFF10]  }
0x168: {  	v8 =	vld [tilespmem:s20+$0xFFFFFE10];
	v5 =	vshrl.u32 v5, $0x11  }
0x169: {  	[tilespmem:v3+s12+$0x0] =	vst.idx.add.f32.msk $0xffff, v1  }
0x16a: {  	[tilespmem:v4+s12+$0x0] =	vst.idx.add.f32.msk $0xffff, v1;
	v2 =	vshrl.u32 v2, $0x11  }
0x16b: {  	v3 =	vshrl.u32 v6, $0x11;
	v4 =	vld [tilespmem:s18+$0xFFFFFE60]  }
0x16c: {  	v6 =	vshrl.u32 v7, $0x11;
	v7 =	vld [tilespmem:s18+$0xFFFFFEE0]  }
0x16d: {  	v8 =	vshrl.u32 v8, $0x11;
	[tilespmem:v5+s12+$0x0] =	vst.idx.add.f32.msk $0xffff, v1  }
0x16e: {  	v5 =	vld [tilespmem:s20+$0xFFFFFFA0]  }
0x16f: {  	[tilespmem:v2+s12+$0x0] =	vst.idx.add.f32.msk $0xffff, v1  }
0x170: {  	v2 =	vshrl.u32 v4, $0x11;
	v4 =	vld [tilespmem:s18+$0x0]  }
0x171: {  	[tilespmem:v3+s12+$0x0] =	vst.idx.add.f32.msk $0xffff, v1;
	v3 =	vshrl.u32 v7, $0x11  }
0x172: {  	[tilespmem:v8+s12+$0x0] =	vst.idx.add.f32.msk $0xffff, v1  }
0x173: {  	[tilespmem:v6+s12+$0x0] =	vst.idx.add.f32.msk $0xffff, v1;
	v5 =	vshrl.u32 v5, $0x11  }
0x174: {  	v6 =	vld [tilespmem:s20+$0xFFFFFE20]  }
0x175: {  	v7 =	vld [tilespmem:s20+$0xFFFFFEA0];
	v4 =	vshrl.u32 v4, $0x11  }
0x176: {  	v8 =	vld [tilespmem:s20+$0xFFFFFF20]  }
0x177: {  	v9 =	vld [tilespmem:s18+$0xFFFFFF60]  }
0x178: {  	[tilespmem:v5+s12+$0x0] =	vst.idx.add.f32.msk $0xffff, v1  }
0x179: {  	v5 =	vshrl.u32 v6, $0x11;
	v6 =	vld [tilespmem:s20+$0xFFFFFFB0]  }
0x17a: {  	v7 =	vshrl.u32 v7, $0x11;
	[tilespmem:v4+s12+$0x0] =	vst.idx.add.f32.msk $0xffff, v1  }
0x17b: {  	v4 =	vshrl.u32 v8, $0x11;
	[tilespmem:v2+s12+$0x0] =	vst.idx.add.f32.msk $0xffff, v1  }
0x17c: {  	[tilespmem:v3+s12+$0x0] =	vst.idx.add.f32.msk $0xffff, v1;
	v2 =	vshrl.u32 v9, $0x11  }
0x17d: {  	v3 =	vld [tilespmem:s18+$0xFFFFFE70]  }
0x17e: {  	[tilespmem:v5+s12+$0x0] =	vst.idx.add.f32.msk $0xffff, v1;
	v5 =	vshrl.u32 v6, $0x11  }
0x17f: {  	[tilespmem:v7+s12+$0x0] =	vst.idx.add.f32.msk $0xffff, v1  }
0x180: {  	[tilespmem:v4+s12+$0x0] =	vst.idx.add.f32.msk $0xffff, v1  }
0x181: {  	v4 =	vld [tilespmem:s20+$0xFFFFFE30]  }
0x182: {  	v6 =	vld [tilespmem:s20+$0xFFFFFEB0];
	v3 =	vshrl.u32 v3, $0x11  }
0x183: {  	[tilespmem:v5+s12+$0x0] =	vst.idx.add.f32.msk $0xffff, v1  }
0x184: {  	v5 =	vld [tilespmem:s20+$0xFFFFFFC0]  }
0x185: {  	v7 =	vld [tilespmem:s20+$0xFFFFFF30]  }
0x186: {  	v4 =	vshrl.u32 v4, $0x11;
	[tilespmem:v2+s12+$0x0] =	vst.idx.add.f32.msk $0xffff, v1  }
0x187: {  	v2 =	vshrl.u32 v6, $0x11;
	v6 =	vld [tilespmem:s18+$0xFFFFFEF0]  }
0x188: {  	v8 =	vld [tilespmem:s18+$0xFFFFFF70]  }
0x189: {  	v5 =	vshrl.u32 v5, $0x11;
	[tilespmem:v3+s12+$0x0] =	vst.idx.add.f32.msk $0xffff, v1  }
0x18a: {  	v3 =	vshrl.u32 v7, $0x11;
	v7 =	vld [tilespmem:s18+$0xFFFFFE80]  }
0x18b: {  	[tilespmem:v4+s12+$0x0] =	vst.idx.add.f32.msk $0xffff, v1  }
0x18c: {  	[tilespmem:v2+s12+$0x0] =	vst.idx.add.f32.msk $0xffff, v1;
	v2 =	vshrl.u32 v6, $0x11  }
0x18d: {  	v4 =	vld [tilespmem:s20+$0xFFFFFE40];
	v6 =	vshrl.u32 v8, $0x11  }
0x18e: {  	[tilespmem:v5+s12+$0x0] =	vst.idx.add.f32.msk $0xffff, v1  }
0x18f: {  	v5 =	vld [tilespmem:s20+$0xFFFFFFD0];
	v7 =	vshrl.u32 v7, $0x11  }
0x190: {  	[tilespmem:v3+s12+$0x0] =	vst.idx.add.f32.msk $0xffff, v1  }
0x191: {  	v3 =	vld [tilespmem:s20+$0xFFFFFEC0]  }
0x192: {  	v4 =	vshrl.u32 v4, $0x11;
	v8 =	vld [tilespmem:s20+$0xFFFFFF40]  }
0x193: {  	[tilespmem:v2+s12+$0x0] =	vst.idx.add.f32.msk $0xffff, v1  }
0x194: {  	v2 =	vshrl.u32 v5, $0x11;
	[tilespmem:v6+s12+$0x0] =	vst.idx.add.f32.msk $0xffff, v1  }
0x195: {  	v5 =	vld [tilespmem:s18+$0xFFFFFF00]  }
0x196: {  	v3 =	vshrl.u32 v3, $0x11;
	v6 =	vld [tilespmem:s18+$0xFFFFFF80];
	s18 =	smov.u32 s20  }
0x197: {  	[tilespmem:v4+s12+$0x0] =	vst.idx.add.f32.msk $0xffff, v1;
	v4 =	vshrl.u32 v8, $0x11  }
0x198: {  	v8 =	vld [tilespmem:s20+$0xFFFFFE50]  }
0x199: {  	[tilespmem:v2+s12+$0x0] =	vst.idx.add.f32.msk $0xffff, v1  }
0x19a: {  	v2 =	vld [tilespmem:s20+$0xFFFFFFE0];
	v5 =	vshrl.u32 v5, $0x11  }
0x19b: {  	[tilespmem:v3+s12+$0x0] =	vst.idx.add.f32.msk $0xffff, v1;
	v3 =	vshrl.u32 v6, $0x11  }
0x19c: {  	[tilespmem:v4+s12+$0x0] =	vst.idx.add.f32.msk $0xffff, v1  }
0x19d: {  	v6 =	vshrl.u32 v8, $0x11;
	v8 =	vld [tilespmem:s20+$0xFFFFFED0]  }
.Ltmp8:
0x19e: {  	v4 =	vld [tilespmem:s20+$0xFFFFFF50];
	(pc) =	sbr.rel @p2 .LBB2_10-.Ltmp8, $4  }
0x19f: {  	v2 =	vshrl.u32 v2, $0x11;
	[tilespmem:v7+s12+$0x0] =	vst.idx.add.f32.msk $0xffff, v1  }
0x1a0: {  	[tilespmem:v5+s12+$0x0] =	vst.idx.add.f32.msk $0xffff, v1  }
0x1a1: {  	[tilespmem:v3+s12+$0x0] =	vst.idx.add.f32.msk $0xffff, v1  }
0x1a2: {  	s20 =	sadd.s32 $0x200, s20;
	[tilespmem:v6+s12+$0x0] =	vst.idx.add.f32.msk $0xffff, v1;
	v3 =	vshrl.u32 v8, $0x11  }
0x1a3: {  	_ =	sdelay $0x1  }
0x1a4: {  	v4 =	vshrl.u32 v4, $0x11;
	_ =	sdelay $0x1  }
0x1a5: {  	[tilespmem:v3+s12+$0x0] =	vst.idx.add.f32.msk $0xffff, v1  }
0x1a6: {  	v3 =	vld [tilespmem:s18+$0xFFFFFE60]  }
0x1a7: {  	v5 =	vld [tilespmem:s18+$0xFFFFFEE0]  }
0x1a8: {  	[tilespmem:v4+s12+$0x0] =	vst.idx.add.f32.msk $0xffff, v1  }
0x1a9: {  	v4 =	vld [tilespmem:s18+$0xFFFFFF60];
	_ =	sdelay $0x1  }
0x1aa: {  	v3 =	vshrl.u32 v3, $0x11  }
0x1ab: {  	v5 =	vshrl.u32 v5, $0x11;
	_ =	sdelay $0x1  }
0x1ac: {  	[tilespmem:v2+s12+$0x0] =	vst.idx.add.f32.msk $0xffff, v1;
	v2 =	vshrl.u32 v4, $0x11  }
0x1ad: {  	v60 =	vld [tilespmem:s18+$0xFFFFFFF0]  }
0x1ae: {  	[tilespmem:v3+s12+$0x0] =	vst.idx.add.f32.msk $0xffff, v1  }
0x1af: {  	[tilespmem:v5+s12+$0x0] =	vst.idx.add.f32.msk $0xffff, v1  }
0x1b0: {  	v3 =	vld [tilespmem:s18+$0xFFFFFE70]  }
0x1b1: {  	[tilespmem:v2+s12+$0x0] =	vst.idx.add.f32.msk $0xffff, v1  }
0x1b2: {  	v2 =	vld [tilespmem:s18+$0xFFFFFEF0]  }
0x1b3: {  	v4 =	vshrl.u32 v60, $0x11;
	v61 =	vld [tilespmem:s18+$0xFFFFFF70];
	_ =	sdelay $0x1  }
0x1b4: {  	v3 =	vshrl.u32 v3, $0x11;
	_ =	sdelay $0x1  }
0x1b5: {  	v2 =	vshrl.u32 v2, $0x11  }
0x1b6: {  	[tilespmem:v4+s12+$0x0] =	vst.idx.add.f32.msk $0xffff, v1;
	v62 =	vshrl.u32 v61, $0x11  }
0x1b7: {  	v63 =	vld [tilespmem:s18+$0x0]  }
0x1b8: {  	[tilespmem:v3+s12+$0x0] =	vst.idx.add.f32.msk $0xffff, v1  }
0x1b9: {  	v3 =	vld [tilespmem:s18+$0xFFFFFE80]  }
0x1ba: {  	[tilespmem:v2+s12+$0x0] =	vst.idx.add.f32.msk $0xffff, v1  }
0x1bb: {  	[tilespmem:v62+s12+$0x0] =	vst.idx.add.f32.msk $0xffff, v1  }
0x1bc: {  	v2 =	vld [tilespmem:s18+$0xFFFFFF00]  }
0x1bd: {  	v4 =	vld [tilespmem:s18+$0xFFFFFF80];
	_ =	sdelay $0x1  }
0x1be: {  	v5 =	vshrl.u32 v63, $0x11  }
0x1bf: {  	v3 =	vshrl.u32 v3, $0x11  }
0x1c0: {  	v2 =	vshrl.u32 v2, $0x11  }
0x1c1: {  	v4 =	vshrl.u32 v4, $0x11  }
0x1c2: {  	s17 =	sadd.s32 $0x3, s17  }
.Ltmp9:
0x1c3: {  	p2 =	sge.s32 s17, s5;
	[tilespmem:v5+s12+$0x0] =	vst.idx.add.f32.msk $0xffff, v1;
	(pc) =	sbr.rel .LBB2_12-.Ltmp9, $4  }
0x1c4: {  	s17 =	sadd.s32 @!p2 s4, s17;
	[tilespmem:v3+s12+$0x0] =	vst.idx.add.f32.msk $0xffff, v1  }
0x1c5: {  	s19 =	simm.s32 @!p2 $0x61C00;
	s17 =	sshll.u32 @!p2 s17, $0x7;
	[tilespmem:v2+s12+$0x0] =	vst.idx.add.f32.msk $0xffff, v1  }
0x1c6: {  	s20 =	simm.s32 @!p2 $0x2800;
	s17 =	sadd.s32 @!p2 s3, s17;
	s18 =	simm.s32 @!p2 $0x400;
	[tilespmem:v4+s12+$0x0] =	vst.idx.add.f32.msk $0xffff, v1  }
0x1c7: {  	[tilespmem:s20], [sflag:$0x2] =	stream.strided.gather @!p2 [hbm4b:s17+s18], $0x2800, s19, s18, $0x38;
	[tilespmem:$0x9000] =	vst v63  }
.LBB2_14:
0x1c8: {  	_ =	sfence.sel $0x180000  }
0x1c9: {  	[bflag:$0x0] =	sbarrier.arrive $0xFFFF  }
0x1ca: {  	p0 =	sne.s32 s0, $0x0;
	_ =	strace $0x90000047  }
0x1cb: {  	s0 =	sadd.s32 @!p0 $0x100000, s1;
	[bflag:$0x2] =	sbarrier.arrive $0xFFFF  }
0x1cc: {  	[sflag:s0] =	ssyncadd.tile.s32 @!p0 $0x1;
	_ =	shalt  }
.Lfunc_end2:
_tile_overlayer_lowered:
.L_overlay_start_2:
0x1cd: {  	(tag) =	ssettag $0x2  }
0x1ce: {  	s0 =	rddreg [dreg:$0x0];
	s2 =	stileid.u32  }
0x1cf: {  	s1 =	rddreg [dreg:$0x1];
	p0 =	sne.s32 s2, $0x0  }
0x1d0: {  	s3 =	rddreg [dreg:$0x2];
	[bflag:$0x3] =	sbarrier.arrive $0xFFFF;
	s2 =	simm.s32 @!p0 $0x1C03  }
0x1d1: {  	[timem:s3], [sflag:s2] =	dma.local @!p0 [hbm:s0], s1  }
0x1d2: {  	s0 =	simm.s32 @!p0 $0x3  }
0x1d3: {  	_ =	swait.ge @!p0 [sflag:s0], s1  }
0x1d4: {  	s1 =	ssub.s32 @!p0 $0x0, s1;
	[sflag:s0] =	ssyncset.done @!p0 $0x0  }
0x1d5: {  	[sflag:s0] =	ssyncadd.s32 @!p0 s1  }
0x1d6: {  	[bflag:$0x3] =	sbarrier.arrive $0xFFFF  }
0x1d7: {  	_ =	shalt  }

// kernel: kernel.7.cloned.1.call-start
scs
__scs_entry_jumppad:
0x0: {  	(pc) =	sbr.rel $0x88, $3  }
0x1: {  	(tag) =	ssettag $0x0;
	lr =	simm.s32 $0x1  }
0x2: {  	[smem:$0x3F9F] =	sst lr;
	_ =	strace $0xD0000000  }
0x3: {  	_ = 	snop  }
0x4: {  	_ = 	snop  }
0x5: {  	_ = 	snop  }
0x6: {  	_ = 	snop  }
0x7: {  	_ = 	snop  }
__scs_overlays_trampoline_lowered:
0x8: {  	[smem:$0x3FAE] =	sst s0  }
0x9: {  	[smem:$0x3FAF] =	sst s1  }
0xa: {  	[smem:$0x3FB0] =	sst s2  }
0xb: {  	[smem:$0x3FB1] =	sst s3  }
0xc: {  	[smem:$0x3FB2] =	sst s4  }
0xd: {  	[smem:$0x3FB3] =	sst s5  }
0xe: {  	[smem:$0x3FB4] =	sst s6  }
0xf: {  	[smem:$0x3FB5] =	sst s7  }
0x10: {  	[smem:$0x3FB6] =	sst s8  }
0x11: {  	[smem:$0x3FB7] =	sst s9;
	s0 =	simm.s32 @!p0 $0x0  }
0x12: {  	s1 =	sld [smem:$0x3F9D];
	s0 =	simm.s32 @p0 $0x1  }
0x13: {  	[smem:$0x3FB8] =	sst s0;
	s0 =	simm.s32 @!p1 $0x0  }
0x14: {  	s2 =	sld [smem:$0x3F9C];
	s0 =	simm.s32 @p1 $0x1  }
0x15: {  	[smem:$0x3FB9] =	sst s0;
	s0 =	simm.s32 @!p2 $0x0  }
0x16: {  	s3 =	sld [smem:$0x3FDB];
	s0 =	simm.s32 @p2 $0x1  }
0x17: {  	s4 =	simm.s32 $0x1BF5;
	[smem:$0x3FBB] =	sst s0  }
0x18: {  	s0 =	sld [smem:$0x3F9E];
	_ =	swait.ge [sflag:s4], $0x0  }
0x19: {  	s7 =	sld [smem:$0x3F9F]  }
0x1a: {  	s8 =	sadd.s32 $0xFFFFE003, lr  }
0x1b: {  	s9 =	sadd.s32 $0xFFFFFEF7, lr;
	s5 =	simm.s32 $0xFFFFFFFF;
	p2 =	slt.u32 s8, $0xFFFFF086  }
0x1c: {  	p1 =	slt.u32 s9, $0xF7A;
	s5 =	simm.s32 @!p2 $0x0  }
0x1d: {  	s5 =	simm.s32 @p1 $0x1;
	p0 =	seq.s32 s7, s2  }
0x1e: {  	s7 =	smul.u32 @!p0 $0xF7A, s2;
	p2 =	seq.s32 @!p0 s5, $0x0  }
0x1f: {  	s9 =	smul.u32 $0xF7A, s1;
	s8 =	simm.s32 @!p0 $0x1BF5;
	p2 =	por !p2, p0  }
0x20: {  	[sflag:s8] =	ssyncset.s32 @!p0 $0xFFFFF086;
	s6 =	sadd.s32 @!p0 s3, s7;
	s7 =	simm.s32 @!p0 $0x108  }
0x21: {  	s3 =	sadd.s32 s3, s9;
	s6 =	sadd.s32 @!p0 $0x88, s6;
	s7 =	simm.s32 @p2 $0x1082  }
0x22: {  	[simem:s7], [sflag:s8] =	dma.local @!p0 [hbm:s6], $0xF7A  }
0x23: {  	s9 =	sor.u32 $0xD0000000, s2;
	s6 =	simm.s32 $0x108;
	_ =	swait.ge @!p0 [sflag:s8], $0x0  }
0x24: {  	s3 =	sadd.s32 $0x88, s3;
	s6 =	simm.s32 @!p1 $0x1082;
	[sflag:s4] =	ssyncset.s32 $0xFFFFF086  }
0x25: {  	[simem:s6], [sflag:s4] =	dma.local [hbm:s3], $0xF7A  }
0x26: {  	[smem:$0x3F9F] =	sst s1;
	(tag) =	ssettag s2;
	_ =	strace s9  }
0x27: {  	s1 =	sld [smem:$0x3FAF]  }
0x28: {  	s2 =	sld [smem:$0x3FB0]  }
0x29: {  	s4 =	sld [smem:$0x3FB2]  }
0x2a: {  	p0 =	seq.s32 s5, $0x0;
	s5 =	sld [smem:$0x3FB3]  }
0x2b: {  	s6 =	sld [smem:$0x3FB4]  }
0x2c: {  	s7 =	sld [smem:$0x3FB5]  }
0x2d: {  	s3 =	simm.s32 $0x108;
	s8 =	sld [smem:$0x3FB6]  }
0x2e: {  	s3 =	simm.s32 @!p0 $0x1082;
	s9 =	sld [smem:$0x3FB7]  }
0x2f: {  	lr =	sadd.s32 s0, s3;
	s0 =	sld [smem:$0x3FAE]  }
0x30: {  	s3 =	sld [smem:$0x3FB1]  }
0x31: {  	[smem:$0x3FBA] =	sst s10  }
0x32: {  	s10 =	sld [smem:$0x3FB8];
	_ =	sdelay $0x3  }
0x33: {  	p0 =	seq.s32 s10, $0x1;
	s10 =	sld [smem:$0x3FBA];
	_ =	sdelay $0x3  }
0x34: {  	[smem:$0x3FBA] =	sst s10  }
0x35: {  	s10 =	sld [smem:$0x3FB9];
	_ =	sdelay $0x3  }
0x36: {  	p1 =	seq.s32 s10, $0x1;
	s10 =	sld [smem:$0x3FBA];
	_ =	sdelay $0x3  }
0x37: {  	[smem:$0x3FBA] =	sst s10  }
0x38: {  	s10 =	sld [smem:$0x3FBB]  }
0x39: {  	_ = 	snop;
	(pc) =	sbr.ind lr, $3  }
0x3a: {  	_ = 	snop  }
0x3b: {  	_ = 	snop  }
0x3c: {  	p2 =	seq.s32 s10, $0x1;
	s10 =	sld [smem:$0x3FBA]  }
0x3d: {  	_ =	shalt  }
0x3e: {  	_ =	shalt  }
0x3f: {  	_ =	shalt  }
0x40: {  	_ =	shalt  }
0x41: {  	_ =	shalt  }
0x42: {  	_ =	shalt  }
0x43: {  	_ =	shalt  }
0x44: {  	_ =	shalt  }
0x45: {  	_ =	shalt  }
0x46: {  	_ =	shalt  }
0x47: {  	_ =	shalt  }
0x48: {  	_ =	shalt  }
0x49: {  	_ =	shalt  }
0x4a: {  	_ =	shalt  }
0x4b: {  	_ =	shalt  }
0x4c: {  	_ =	shalt  }
0x4d: {  	_ =	shalt  }
0x4e: {  	_ =	shalt  }
0x4f: {  	_ =	shalt  }
0x50: {  	_ =	shalt  }
0x51: {  	_ =	shalt  }
0x52: {  	_ =	shalt  }
0x53: {  	_ =	shalt  }
0x54: {  	_ =	shalt  }
0x55: {  	_ =	shalt  }
0x56: {  	_ =	shalt  }
0x57: {  	_ =	shalt  }
0x58: {  	_ =	shalt  }
0x59: {  	_ =	shalt  }
0x5a: {  	_ =	shalt  }
0x5b: {  	_ =	shalt  }
0x5c: {  	_ =	shalt  }
0x5d: {  	_ =	shalt  }
0x5e: {  	_ =	shalt  }
0x5f: {  	_ =	shalt  }
0x60: {  	_ =	shalt  }
0x61: {  	_ =	shalt  }
0x62: {  	_ =	shalt  }
0x63: {  	_ =	shalt  }
0x64: {  	_ =	shalt  }
0x65: {  	_ =	shalt  }
0x66: {  	_ =	shalt  }
0x67: {  	_ =	shalt  }
0x68: {  	_ =	shalt  }
0x69: {  	_ =	shalt  }
0x6a: {  	_ =	shalt  }
0x6b: {  	_ =	shalt  }
0x6c: {  	_ =	shalt  }
0x6d: {  	_ =	shalt  }
0x6e: {  	_ =	shalt  }
0x6f: {  	_ =	shalt  }
0x70: {  	_ =	shalt  }
0x71: {  	_ =	shalt  }
0x72: {  	_ =	shalt  }
0x73: {  	_ =	shalt  }
0x74: {  	_ =	shalt  }
0x75: {  	_ =	shalt  }
0x76: {  	_ =	shalt  }
0x77: {  	_ =	shalt  }
0x78: {  	_ =	shalt  }
0x79: {  	_ =	shalt  }
0x7a: {  	_ =	shalt  }
0x7b: {  	_ =	shalt  }
0x7c: {  	_ =	shalt  }
0x7d: {  	_ =	shalt  }
0x7e: {  	_ =	shalt  }
0x7f: {  	_ =	shalt  }
0x80: {  	_ =	shalt  }
0x81: {  	_ =	shalt  }
0x82: {  	_ =	shalt  }
0x83: {  	_ =	shalt  }
0x84: {  	_ =	shalt  }
0x85: {  	_ =	shalt  }
0x86: {  	_ =	shalt  }
0x87: {  	_ =	shalt  }
.Lfunc_end0:
.L_simem_size_0:
called_computation_lowered:
.L_overlay_start_0:
0x88: {  	s2 =	sld [smem:$0x3FD9]  }
0x89: {  	s3 =	sld [smem:$0x3FFE];
	_ =	sdelay $0x1  }
0x8a: {  	s1 =	srdreg.scid  }
0x8b: {  	s0 =	sand.u32 $0x1, s1  }
0x8c: {  	s17 =	sshll.u32 s0, $0xA;
	s2 =	sadd.s32 s3, s2  }
0x8d: {  	s2 =	sadd.s32 s2, s17  }
0x8e: {  	[smem:$0x3FC6] =	sst s2  }
0x8f: {  	_ = 	snop  }
0x90: {  	(tm) =	ssettm $0x1  }
0x91: {  	s18 =	sld [smem:$0x3FFB];
	_ =	sdelay $0x3  }
0x92: {  	_ =	strace s18  }
0x93: {  	s2 =	sld [smem:$0x3FFC];
	_ =	sdelay $0x3  }
0x94: {  	_ =	strace s2  }
0x95: {  	s2 =	sld [smem:$0x3FFD];
	_ =	sdelay $0x3  }
0x96: {  	_ =	strace s2  }
0x97: {  	_ =	strace $0x8FFFFFFF  }
0x98: {  	s19 =	sld [smem:$0x3FDB];
	_ =	sdelay $0x1  }
0x99: {  	s20 =	simm.s32 $_scs_section_size  }
0x9a: {  	s4 =	simm.s32 $_size__tile_overlayer_lowered;
	s5 =	simm.s32 $_tile_overlayer_lowered  }
0x9b: {  	s6 =	simm.s32 $0x1BFF;
	s21 =	sshll.u32 s5, $0x1;
	s3 =	sadd.s32 s20, s19  }
0x9c: {  	s22 =	simm.s32 $0x0;
	s4 =	sshll.u32 s4, $0x1;
	s5 =	sadd.s32 s21, s3  }
0x9d: {  	[timem:s22], [sflag:s6] =	dma.local [hbm:s5], s4  }
0x9e: {  	_ =	swait.ge [sflag:s6], s4  }
0x9f: {  	s4 =	ssub.s32 $0x0, s4;
	[sflag:s6] =	ssyncset.done $0x0  }
0xa0: {  	[sflag:s6] =	ssyncadd.s32 s4;
	_ =	sdelay $0x1  }
0xa1: {  	s23 =	simm.s32 $0x1B8B  }
0xa2: {  	_ =	swait.ge [sflag:s23], $0x1  }
0xa3: {  	[sflag:s23] =	ssyncset.done $0x0  }
0xa4: {  	[sflag:s23] =	ssyncadd.s32 $0xFFFFFFFF  }
0xa5: {  	s4 =	sld [smem:$0x0]  }
0xa6: {  	s5 =	sand.u32 $0xFFFFFFFE, s1  }
0xa7: {  	p0 =	sne.s32 s1, s5  }
0xa8: {  	s5 =	sshll.u32 @p0 s5, $0xE  }
0xa9: {  	s5 =	sadd.s32 @p0 $0x11B8D, s5;
	s6 =	sshll.u32 @p0 s4, $0x11  }
0xaa: {  	s5 =	sor.u32 @p0 s6, s5  }
0xab: {  	[sflag:s5] =	ssyncadd.remote.s32 @p0 $0x1;
	_ =	sdelay $0x1  }
0xac: {  	s5 =	simm.s32 @p0 $0x1B8D  }
0xad: {  	_ =	swait.eq @p0 [sflag:s5], $0x1  }
0xae: {  	[sflag:s5] =	ssyncadd.s32 @p0 $0xFFFFFFFF  }
0xaf: {  	s6 =	sshll.u32 @!p0 s1, $0xE  }
0xb0: {  	s6 =	sor.u32 @!p0 $0x4000, s6;
	s5 =	simm.s32 @!p0 $0x1B8D  }
0xb1: {  	s4 =	sshll.u32 @!p0 s4, $0x11;
	s6 =	sadd.s32 @!p0 $0x11B8D, s6;
	_ =	swait.eq @!p0 [sflag:s5], $0x1  }
0xb2: {  	s4 =	sor.u32 @!p0 s4, s6;
	[sflag:s5] =	ssyncadd.s32 @!p0 $0xFFFFFFFF  }
0xb3: {  	s25 =	simm.s32 $0x1B8E;
	s24 =	sld [smem:$0x3FFE];
	[sflag:s4] =	ssyncadd.remote.s32 @!p0 $0x1  }
0xb4: {  	s26 =	simm.s32 $execute0_lowered;
	[smem:$0x3FD2] =	sst s25  }
0xb5: {  	s5 =	sshll.u32 s26, $0x1;
	_ =	strace $0x80000049;
	[dreg:$0x1] =	wrdreg $0xFFFFFFFF  }
0xb6: {  	s28 =	simm.s32 $_size_execute0_lowered;
	s3 =	sadd.s32 s3, s5;
	[dreg:$0x0] =	wrdreg $0x0  }
0xb7: {  	s5 =	sshll.u32 s28, $0x1;
	[dreg:$0x2] =	wrdreg s3  }
0xb8: {  	[dreg:$0x3] =	wrdreg s5  }
0xb9: {  	[dreg:$0x4] =	wrdreg $0xC0  }
0xba: {  	_ =	task [dreg:s22], $0x5FFFF  }
0xbb: {  	[dreg:$0x1] =	wrdreg $0xFFFFFFFF  }
0xbc: {  	[dreg:$0x0] =	wrdreg $0x60  }
0xbd: {  	[dreg:$0x2] =	wrdreg s24  }
0xbe: {  	[dreg:$0x3] =	wrdreg $0x9  }
0xbf: {  	_ =	task.clear_ibuf [dreg:s22], $0x4FFFF;
	_ =	strace $0x90000049  }
0xc0: {  	s29 =	simm.s32 $0x9;
	_ =	strace $0x8000004B  }
0xc1: {  	_ =	swait.ge [sflag:s29], $0x1  }
0xc2: {  	[sflag:s29] =	ssyncadd.s32 $0xFFFFFFFF  }
0xc3: {  	_ =	strace $0x9000004B  }
0xc4: {  	_ =	sfence  }
0xc5: {  	s30 =	sld [smem:$0x0];
	_ =	sdelay $0x2  }
0xc6: {  	s31 =	sshll.u32 s1, $0xD;
	s1 =	sshrl.u32 s1, $0x2  }
0xc7: {  	s4 =	sand.u32 $0x4000, s31;
	s1 =	sadd.s32 s1, s30  }
0xc8: {  	s0 =	sor.u32 s4, s0;
	s1 =	sshll.u32 s1, $0x11  }
0xc9: {  	s0 =	sor.u32 s1, s0  }
0xca: {  	s0 =	sadd.s32 $0x8F2B, s0  }
0xcb: {  	[sflag:s0] =	ssyncadd.remote.s32 $0x1  }
0xcc: {  	_ =	sfence.sel $0xFFFF  }
0xcd: {  	[dreg:$0x0] =	wrdreg $0xFFFFFFFF;
	(pc) =	sbr.abs _section_cstart, $3  }
0xce: {  	[dreg:$0x1] =	wrdreg $0xFFFFFFFF  }
0xcf: {  	_ =	task.clear_ibuf [dreg:s22], $0x2FFFF;
	_ =	strace $0x9FFFFFFF  }
0xd0: {  	(tm) =	ssettm $0x7FFFFFFF  }
0xd1: {  	_ =	shalt  }
tec
execute0_lowered:
.L_overlay_start_1:
0x0: {  	(tag) =	ssettag $0x1  }
0x1: {  	s1 =	srdreg.scid  }
0x2: {  	s0 =	stileid.u32;
	s4 =	rddreg [dreg:$0x0]  }
0x3: {  	s2 =	simm.s32 $0x0;
	s11 =	simm.s32 $0x1;
	s12 =	simm.s32 $0x5000  }
0x4: {  	s13 =	simm.s32 $0x2;
	s5 =	sand.u32 $0x1, s1;
	s3 =	sshll.u32 s0, $0x1  }
0x5: {  	s14 =	simm.s32 $0x3;
	s1 =	rddreg [dreg:$0x1];
	s3 =	sor.u32 s5, s3  }
0x6: {  	s15 =	simm.s32 $0x0;
	[smem:$0x7FF] =	sst s2;
	s7 =	smul.u32 $0xD, s3  }
0x7: {  	s5 =	ssub.s32 $0x2, s5;
	s6 =	sshll.u32 s3, $0xB;
	s3 =	sadd.s32 $0x8BA00, s4  }
0x8: {  	s9 =	sadd.s32 s6, s4;
	s4 =	smin.u32 s7, $0x187;
	s29 =	smin.u32 s7, $0x17A  }
.Ltmp0:
0x9: {  	s30 =	sshrl.u32 s5, $0x1;
	s8 =	ssub.s32 s29, s4;
	(pc) =	sbr.rel .LBB2_1-.Ltmp0, $4  }
0xa: {  	_ =	strace $0x8000004A;
	s10 =	ssub.s32 s5, s30;
	s5 =	sadd.s32 $0xD, s8  }
0xb: {  	s9 =	sadd.s32 $0x105E00, s9;
	s31 =	sshll.u32 s4, $0x7;
	p0 =	slt.s32 s5, $0x1  }
0xc: {  	s10 =	smax.u32 s10, $0x1;
	s6 =	sadd.s32 s3, s31;
	p1 =	seq.s32 @!p0 s5, $0x1  }
0xd: {  	v0 =	vimm.f32 $0.0e+00;
	v1 =	vimm.f32 $1.000000000e+00;
	s8 =	sadd.s32 $0xC, s8;
	s7 =	sadd.s32 $0x80, s6;
	p1 =	por p1, p0  }
.LBB2_13:
0xe: {  	s15 =	sadd.s32 $0x1, s15  }
0xf: {  	p2 =	sne.s32 s15, s10  }
.Ltmp1:
0x10: {  	_ = 	snop;
	(pc) =	sbr.rel @!p2 .LBB2_14-.Ltmp1, $4  }
0x11: {  	[hbm4b:s9+s2] =	stream.linear.scatter [tilespmem:s12], [sflag:$0x3], $0x4000, $0x38;
	[tilespmem:$0x9000] =	vst v63  }
0x12: {  	_ =	swait.ge [sflag:s14], $0x4000  }
0x13: {  	[sflag:s14] =	ssyncset.done $0x0  }
0x14: {  	[sflag:s14] =	ssyncadd.s32 $0xFFFFC000  }
.LBB2_1:
0x15: {  	s16 =	simm.s32 $0x5200  }
0x16: {  	[tilespmem:s16+$0xFFFFFE00] =	vst v0  }
0x17: {  	[tilespmem:s16+$0x1F0] =	vst v0  }
0x18: {  	[tilespmem:s16+$0x1E0] =	vst v0  }
0x19: {  	[tilespmem:s16+$0x1D0] =	vst v0  }
0x1a: {  	[tilespmem:s16+$0x1C0] =	vst v0  }
0x1b: {  	[tilespmem:s16+$0x1B0] =	vst v0  }
0x1c: {  	[tilespmem:s16+$0x1A0] =	vst v0  }
0x1d: {  	[tilespmem:s16+$0x190] =	vst v0  }
0x1e: {  	[tilespmem:s16+$0x180] =	vst v0  }
0x1f: {  	[tilespmem:s16+$0x170] =	vst v0  }
0x20: {  	[tilespmem:s16+$0x160] =	vst v0  }
0x21: {  	[tilespmem:s16+$0x150] =	vst v0  }
0x22: {  	[tilespmem:s16+$0x140] =	vst v0  }
0x23: {  	[tilespmem:s16+$0x130] =	vst v0  }
0x24: {  	[tilespmem:s16+$0x120] =	vst v0  }
0x25: {  	[tilespmem:s16+$0x110] =	vst v0  }
0x26: {  	[tilespmem:s16+$0x100] =	vst v0  }
0x27: {  	[tilespmem:s16+$0xF0] =	vst v0  }
0x28: {  	[tilespmem:s16+$0xE0] =	vst v0  }
0x29: {  	[tilespmem:s16+$0xD0] =	vst v0  }
0x2a: {  	[tilespmem:s16+$0xC0] =	vst v0  }
0x2b: {  	[tilespmem:s16+$0xB0] =	vst v0  }
0x2c: {  	[tilespmem:s16+$0xA0] =	vst v0  }
0x2d: {  	[tilespmem:s16+$0x90] =	vst v0  }
0x2e: {  	[tilespmem:s16+$0x80] =	vst v0  }
0x2f: {  	[tilespmem:s16+$0x70] =	vst v0  }
0x30: {  	[tilespmem:s16+$0x60] =	vst v0  }
0x31: {  	[tilespmem:s16+$0x50] =	vst v0  }
0x32: {  	[tilespmem:s16+$0x40] =	vst v0  }
0x33: {  	[tilespmem:s16+$0x30] =	vst v0  }
0x34: {  	[tilespmem:s16+$0x20] =	vst v0  }
0x35: {  	[tilespmem:s16+$0x10] =	vst v0  }
0x36: {  	[tilespmem:s16+$0x0] =	vst v0  }
0x37: {  	[tilespmem:s16+$0xFFFFFFF0] =	vst v0  }
0x38: {  	[tilespmem:s16+$0xFFFFFFE0] =	vst v0  }
0x39: {  	[tilespmem:s16+$0xFFFFFFD0] =	vst v0  }
0x3a: {  	[tilespmem:s16+$0xFFFFFFC0] =	vst v0  }
0x3b: {  	[tilespmem:s16+$0xFFFFFFB0] =	vst v0  }
0x3c: {  	[tilespmem:s16+$0xFFFFFFA0] =	vst v0  }
0x3d: {  	[tilespmem:s16+$0xFFFFFF90] =	vst v0  }
0x3e: {  	[tilespmem:s16+$0xFFFFFF80] =	vst v0  }
0x3f: {  	[tilespmem:s16+$0xFFFFFF70] =	vst v0  }
0x40: {  	[tilespmem:s16+$0xFFFFFF60] =	vst v0  }
0x41: {  	[tilespmem:s16+$0xFFFFFF50] =	vst v0  }
0x42: {  	[tilespmem:s16+$0xFFFFFF40] =	vst v0  }
0x43: {  	[tilespmem:s16+$0xFFFFFF30] =	vst v0  }
0x44: {  	[tilespmem:s16+$0xFFFFFF20] =	vst v0  }
0x45: {  	[tilespmem:s16+$0xFFFFFF10] =	vst v0  }
0x46: {  	[tilespmem:s16+$0xFFFFFF00] =	vst v0  }
0x47: {  	[tilespmem:s16+$0xFFFFFEF0] =	vst v0  }
0x48: {  	[tilespmem:s16+$0xFFFFFEE0] =	vst v0  }
0x49: {  	[tilespmem:s16+$0xFFFFFED0] =	vst v0  }
0x4a: {  	[tilespmem:s16+$0xFFFFFEC0] =	vst v0  }
0x4b: {  	[tilespmem:s16+$0xFFFFFEB0] =	vst v0  }
0x4c: {  	[tilespmem:s16+$0xFFFFFEA0] =	vst v0  }
0x4d: {  	[tilespmem:s16+$0xFFFFFE90] =	vst v0  }
0x4e: {  	[tilespmem:s16+$0xFFFFFE80] =	vst v0  }
0x4f: {  	[tilespmem:s16+$0xFFFFFE70] =	vst v0  }
0x50: {  	[tilespmem:s16+$0xFFFFFE60] =	vst v0  }
0x51: {  	[tilespmem:s16+$0xFFFFFE50] =	vst v0  }
0x52: {  	[tilespmem:s16+$0xFFFFFE40] =	vst v0  }
0x53: {  	[tilespmem:s16+$0xFFFFFE30] =	vst v0  }
0x54: {  	s17 =	simm.s32 $0x0;
	[tilespmem:s16+$0xFFFFFE20] =	vst v0  }
.LBB2_2:
0x55: {  	s17 =	sadd.s32 $0x8, s17;
	[tilespmem:s16+$0xFFFFFE10] =	vst v0;
	s16 =	sadd.s32 $0x400, s16  }
0x56: {  	[tilespmem:s16+$0xFFFFFE00] =	vst v0;
	p2 =	slt.u32 s17, $0x78  }
0x57: {  	[tilespmem:s16+$0x1F0] =	vst v0  }
0x58: {  	[tilespmem:s16+$0x1E0] =	vst v0  }
0x59: {  	[tilespmem:s16+$0x1D0] =	vst v0  }
0x5a: {  	[tilespmem:s16+$0x1C0] =	vst v0  }
0x5b: {  	[tilespmem:s16+$0x1B0] =	vst v0  }
0x5c: {  	[tilespmem:s16+$0x1A0] =	vst v0  }
0x5d: {  	[tilespmem:s16+$0x190] =	vst v0  }
0x5e: {  	[tilespmem:s16+$0x180] =	vst v0  }
0x5f: {  	[tilespmem:s16+$0x170] =	vst v0  }
0x60: {  	[tilespmem:s16+$0x160] =	vst v0  }
0x61: {  	[tilespmem:s16+$0x150] =	vst v0  }
0x62: {  	[tilespmem:s16+$0x140] =	vst v0  }
0x63: {  	[tilespmem:s16+$0x130] =	vst v0  }
0x64: {  	[tilespmem:s16+$0x120] =	vst v0  }
0x65: {  	[tilespmem:s16+$0x110] =	vst v0  }
0x66: {  	[tilespmem:s16+$0x100] =	vst v0  }
0x67: {  	[tilespmem:s16+$0xF0] =	vst v0  }
0x68: {  	[tilespmem:s16+$0xE0] =	vst v0  }
0x69: {  	[tilespmem:s16+$0xD0] =	vst v0  }
0x6a: {  	[tilespmem:s16+$0xC0] =	vst v0  }
0x6b: {  	[tilespmem:s16+$0xB0] =	vst v0  }
0x6c: {  	[tilespmem:s16+$0xA0] =	vst v0  }
0x6d: {  	[tilespmem:s16+$0x90] =	vst v0  }
0x6e: {  	[tilespmem:s16+$0x80] =	vst v0  }
0x6f: {  	[tilespmem:s16+$0x70] =	vst v0  }
0x70: {  	[tilespmem:s16+$0x60] =	vst v0  }
0x71: {  	[tilespmem:s16+$0x50] =	vst v0  }
0x72: {  	[tilespmem:s16+$0x40] =	vst v0  }
0x73: {  	[tilespmem:s16+$0x30] =	vst v0  }
0x74: {  	[tilespmem:s16+$0x20] =	vst v0  }
0x75: {  	[tilespmem:s16+$0x10] =	vst v0  }
0x76: {  	[tilespmem:s16+$0x0] =	vst v0  }
0x77: {  	[tilespmem:s16+$0xFFFFFFF0] =	vst v0  }
0x78: {  	[tilespmem:s16+$0xFFFFFFE0] =	vst v0  }
0x79: {  	[tilespmem:s16+$0xFFFFFFD0] =	vst v0  }
0x7a: {  	[tilespmem:s16+$0xFFFFFFC0] =	vst v0  }
0x7b: {  	[tilespmem:s16+$0xFFFFFFB0] =	vst v0  }
0x7c: {  	[tilespmem:s16+$0xFFFFFFA0] =	vst v0  }
0x7d: {  	[tilespmem:s16+$0xFFFFFF90] =	vst v0  }
0x7e: {  	[tilespmem:s16+$0xFFFFFF80] =	vst v0  }
0x7f: {  	[tilespmem:s16+$0xFFFFFF70] =	vst v0  }
0x80: {  	[tilespmem:s16+$0xFFFFFF60] =	vst v0  }
0x81: {  	[tilespmem:s16+$0xFFFFFF50] =	vst v0  }
0x82: {  	[tilespmem:s16+$0xFFFFFF40] =	vst v0  }
0x83: {  	[tilespmem:s16+$0xFFFFFF30] =	vst v0  }
0x84: {  	[tilespmem:s16+$0xFFFFFF20] =	vst v0  }
0x85: {  	[tilespmem:s16+$0xFFFFFF10] =	vst v0  }
0x86: {  	[tilespmem:s16+$0xFFFFFF00] =	vst v0  }
0x87: {  	[tilespmem:s16+$0xFFFFFEF0] =	vst v0  }
0x88: {  	[tilespmem:s16+$0xFFFFFEE0] =	vst v0  }
0x89: {  	[tilespmem:s16+$0xFFFFFED0] =	vst v0  }
0x8a: {  	[tilespmem:s16+$0xFFFFFEC0] =	vst v0  }
0x8b: {  	[tilespmem:s16+$0xFFFFFEB0] =	vst v0  }
0x8c: {  	[tilespmem:s16+$0xFFFFFEA0] =	vst v0  }
0x8d: {  	[tilespmem:s16+$0xFFFFFE90] =	vst v0  }
0x8e: {  	[tilespmem:s16+$0xFFFFFE80] =	vst v0  }
0x8f: {  	[tilespmem:s16+$0xFFFFFE70] =	vst v0  }
.Ltmp2:
0x90: {  	[tilespmem:s16+$0xFFFFFE60] =	vst v0;
	(pc) =	sbr.rel @p2 .LBB2_2-.Ltmp2, $4  }
0x91: {  	[tilespmem:s16+$0xFFFFFE50] =	vst v0  }
0x92: {  	[tilespmem:s16+$0xFFFFFE40] =	vst v0  }
0x93: {  	[tilespmem:s16+$0xFFFFFE30] =	vst v0  }
0x94: {  	[tilespmem:s16+$0xFFFFFE20] =	vst v0  }
0x95: {  	[tilespmem:s16+$0xFFFFFE10] =	vst v0;
	s16 =	simm.s32 @!p0 $0x400  }
.Ltmp3:
0x96: {  	s17 =	simm.s32 @!p0 $0x61C00;
	s18 =	simm.s32 @!p0 $0x0;
	(pc) =	sbr.rel .LBB2_4-.Ltmp3, $4  }
0x97: {  	[tilespmem:s18], [sflag:$0x1] =	stream.strided.gather @!p0 [hbm4b:s6+s16], $0x2800, s17, s16, $0x38;
	[tilespmem:$0x9000] =	vst v63  }
0x98: {  	s16 =	simm.s32 @!p1 $0x400;
	s17 =	simm.s32 @!p1 $0x61C00;
	s18 =	simm.s32 @!p1 $0x2800  }
0x99: {  	[tilespmem:s18], [sflag:$0x2] =	stream.strided.gather @!p1 [hbm4b:s7+s16], $0x2800, s17, s16, $0x38;
	[tilespmem:$0x9000] =	vst v63  }
0x9a: {  	s16 =	simm.s32 $0x0  }
.LBB2_12:
0x9b: {  	s16 =	sadd.s32 $0x1, s16  }
0x9c: {  	p2 =	sne.s32 s16, $0x7  }
.Ltmp4:
0x9d: {  	_ = 	snop;
	(pc) =	sbr.rel @!p2 .LBB2_13-.Ltmp4, $1  }
0x9e: {  	_ =	sdelay $0x3  }
.LBB2_4:
0x9f: {  	s17 =	sshll.u32 s16, $0x1  }
0xa0: {  	p2 =	sge.s32 s17, s5  }
.Ltmp5:
0xa1: {  	_ = 	snop;
	(pc) =	sbr.rel @p2 .LBB2_8-.Ltmp5, $1  }
0xa2: {  	_ =	sdelay $0x3  }
0xa3: {  	_ =	swait.ge [sflag:s11], $0x2800  }
0xa4: {  	[sflag:s11] =	ssyncset.done $0x0  }
0xa5: {  	s18 =	simm.s32 $0x100;
	[sflag:s11] =	ssyncadd.s32 $0xFFFFD800  }
0xa6: {  	v2 =	vld [tilespmem:s18+$0x80];
	_ =	sdelay $0x4  }
0xa7: {  	v2 =	vshrl.u32 v2, $0x11;
	_ =	sdelay $0x3  }
0xa8: {  	v3 =	vld [tilespmem:s18+$0xFFFFFF00]  }
0xa9: {  	[tilespmem:v2+s12+$0x0] =	vst.idx.add.f32.msk $0xffff, v1  }
0xaa: {  	v2 =	vld [tilespmem:s18+$0x90];
	_ =	sdelay $0x2  }
0xab: {  	v4 =	vld [tilespmem:s18+$0xFFFFFF80];
	v3 =	vshrl.u32 v3, $0x11;
	_ =	sdelay $0x1  }
0xac: {  	v5 =	vld [tilespmem:s18+$0x0];
	v2 =	vshrl.u32 v2, $0x11;
	_ =	sdelay $0x2  }
0xad: {  	v4 =	vshrl.u32 v4, $0x11;
	[tilespmem:v3+s12+$0x0] =	vst.idx.add.f32.msk $0xffff, v1  }
0xae: {  	v3 =	vld [tilespmem:s18+$0xFFFFFF10]  }
0xaf: {  	[tilespmem:v2+s12+$0x0] =	vst.idx.add.f32.msk $0xffff, v1;
	v2 =	vshrl.u32 v5, $0x11  }
0xb0: {  	v5 =	vld [tilespmem:s18+$0xA0];
	_ =	sdelay $0x1  }
0xb1: {  	[tilespmem:v4+s12+$0x0] =	vst.idx.add.f32.msk $0xffff, v1  }
0xb2: {  	v4 =	vld [tilespmem:s18+$0xFFFFFF90];
	v3 =	vshrl.u32 v3, $0x11  }
0xb3: {  	[tilespmem:v2+s12+$0x0] =	vst.idx.add.f32.msk $0xffff, v1  }
0xb4: {  	v2 =	vshrl.u32 v5, $0x11;
	v5 =	vld [tilespmem:s18+$0x10];
	_ =	sdelay $0x2  }
0xb5: {  	v4 =	vshrl.u32 v4, $0x11;
	[tilespmem:v3+s12+$0x0] =	vst.idx.add.f32.msk $0xffff, v1  }
0xb6: {  	v3 =	vld [tilespmem:s18+$0xFFFFFF20]  }
0xb7: {  	[tilespmem:v2+s12+$0x0] =	vst.idx.add.f32.msk $0xffff, v1;
	v2 =	vshrl.u32 v5, $0x11  }
0xb8: {  	v5 =	vld [tilespmem:s18+$0xB0];
	_ =	sdelay $0x1  }
0xb9: {  	[tilespmem:v4+s12+$0x0] =	vst.idx.add.f32.msk $0xffff, v1  }
0xba: {  	v4 =	vld [tilespmem:s18+$0xFFFFFFA0];
	v3 =	vshrl.u32 v3, $0x11  }
0xbb: {  	[tilespmem:v2+s12+$0x0] =	vst.idx.add.f32.msk $0xffff, v1  }
0xbc: {  	v2 =	vshrl.u32 v5, $0x11;
	v5 =	vld [tilespmem:s18+$0x20];
	_ =	sdelay $0x2  }
0xbd: {  	v4 =	vshrl.u32 v4, $0x11;
	[tilespmem:v3+s12+$0x0] =	vst.idx.add.f32.msk $0xffff, v1  }
0xbe: {  	v3 =	vld [tilespmem:s18+$0xFFFFFF30]  }
0xbf: {  	[tilespmem:v2+s12+$0x0] =	vst.idx.add.f32.msk $0xffff, v1;
	v2 =	vshrl.u32 v5, $0x11  }
0xc0: {  	v5 =	vld [tilespmem:s18+$0xC0];
	_ =	sdelay $0x1  }
0xc1: {  	[tilespmem:v4+s12+$0x0] =	vst.idx.add.f32.msk $0xffff, v1  }
0xc2: {  	v4 =	vld [tilespmem:s18+$0xFFFFFFB0];
	v3 =	vshrl.u32 v3, $0x11  }
0xc3: {  	[tilespmem:v2+s12+$0x0] =	vst.idx.add.f32.msk $0xffff, v1  }
0xc4: {  	v2 =	vshrl.u32 v5, $0x11;
	v5 =	vld [tilespmem:s18+$0x30];
	_ =	sdelay $0x2  }
0xc5: {  	v4 =	vshrl.u32 v4, $0x11;
	[tilespmem:v3+s12+$0x0] =	vst.idx.add.f32.msk $0xffff, v1  }
0xc6: {  	v3 =	vld [tilespmem:s18+$0xFFFFFF40]  }
0xc7: {  	[tilespmem:v2+s12+$0x0] =	vst.idx.add.f32.msk $0xffff, v1;
	v2 =	vshrl.u32 v5, $0x11;
	_ =	sdelay $0x1  }
0xc8: {  	v5 =	vld [tilespmem:s18+$0xD0]  }
0xc9: {  	[tilespmem:v4+s12+$0x0] =	vst.idx.add.f32.msk $0xffff, v1  }
0xca: {  	v6 =	vld [tilespmem:s18+$0xFFFFFFC0]  }
0xcb: {  	v3 =	vshrl.u32 v3, $0x11;
	[tilespmem:v2+s12+$0x0] =	vst.idx.add.f32.msk $0xffff, v1  }
0xcc: {  	v4 =	vld [tilespmem:s18+$0x40]  }
0xcd: {  	v2 =	vshrl.u32 v5, $0x11;
	_ =	sdelay $0x2  }
0xce: {  	s19 =	simm.s32 $0x0;
	s20 =	simm.s32 $0x300;
	[tilespmem:v3+s12+$0x0] =	vst.idx.add.f32.msk $0xffff, v1;
	v3 =	vshrl.u32 v6, $0x11  }
.LBB2_6:
0xcf: {  	v5 =	vld [tilespmem:s20+$0x80];
	s19 =	sadd.s32 $0x4, s19;
	v4 =	vshrl.u32 v4, $0x11  }
0xd0: {  	p2 =	slt.u32 s19, $0x4C;
	[tilespmem:v2+s12+$0x0] =	vst.idx.add.f32.msk $0xffff, v1  }
0xd1: {  	v2 =	vld [tilespmem:s18+$0xE0]  }
0xd2: {  	v6 =	vld [tilespmem:s20+$0xFFFFFF80]  }
0xd3: {  	v7 =	vld [tilespmem:s20+$0x0]  }
0xd4: {  	v8 =	vld [tilespmem:s20+$0xFFFFFF00];
	v5 =	vshrl.u32 v5, $0x11  }
0xd5: {  	[tilespmem:v3+s12+$0x0] =	vst.idx.add.f32.msk $0xffff, v1  }
0xd6: {  	[tilespmem:v4+s12+$0x0] =	vst.idx.add.f32.msk $0xffff, v1;
	v2 =	vshrl.u32 v2, $0x11  }
0xd7: {  	v3 =	vshrl.u32 v6, $0x11;
	v4 =	vld [tilespmem:s18+$0xFFFFFF50]  }
0xd8: {  	v6 =	vshrl.u32 v7, $0x11;
	v7 =	vld [tilespmem:s18+$0xFFFFFFD0]  }
0xd9: {  	v8 =	vshrl.u32 v8, $0x11;
	[tilespmem:v5+s12+$0x0] =	vst.idx.add.f32.msk $0xffff, v1  }
0xda: {  	v5 =	vld [tilespmem:s20+$0x90]  }
0xdb: {  	[tilespmem:v2+s12+$0x0] =	vst.idx.add.f32.msk $0xffff, v1  }
0xdc: {  	v2 =	vshrl.u32 v4, $0x11;
	v4 =	vld [tilespmem:s18+$0xF0]  }
0xdd: {  	[tilespmem:v3+s12+$0x0] =	vst.idx.add.f32.msk $0xffff, v1;
	v3 =	vshrl.u32 v7, $0x11  }
0xde: {  	[tilespmem:v8+s12+$0x0] =	vst.idx.add.f32.msk $0xffff, v1  }
0xdf: {  	[tilespmem:v6+s12+$0x0] =	vst.idx.add.f32.msk $0xffff, v1;
	v5 =	vshrl.u32 v5, $0x11  }
0xe0: {  	v6 =	vld [tilespmem:s20+$0xFFFFFF10]  }
0xe1: {  	v7 =	vld [tilespmem:s20+$0xFFFFFF90];
	v4 =	vshrl.u32 v4, $0x11  }
0xe2: {  	v8 =	vld [tilespmem:s20+$0x10]  }
0xe3: {  	v9 =	vld [tilespmem:s18+$0x50]  }
0xe4: {  	[tilespmem:v5+s12+$0x0] =	vst.idx.add.f32.msk $0xffff, v1  }
0xe5: {  	v5 =	vshrl.u32 v6, $0x11;
	v6 =	vld [tilespmem:s20+$0xA0]  }
0xe6: {  	v7 =	vshrl.u32 v7, $0x11;
	[tilespmem:v4+s12+$0x0] =	vst.idx.add.f32.msk $0xffff, v1  }
0xe7: {  	v4 =	vshrl.u32 v8, $0x11;
	[tilespmem:v2+s12+$0x0] =	vst.idx.add.f32.msk $0xffff, v1  }
0xe8: {  	[tilespmem:v3+s12+$0x0] =	vst.idx.add.f32.msk $0xffff, v1;
	v2 =	vshrl.u32 v9, $0x11  }
0xe9: {  	v3 =	vld [tilespmem:s18+$0xFFFFFF60]  }
0xea: {  	[tilespmem:v5+s12+$0x0] =	vst.idx.add.f32.msk $0xffff, v1;
	v5 =	vshrl.u32 v6, $0x11  }
0xeb: {  	[tilespmem:v7+s12+$0x0] =	vst.idx.add.f32.msk $0xffff, v1  }
0xec: {  	[tilespmem:v4+s12+$0x0] =	vst.idx.add.f32.msk $0xffff, v1  }
0xed: {  	v4 =	vld [tilespmem:s20+$0xFFFFFF20]  }
0xee: {  	v6 =	vld [tilespmem:s20+$0xFFFFFFA0];
	v3 =	vshrl.u32 v3, $0x11  }
0xef: {  	[tilespmem:v5+s12+$0x0] =	vst.idx.add.f32.msk $0xffff, v1  }
0xf0: {  	v5 =	vld [tilespmem:s20+$0xB0]  }
0xf1: {  	v7 =	vld [tilespmem:s20+$0x20]  }
0xf2: {  	v4 =	vshrl.u32 v4, $0x11;
	[tilespmem:v2+s12+$0x0] =	vst.idx.add.f32.msk $0xffff, v1  }
0xf3: {  	v2 =	vshrl.u32 v6, $0x11;
	v6 =	vld [tilespmem:s18+$0xFFFFFFE0]  }
0xf4: {  	v8 =	vld [tilespmem:s18+$0x60]  }
0xf5: {  	v5 =	vshrl.u32 v5, $0x11;
	[tilespmem:v3+s12+$0x0] =	vst.idx.add.f32.msk $0xffff, v1  }
0xf6: {  	v3 =	vshrl.u32 v7, $0x11;
	v7 =	vld [tilespmem:s18+$0xFFFFFF70]  }
0xf7: {  	[tilespmem:v4+s12+$0x0] =	vst.idx.add.f32.msk $0xffff, v1  }
0xf8: {  	[tilespmem:v2+s12+$0x0] =	vst.idx.add.f32.msk $0xffff, v1;
	v2 =	vshrl.u32 v6, $0x11  }
0xf9: {  	v4 =	vld [tilespmem:s20+$0xFFFFFF30];
	v6 =	vshrl.u32 v8, $0x11  }
0xfa: {  	[tilespmem:v5+s12+$0x0] =	vst.idx.add.f32.msk $0xffff, v1  }
0xfb: {  	v5 =	vld [tilespmem:s20+$0xC0];
	v7 =	vshrl.u32 v7, $0x11  }
0xfc: {  	[tilespmem:v3+s12+$0x0] =	vst.idx.add.f32.msk $0xffff, v1  }
0xfd: {  	v3 =	vld [tilespmem:s20+$0xFFFFFFB0]  }
0xfe: {  	v4 =	vshrl.u32 v4, $0x11;
	v8 =	vld [tilespmem:s20+$0x30]  }
0xff: {  	[tilespmem:v2+s12+$0x0] =	vst.idx.add.f32.msk $0xffff, v1  }
0x100: {  	v2 =	vshrl.u32 v5, $0x11;
	[tilespmem:v6+s12+$0x0] =	vst.idx.add.f32.msk $0xffff, v1  }
0x101: {  	v5 =	vld [tilespmem:s18+$0xFFFFFFF0]  }
0x102: {  	v3 =	vshrl.u32 v3, $0x11;
	v6 =	vld [tilespmem:s18+$0x70];
	s18 =	smov.u32 s20  }
0x103: {  	[tilespmem:v4+s12+$0x0] =	vst.idx.add.f32.msk $0xffff, v1;
	v4 =	vshrl.u32 v8, $0x11  }
0x104: {  	v8 =	vld [tilespmem:s20+$0xFFFFFF40]  }
0x105: {  	[tilespmem:v2+s12+$0x0] =	vst.idx.add.f32.msk $0xffff, v1  }
0x106: {  	v2 =	vld [tilespmem:s20+$0xD0];
	v5 =	vshrl.u32 v5, $0x11  }
0x107: {  	[tilespmem:v3+s12+$0x0] =	vst.idx.add.f32.msk $0xffff, v1;
	v3 =	vshrl.u32 v6, $0x11  }
0x108: {  	[tilespmem:v4+s12+$0x0] =	vst.idx.add.f32.msk $0xffff, v1  }
0x109: {  	v6 =	vshrl.u32 v8, $0x11;
	v8 =	vld [tilespmem:s20+$0xFFFFFFC0]  }
.Ltmp6:
0x10a: {  	v4 =	vld [tilespmem:s20+$0x40];
	(pc) =	sbr.rel @p2 .LBB2_6-.Ltmp6, $4  }
0x10b: {  	v2 =	vshrl.u32 v2, $0x11;
	[tilespmem:v7+s12+$0x0] =	vst.idx.add.f32.msk $0xffff, v1  }
0x10c: {  	[tilespmem:v5+s12+$0x0] =	vst.idx.add.f32.msk $0xffff, v1  }
0x10d: {  	[tilespmem:v3+s12+$0x0] =	vst.idx.add.f32.msk $0xffff, v1  }
0x10e: {  	s20 =	sadd.s32 $0x200, s20;
	[tilespmem:v6+s12+$0x0] =	vst.idx.add.f32.msk $0xffff, v1;
	v3 =	vshrl.u32 v8, $0x11  }
0x10f: {  	_ =	sdelay $0x1  }
0x110: {  	v4 =	vshrl.u32 v4, $0x11;
	_ =	sdelay $0x1  }
0x111: {  	[tilespmem:v3+s12+$0x0] =	vst.idx.add.f32.msk $0xffff, v1  }
0x112: {  	v3 =	vld [tilespmem:s18+$0xFFFFFF50]  }
0x113: {  	v5 =	vld [tilespmem:s18+$0xFFFFFFD0]  }
0x114: {  	[tilespmem:v4+s12+$0x0] =	vst.idx.add.f32.msk $0xffff, v1  }
0x115: {  	v4 =	vld [tilespmem:s18+$0x50];
	_ =	sdelay $0x1  }
0x116: {  	v3 =	vshrl.u32 v3, $0x11  }
0x117: {  	v5 =	vshrl.u32 v5, $0x11;
	_ =	sdelay $0x1  }
0x118: {  	[tilespmem:v2+s12+$0x0] =	vst.idx.add.f32.msk $0xffff, v1;
	v2 =	vshrl.u32 v4, $0x11  }
0x119: {  	v60 =	vld [tilespmem:s18+$0xE0]  }
0x11a: {  	[tilespmem:v3+s12+$0x0] =	vst.idx.add.f32.msk $0xffff, v1  }
0x11b: {  	[tilespmem:v5+s12+$0x0] =	vst.idx.add.f32.msk $0xffff, v1  }
0x11c: {  	v3 =	vld [tilespmem:s18+$0xFFFFFF60]  }
0x11d: {  	[tilespmem:v2+s12+$0x0] =	vst.idx.add.f32.msk $0xffff, v1  }
0x11e: {  	v2 =	vld [tilespmem:s18+$0xFFFFFFE0]  }
0x11f: {  	v4 =	vshrl.u32 v60, $0x11;
	v61 =	vld [tilespmem:s18+$0x60];
	_ =	sdelay $0x1  }
0x120: {  	v3 =	vshrl.u32 v3, $0x11;
	_ =	sdelay $0x1  }
0x121: {  	v2 =	vshrl.u32 v2, $0x11  }
0x122: {  	[tilespmem:v4+s12+$0x0] =	vst.idx.add.f32.msk $0xffff, v1;
	v62 =	vshrl.u32 v61, $0x11  }
0x123: {  	v63 =	vld [tilespmem:s18+$0xF0]  }
0x124: {  	[tilespmem:v3+s12+$0x0] =	vst.idx.add.f32.msk $0xffff, v1  }
0x125: {  	v3 =	vld [tilespmem:s18+$0xFFFFFF70]  }
0x126: {  	[tilespmem:v2+s12+$0x0] =	vst.idx.add.f32.msk $0xffff, v1  }
0x127: {  	[tilespmem:v62+s12+$0x0] =	vst.idx.add.f32.msk $0xffff, v1  }
0x128: {  	v2 =	vld [tilespmem:s18+$0xFFFFFFF0]  }
0x129: {  	v4 =	vld [tilespmem:s18+$0x70];
	_ =	sdelay $0x1  }
0x12a: {  	v5 =	vshrl.u32 v63, $0x11  }
0x12b: {  	v3 =	vshrl.u32 v3, $0x11  }
0x12c: {  	v2 =	vshrl.u32 v2, $0x11  }
0x12d: {  	v4 =	vshrl.u32 v4, $0x11  }
0x12e: {  	s18 =	sadd.s32 $0x2, s17  }
0x12f: {  	[tilespmem:v5+s12+$0x0] =	vst.idx.add.f32.msk $0xffff, v1;
	p2 =	sge.s32 s18, s5  }
0x130: {  	s18 =	sadd.s32 @!p2 s4, s18;
	[tilespmem:v3+s12+$0x0] =	vst.idx.add.f32.msk $0xffff, v1  }
0x131: {  	s19 =	simm.s32 @!p2 $0x400;
	s18 =	sshll.u32 @!p2 s18, $0x7;
	[tilespmem:v2+s12+$0x0] =	vst.idx.add.f32.msk $0xffff, v1  }
0x132: {  	s20 =	simm.s32 @!p2 $0x61C00;
	s21 =	simm.s32 @!p2 $0x0;
	s18 =	sadd.s32 @!p2 s3, s18;
	[tilespmem:v4+s12+$0x0] =	vst.idx.add.f32.msk $0xffff, v1  }
0x133: {  	[tilespmem:s21], [sflag:$0x1] =	stream.strided.gather @!p2 [hbm4b:s18+s19], $0x2800, s20, s19, $0x38;
	[tilespmem:$0x9000] =	vst v63  }
.LBB2_8:
0x134: {  	p2 =	sge.s32 s17, s8  }
.Ltmp7:
0x135: {  	_ = 	snop;
	(pc) =	sbr.rel @p2 .LBB2_12-.Ltmp7, $1  }
0x136: {  	_ =	sdelay $0x3  }
0x137: {  	_ =	swait.ge [sflag:s13], $0x2800  }
0x138: {  	[sflag:s13] =	ssyncset.done $0x0  }
0x139: {  	s18 =	simm.s32 $0x29F0;
	[sflag:s13] =	ssyncadd.s32 $0xFFFFD800  }
0x13a: {  	v2 =	vld [tilespmem:s18+$0xFFFFFF90];
	_ =	sdelay $0x4  }
0x13b: {  	v2 =	vshrl.u32 v2, $0x11;
	_ =	sdelay $0x3  }
0x13c: {  	v3 =	vld [tilespmem:s18+$0xFFFFFE10]  }
0x13d: {  	[tilespmem:v2+s12+$0x0] =	vst.idx.add.f32.msk $0xffff, v1  }
0x13e: {  	v2 =	vld [tilespmem:s18+$0xFFFFFFA0];
	_ =	sdelay $0x2  }
0x13f: {  	v4 =	vld [tilespmem:s18+$0xFFFFFE90];
	v3 =	vshrl.u32 v3, $0x11;
	_ =	sdelay $0x1  }
0x140: {  	v5 =	vld [tilespmem:s18+$0xFFFFFF10];
	v2 =	vshrl.u32 v2, $0x11;
	_ =	sdelay $0x2  }
0x141: {  	v4 =	vshrl.u32 v4, $0x11;
	[tilespmem:v3+s12+$0x0] =	vst.idx.add.f32.msk $0xffff, v1  }
0x142: {  	v3 =	vld [tilespmem:s18+$0xFFFFFE20]  }
0x143: {  	[tilespmem:v2+s12+$0x0] =	vst.idx.add.f32.msk $0xffff, v1;
	v2 =	vshrl.u32 v5, $0x11  }
0x144: {  	v5 =	vld [tilespmem:s18+$0xFFFFFFB0];
	_ =	sdelay $0x1  }
0x145: {  	[tilespmem:v4+s12+$0x0] =	vst.idx.add.f32.msk $0xffff, v1  }
0x146: {  	v4 =	vld [tilespmem:s18+$0xFFFFFEA0];
	v3 =	vshrl.u32 v3, $0x11  }
0x147: {  	[tilespmem:v2+s12+$0x0] =	vst.idx.add.f32.msk $0xffff, v1  }
0x148: {  	v2 =	vshrl.u32 v5, $0x11;
	v5 =	vld [tilespmem:s18+$0xFFFFFF20];
	_ =	sdelay $0x2  }
0x149: {  	v4 =	vshrl.u32 v4, $0x11;
	[tilespmem:v3+s12+$0x0] =	vst.idx.add.f32.msk $0xffff, v1  }
0x14a: {  	v3 =	vld [tilespmem:s18+$0xFFFFFE30]  }
0x14b: {  	[tilespmem:v2+s12+$0x0] =	vst.idx.add.f32.msk $0xffff, v1;
	v2 =	vshrl.u32 v5, $0x11  }
0x14c: {  	v5 =	vld [tilespmem:s18+$0xFFFFFFC0];
	_ =	sdelay $0x1  }
0x14d: {  	[tilespmem:v4+s12+$0x0] =	vst.idx.add.f32.msk $0xffff, v1  }
0x14e: {  	v4 =	vld [tilespmem:s18+$0xFFFFFEB0];
	v3 =	vshrl.u32 v3, $0x11  }
0x14f: {  	[tilespmem:v2+s12+$0x0] =	vst.idx.add.f32.msk $0xffff, v1  }
0x150: {  	v2 =	vshrl.u32 v5, $0x11;
	v5 =	vld [tilespmem:s18+$0xFFFFFF30];
	_ =	sdelay $0x2  }
0x151: {  	v4 =	vshrl.u32 v4, $0x11;
	[tilespmem:v3+s12+$0x0] =	vst.idx.add.f32.msk $0xffff, v1  }
0x152: {  	v3 =	vld [tilespmem:s18+$0xFFFFFE40]  }
0x153: {  	[tilespmem:v2+s12+$0x0] =	vst.idx.add.f32.msk $0xffff, v1;
	v2 =	vshrl.u32 v5, $0x11  }
0x154: {  	v5 =	vld [tilespmem:s18+$0xFFFFFFD0];
	_ =	sdelay $0x1  }
0x155: {  	[tilespmem:v4+s12+$0x0] =	vst.idx.add.f32.msk $0xffff, v1  }
0x156: {  	v4 =	vld [tilespmem:s18+$0xFFFFFEC0];
	v3 =	vshrl.u32 v3, $0x11  }
0x157: {  	[tilespmem:v2+s12+$0x0] =	vst.idx.add.f32.msk $0xffff, v1  }
0x158: {  	v2 =	vshrl.u32 v5, $0x11;
	v5 =	vld [tilespmem:s18+$0xFFFFFF40];
	_ =	sdelay $0x2  }
0x159: {  	v4 =	vshrl.u32 v4, $0x11;
	[tilespmem:v3+s12+$0x0] =	vst.idx.add.f32.msk $0xffff, v1  }
0x15a: {  	v3 =	vld [tilespmem:s18+$0xFFFFFE50]  }
0x15b: {  	[tilespmem:v2+s12+$0x0] =	vst.idx.add.f32.msk $0xffff, v1;
	v2 =	vshrl.u32 v5, $0x11;
	_ =	sdelay $0x1  }
0x15c: {  	v5 =	vld [tilespmem:s18+$0xFFFFFFE0]  }
0x15d: {  	[tilespmem:v4+s12+$0x0] =	vst.idx.add.f32.msk $0xffff, v1  }
0x15e: {  	v6 =	vld [tilespmem:s18+$0xFFFFFED0]  }
0x15f: {  	v3 =	vshrl.u32 v3, $0x11;
	[tilespmem:v2+s12+$0x0] =	vst.idx.add.f32.msk $0xffff, v1  }
0x160: {  	v4 =	vld [tilespmem:s18+$0xFFFFFF50]  }
0x161: {  	v2 =	vshrl.u32 v5, $0x11;
	_ =	sdelay $0x2  }
0x162: {  	s19 =	simm.s32 $0x0;
	s20 =	simm.s32 $0x2BF0;
	[tilespmem:v3+s12+$0x0] =	vst.idx.add.f32.msk $0xffff, v1;
	v3 =	vshrl.u32 v6, $0x11  }
.LBB2_10:
0x163: {  	v5 =	vld [tilespmem:s20+$0xFFFFFF90];
	s19 =	sadd.s32 $0x4, s19;
	v4 =	vshrl.u32 v4, $0x11  }
0x164: {  	p2 =	slt.u32 s19, $0x4C;
	[tilespmem:v2+s12+$0x0] =	vst.idx.add.f32.msk $0xffff, v1  }
0x165: {  	v2 =	vld [tilespmem:s18+$0xFFFFFFF0]  }
0x166: {  	v6 =	vld [tilespmem:s20+$0xFFFFFE90]  }
0x167: {  	v7 =	vld [tilespmem:s20+$0xFFFFFF10]  }
0x168: {  	v8 =	vld [tilespmem:s20+$0xFFFFFE10];
	v5 =	vshrl.u32 v5, $0x11  }
0x169: {  	[tilespmem:v3+s12+$0x0] =	vst.idx.add.f32.msk $0xffff, v1  }
0x16a: {  	[tilespmem:v4+s12+$0x0] =	vst.idx.add.f32.msk $0xffff, v1;
	v2 =	vshrl.u32 v2, $0x11  }
0x16b: {  	v3 =	vshrl.u32 v6, $0x11;
	v4 =	vld [tilespmem:s18+$0xFFFFFE60]  }
0x16c: {  	v6 =	vshrl.u32 v7, $0x11;
	v7 =	vld [tilespmem:s18+$0xFFFFFEE0]  }
0x16d: {  	v8 =	vshrl.u32 v8, $0x11;
	[tilespmem:v5+s12+$0x0] =	vst.idx.add.f32.msk $0xffff, v1  }
0x16e: {  	v5 =	vld [tilespmem:s20+$0xFFFFFFA0]  }
0x16f: {  	[tilespmem:v2+s12+$0x0] =	vst.idx.add.f32.msk $0xffff, v1  }
0x170: {  	v2 =	vshrl.u32 v4, $0x11;
	v4 =	vld [tilespmem:s18+$0x0]  }
0x171: {  	[tilespmem:v3+s12+$0x0] =	vst.idx.add.f32.msk $0xffff, v1;
	v3 =	vshrl.u32 v7, $0x11  }
0x172: {  	[tilespmem:v8+s12+$0x0] =	vst.idx.add.f32.msk $0xffff, v1  }
0x173: {  	[tilespmem:v6+s12+$0x0] =	vst.idx.add.f32.msk $0xffff, v1;
	v5 =	vshrl.u32 v5, $0x11  }
0x174: {  	v6 =	vld [tilespmem:s20+$0xFFFFFE20]  }
0x175: {  	v7 =	vld [tilespmem:s20+$0xFFFFFEA0];
	v4 =	vshrl.u32 v4, $0x11  }
0x176: {  	v8 =	vld [tilespmem:s20+$0xFFFFFF20]  }
0x177: {  	v9 =	vld [tilespmem:s18+$0xFFFFFF60]  }
0x178: {  	[tilespmem:v5+s12+$0x0] =	vst.idx.add.f32.msk $0xffff, v1  }
0x179: {  	v5 =	vshrl.u32 v6, $0x11;
	v6 =	vld [tilespmem:s20+$0xFFFFFFB0]  }
0x17a: {  	v7 =	vshrl.u32 v7, $0x11;
	[tilespmem:v4+s12+$0x0] =	vst.idx.add.f32.msk $0xffff, v1  }
0x17b: {  	v4 =	vshrl.u32 v8, $0x11;
	[tilespmem:v2+s12+$0x0] =	vst.idx.add.f32.msk $0xffff, v1  }
0x17c: {  	[tilespmem:v3+s12+$0x0] =	vst.idx.add.f32.msk $0xffff, v1;
	v2 =	vshrl.u32 v9, $0x11  }
0x17d: {  	v3 =	vld [tilespmem:s18+$0xFFFFFE70]  }
0x17e: {  	[tilespmem:v5+s12+$0x0] =	vst.idx.add.f32.msk $0xffff, v1;
	v5 =	vshrl.u32 v6, $0x11  }
0x17f: {  	[tilespmem:v7+s12+$0x0] =	vst.idx.add.f32.msk $0xffff, v1  }
0x180: {  	[tilespmem:v4+s12+$0x0] =	vst.idx.add.f32.msk $0xffff, v1  }
0x181: {  	v4 =	vld [tilespmem:s20+$0xFFFFFE30]  }
0x182: {  	v6 =	vld [tilespmem:s20+$0xFFFFFEB0];
	v3 =	vshrl.u32 v3, $0x11  }
0x183: {  	[tilespmem:v5+s12+$0x0] =	vst.idx.add.f32.msk $0xffff, v1  }
0x184: {  	v5 =	vld [tilespmem:s20+$0xFFFFFFC0]  }
0x185: {  	v7 =	vld [tilespmem:s20+$0xFFFFFF30]  }
0x186: {  	v4 =	vshrl.u32 v4, $0x11;
	[tilespmem:v2+s12+$0x0] =	vst.idx.add.f32.msk $0xffff, v1  }
0x187: {  	v2 =	vshrl.u32 v6, $0x11;
	v6 =	vld [tilespmem:s18+$0xFFFFFEF0]  }
0x188: {  	v8 =	vld [tilespmem:s18+$0xFFFFFF70]  }
0x189: {  	v5 =	vshrl.u32 v5, $0x11;
	[tilespmem:v3+s12+$0x0] =	vst.idx.add.f32.msk $0xffff, v1  }
0x18a: {  	v3 =	vshrl.u32 v7, $0x11;
	v7 =	vld [tilespmem:s18+$0xFFFFFE80]  }
0x18b: {  	[tilespmem:v4+s12+$0x0] =	vst.idx.add.f32.msk $0xffff, v1  }
0x18c: {  	[tilespmem:v2+s12+$0x0] =	vst.idx.add.f32.msk $0xffff, v1;
	v2 =	vshrl.u32 v6, $0x11  }
0x18d: {  	v4 =	vld [tilespmem:s20+$0xFFFFFE40];
	v6 =	vshrl.u32 v8, $0x11  }
0x18e: {  	[tilespmem:v5+s12+$0x0] =	vst.idx.add.f32.msk $0xffff, v1  }
0x18f: {  	v5 =	vld [tilespmem:s20+$0xFFFFFFD0];
	v7 =	vshrl.u32 v7, $0x11  }
0x190: {  	[tilespmem:v3+s12+$0x0] =	vst.idx.add.f32.msk $0xffff, v1  }
0x191: {  	v3 =	vld [tilespmem:s20+$0xFFFFFEC0]  }
0x192: {  	v4 =	vshrl.u32 v4, $0x11;
	v8 =	vld [tilespmem:s20+$0xFFFFFF40]  }
0x193: {  	[tilespmem:v2+s12+$0x0] =	vst.idx.add.f32.msk $0xffff, v1  }
0x194: {  	v2 =	vshrl.u32 v5, $0x11;
	[tilespmem:v6+s12+$0x0] =	vst.idx.add.f32.msk $0xffff, v1  }
0x195: {  	v5 =	vld [tilespmem:s18+$0xFFFFFF00]  }
0x196: {  	v3 =	vshrl.u32 v3, $0x11;
	v6 =	vld [tilespmem:s18+$0xFFFFFF80];
	s18 =	smov.u32 s20  }
0x197: {  	[tilespmem:v4+s12+$0x0] =	vst.idx.add.f32.msk $0xffff, v1;
	v4 =	vshrl.u32 v8, $0x11  }
0x198: {  	v8 =	vld [tilespmem:s20+$0xFFFFFE50]  }
0x199: {  	[tilespmem:v2+s12+$0x0] =	vst.idx.add.f32.msk $0xffff, v1  }
0x19a: {  	v2 =	vld [tilespmem:s20+$0xFFFFFFE0];
	v5 =	vshrl.u32 v5, $0x11  }
0x19b: {  	[tilespmem:v3+s12+$0x0] =	vst.idx.add.f32.msk $0xffff, v1;
	v3 =	vshrl.u32 v6, $0x11  }
0x19c: {  	[tilespmem:v4+s12+$0x0] =	vst.idx.add.f32.msk $0xffff, v1  }
0x19d: {  	v6 =	vshrl.u32 v8, $0x11;
	v8 =	vld [tilespmem:s20+$0xFFFFFED0]  }
.Ltmp8:
0x19e: {  	v4 =	vld [tilespmem:s20+$0xFFFFFF50];
	(pc) =	sbr.rel @p2 .LBB2_10-.Ltmp8, $4  }
0x19f: {  	v2 =	vshrl.u32 v2, $0x11;
	[tilespmem:v7+s12+$0x0] =	vst.idx.add.f32.msk $0xffff, v1  }
0x1a0: {  	[tilespmem:v5+s12+$0x0] =	vst.idx.add.f32.msk $0xffff, v1  }
0x1a1: {  	[tilespmem:v3+s12+$0x0] =	vst.idx.add.f32.msk $0xffff, v1  }
0x1a2: {  	s20 =	sadd.s32 $0x200, s20;
	[tilespmem:v6+s12+$0x0] =	vst.idx.add.f32.msk $0xffff, v1;
	v3 =	vshrl.u32 v8, $0x11  }
0x1a3: {  	_ =	sdelay $0x1  }
0x1a4: {  	v4 =	vshrl.u32 v4, $0x11;
	_ =	sdelay $0x1  }
0x1a5: {  	[tilespmem:v3+s12+$0x0] =	vst.idx.add.f32.msk $0xffff, v1  }
0x1a6: {  	v3 =	vld [tilespmem:s18+$0xFFFFFE60]  }
0x1a7: {  	v5 =	vld [tilespmem:s18+$0xFFFFFEE0]  }
0x1a8: {  	[tilespmem:v4+s12+$0x0] =	vst.idx.add.f32.msk $0xffff, v1  }
0x1a9: {  	v4 =	vld [tilespmem:s18+$0xFFFFFF60];
	_ =	sdelay $0x1  }
0x1aa: {  	v3 =	vshrl.u32 v3, $0x11  }
0x1ab: {  	v5 =	vshrl.u32 v5, $0x11;
	_ =	sdelay $0x1  }
0x1ac: {  	[tilespmem:v2+s12+$0x0] =	vst.idx.add.f32.msk $0xffff, v1;
	v2 =	vshrl.u32 v4, $0x11  }
0x1ad: {  	v60 =	vld [tilespmem:s18+$0xFFFFFFF0]  }
0x1ae: {  	[tilespmem:v3+s12+$0x0] =	vst.idx.add.f32.msk $0xffff, v1  }
0x1af: {  	[tilespmem:v5+s12+$0x0] =	vst.idx.add.f32.msk $0xffff, v1  }
0x1b0: {  	v3 =	vld [tilespmem:s18+$0xFFFFFE70]  }
0x1b1: {  	[tilespmem:v2+s12+$0x0] =	vst.idx.add.f32.msk $0xffff, v1  }
0x1b2: {  	v2 =	vld [tilespmem:s18+$0xFFFFFEF0]  }
0x1b3: {  	v4 =	vshrl.u32 v60, $0x11;
	v61 =	vld [tilespmem:s18+$0xFFFFFF70];
	_ =	sdelay $0x1  }
0x1b4: {  	v3 =	vshrl.u32 v3, $0x11;
	_ =	sdelay $0x1  }
0x1b5: {  	v2 =	vshrl.u32 v2, $0x11  }
0x1b6: {  	[tilespmem:v4+s12+$0x0] =	vst.idx.add.f32.msk $0xffff, v1;
	v62 =	vshrl.u32 v61, $0x11  }
0x1b7: {  	v63 =	vld [tilespmem:s18+$0x0]  }
0x1b8: {  	[tilespmem:v3+s12+$0x0] =	vst.idx.add.f32.msk $0xffff, v1  }
0x1b9: {  	v3 =	vld [tilespmem:s18+$0xFFFFFE80]  }
0x1ba: {  	[tilespmem:v2+s12+$0x0] =	vst.idx.add.f32.msk $0xffff, v1  }
0x1bb: {  	[tilespmem:v62+s12+$0x0] =	vst.idx.add.f32.msk $0xffff, v1  }
0x1bc: {  	v2 =	vld [tilespmem:s18+$0xFFFFFF00]  }
0x1bd: {  	v4 =	vld [tilespmem:s18+$0xFFFFFF80];
	_ =	sdelay $0x1  }
0x1be: {  	v5 =	vshrl.u32 v63, $0x11  }
0x1bf: {  	v3 =	vshrl.u32 v3, $0x11  }
0x1c0: {  	v2 =	vshrl.u32 v2, $0x11  }
0x1c1: {  	v4 =	vshrl.u32 v4, $0x11  }
0x1c2: {  	s17 =	sadd.s32 $0x3, s17  }
.Ltmp9:
0x1c3: {  	p2 =	sge.s32 s17, s5;
	[tilespmem:v5+s12+$0x0] =	vst.idx.add.f32.msk $0xffff, v1;
	(pc) =	sbr.rel .LBB2_12-.Ltmp9, $4  }
0x1c4: {  	s17 =	sadd.s32 @!p2 s4, s17;
	[tilespmem:v3+s12+$0x0] =	vst.idx.add.f32.msk $0xffff, v1  }
0x1c5: {  	s19 =	simm.s32 @!p2 $0x61C00;
	s17 =	sshll.u32 @!p2 s17, $0x7;
	[tilespmem:v2+s12+$0x0] =	vst.idx.add.f32.msk $0xffff, v1  }
0x1c6: {  	s20 =	simm.s32 @!p2 $0x2800;
	s17 =	sadd.s32 @!p2 s3, s17;
	s18 =	simm.s32 @!p2 $0x400;
	[tilespmem:v4+s12+$0x0] =	vst.idx.add.f32.msk $0xffff, v1  }
0x1c7: {  	[tilespmem:s20], [sflag:$0x2] =	stream.strided.gather @!p2 [hbm4b:s17+s18], $0x2800, s19, s18, $0x38;
	[tilespmem:$0x9000] =	vst v63  }
.LBB2_14:
0x1c8: {  	_ =	sfence.sel $0x180000  }
0x1c9: {  	[bflag:$0x0] =	sbarrier.arrive $0xFFFF  }
0x1ca: {  	p0 =	sne.s32 s0, $0x0;
	_ =	strace $0x9000004A  }
0x1cb: {  	s0 =	sadd.s32 @!p0 $0x100000, s1;
	[bflag:$0x2] =	sbarrier.arrive $0xFFFF  }
0x1cc: {  	[sflag:s0] =	ssyncadd.tile.s32 @!p0 $0x1;
	_ =	shalt  }
.Lfunc_end2:
_tile_overlayer_lowered:
.L_overlay_start_2:
0x1cd: {  	(tag) =	ssettag $0x2  }
0x1ce: {  	s0 =	rddreg [dreg:$0x0];
	s2 =	stileid.u32  }
0x1cf: {  	s1 =	rddreg [dreg:$0x1];
	p0 =	sne.s32 s2, $0x0  }
0x1d0: {  	s3 =	rddreg [dreg:$0x2];
	[bflag:$0x3] =	sbarrier.arrive $0xFFFF;
	s2 =	simm.s32 @!p0 $0x1C03  }
0x1d1: {  	[timem:s3], [sflag:s2] =	dma.local @!p0 [hbm:s0], s1  }
0x1d2: {  	s0 =	simm.s32 @!p0 $0x3  }
0x1d3: {  	_ =	swait.ge @!p0 [sflag:s0], s1  }
0x1d4: {  	s1 =	ssub.s32 @!p0 $0x0, s1;
	[sflag:s0] =	ssyncset.done @!p0 $0x0  }
0x1d5: {  	[sflag:s0] =	ssyncadd.s32 @!p0 s1  }
0x1d6: {  	[bflag:$0x3] =	sbarrier.arrive $0xFFFF  }
0x1d7: {  	_ =	shalt  }

</sc_bundles>
